<compile_context>
chip_gen: v7x
topology: tpu7x:2x2x1
jax: 0.10.2.dev20260603
libtpu: 0.0.44.dev20260713+nightly
codegen_flags: <defaults>
</compile_context>

<pallas_src>
import functools

import jax
import jax.numpy as jnp
from jax import lax
from jax.experimental import pallas as pl
from jax.experimental.pallas import tpu as pltpu
from jax.experimental.pallas import tpu_sc as plsc

N_NODES = 10000
N_EDGES = 320000
CH = 128

NC, NS, L = 2, 16, 16
NW = NC * NS
N_PAD = 10240
E_PAD = 327680
EPT = E_PAD // NW
K = 128
N_CHUNKS = EPT // K
SPT = N_PAD // NS

NBUF = 2
D = 1
ISLOTS = 4
IL = 3
BODYN = 4

N0 = 132
N1 = 160 - N0
assert N0 % BODYN == 0 and N1 % BODYN == 0
assert NS * (N0 + N1) * K == E_PAD

ROW_BLK = 1024
N_BLKS = N_PAD // ROW_BLK


@functools.cache
def _sc_kernels():
    mesh = plsc.VectorSubcoreMesh(core_axis_name="c", subcore_axis_name="s",
                                  num_cores=NC, num_subcores=NS)


    @functools.partial(
        pl.kernel,
        out_type=jax.ShapeDtypeStruct((NW, N_PAD), jnp.float32),
        mesh=mesh,
        scratch_types=[
            pltpu.VMEM((N_PAD,), jnp.float32),
            pltpu.VMEM((EPT,), jnp.int32),
        ],
        compiler_params=pltpu.CompilerParams(needs_layout_passes=False),
    )
    def deg_kernel(dst_hbm, out_hbm, hist_v, idx_v):
        cid = lax.axis_index("c")
        sid = lax.axis_index("s")
        wid = sid * NC + cid
        zeros = jnp.zeros((L,), jnp.float32)
        ones = jnp.ones((L,), jnp.float32)

        def zero_body(i, carry):
            hist_v[pl.ds(i * L, L)] = zeros
            return carry
        lax.fori_loop(0, N_PAD // L, zero_body, 0, unroll=8)

        pltpu.sync_copy(dst_hbm.at[pl.ds(wid * EPT, EPT)], idx_v)

        def hist_body(i, carry):
            idx = idx_v[pl.ds(i * L, L)]
            plsc.addupdate_scatter(hist_v, [idx], ones)
            return carry
        lax.fori_loop(0, EPT // L, hist_body, 0, unroll=8)

        pltpu.sync_copy(hist_v, out_hbm.at[wid])


    @functools.partial(
        pl.kernel,
        out_type=jax.ShapeDtypeStruct((NC, N_PAD, CH), jnp.float32),
        mesh=mesh,
        scratch_types=[
            pltpu.VMEM((ISLOTS, 2, K), jnp.int32),
            pltpu.VMEM((NBUF, K, CH), jnp.float32),
            pltpu.VMEM_SHARED((N_PAD, CH), jnp.float32),
            pltpu.SemaphoreType.DMA((ISLOTS,)),
            pltpu.SemaphoreType.DMA((NBUF,)),
            pltpu.SemaphoreType.DMA((NBUF,)),
        ],
    )
    def scatter_kernel(sd_hbm, y_hbm, out_hbm,
                       sdv, rows, acc_sh, isem, gsem, ssem):
        cid = lax.axis_index("c")
        sid = lax.axis_index("s")
        cbase = jnp.where(cid == 0, sid * N0, NS * N0 + sid * N1)
        nch = jnp.where(cid == 0, N0, N1)

        def idx_copy(c, s):
            return pltpu.make_async_copy(
                sd_hbm.at[cbase + c], sdv.at[s], isem.at[s])

        for c in range(IL):
            idx_copy(c, c % ISLOTS).start()

        zeros = jnp.zeros((L,), jnp.float32)

        def zb(i, carry):
            rows[0, i // (CH // L), pl.ds((i % (CH // L)) * L, L)] = zeros
            return carry
        lax.fori_loop(0, K * (CH // L), zb, 0, unroll=8)

        def zcopy(j, carry):
            pltpu.sync_copy(rows.at[0],
                            acc_sh.at[pl.ds(sid * SPT + j * K, K)])
            return carry
        lax.fori_loop(0, SPT // K, zcopy, 0)

        plsc.subcore_barrier()

        def gather_copy(r, s):
            return pltpu.make_async_copy(
                y_hbm.at[sdv.at[s, 0]], rows.at[r], gsem.at[r])

        def scatter_copy(r, s):
            return pltpu.make_async_copy(
                rows.at[r], acc_sh.at[sdv.at[s, 1]], ssem.at[r])

        for c in range(D):
            idx_copy(c, c % ISLOTS).wait()
            gather_copy(c % NBUF, c % ISLOTS).start()

        def step(c, j):
            r, s = j % NBUF, j % ISLOTS
            gather_copy(r, s).wait()
            scatter_copy(r, s).start(add=True)

            @pl.when(c - (NBUF - D) >= 0)
            def _():
                scatter_copy((j + D) % NBUF, (j + D) % ISLOTS).wait()

            @pl.when(c + D < nch)
            def _():
                idx_copy(c + D, (j + D) % ISLOTS).wait()
                gather_copy((j + D) % NBUF, (j + D) % ISLOTS).start()

            @pl.when(c + IL < nch)
            def _():
                idx_copy(c + IL, (j + IL) % ISLOTS).start()

        def block(t, carry):
            for j in range(BODYN):
                step(t * BODYN + j, j)
            return carry
        lax.fori_loop(0, nch // BODYN, block, 0)

        for i in range(NBUF - D):
            c = BODYN - (NBUF - D) + i
            scatter_copy(c % NBUF, c % ISLOTS).wait()

        plsc.subcore_barrier()

        pltpu.sync_copy(acc_sh.at[pl.ds(sid * SPT, SPT)],
                        out_hbm.at[cid].at[pl.ds(sid * SPT, SPT)])

    return deg_kernel, scatter_kernel



def _y_body(x_ref, w_ref, p_ref, y_ref):
    deg = 1.0 + jnp.sum(p_ref[...], axis=0)
    dinv = lax.rsqrt(deg)
    xw = jnp.dot(x_ref[...], w_ref[...], preferred_element_type=jnp.float32)
    y_ref[...] = xw * dinv[:, None]


_y_call = pl.pallas_call(
    _y_body,
    out_shape=jax.ShapeDtypeStruct((N_PAD, CH), jnp.float32),
    grid=(N_BLKS,),
    in_specs=[
        pl.BlockSpec((ROW_BLK, CH), lambda i: (i, 0)),
        pl.BlockSpec((CH, CH), lambda i: (0, 0)),
        pl.BlockSpec((NW, ROW_BLK), lambda i: (0, i)),
    ],
    out_specs=pl.BlockSpec((ROW_BLK, CH), lambda i: (i, 0)),
)



def _out_body(a_ref, y_ref, p_ref, b_ref, o_ref):
    deg = 1.0 + jnp.sum(p_ref[...], axis=0)
    dinv = lax.rsqrt(deg)
    s = a_ref[0] + a_ref[1] + y_ref[...]
    o_ref[...] = jnp.maximum(s * dinv[:, None] + b_ref[...], 0.0)


_out_call = pl.pallas_call(
    _out_body,
    out_shape=jax.ShapeDtypeStruct((N_PAD, CH), jnp.float32),
    grid=(N_BLKS,),
    in_specs=[
        pl.BlockSpec((NC, ROW_BLK, CH), lambda i: (0, i, 0)),
        pl.BlockSpec((ROW_BLK, CH), lambda i: (i, 0)),
        pl.BlockSpec((NW, ROW_BLK), lambda i: (0, i)),
        pl.BlockSpec((1, CH), lambda i: (0, 0)),
    ],
    out_specs=pl.BlockSpec((ROW_BLK, CH), lambda i: (i, 0)),
)


def kernel(x, edge_index, W, b):
    deg_kernel, scatter_kernel = _sc_kernels()
    src = edge_index[0].astype(jnp.int32)
    dst = edge_index[1].astype(jnp.int32)
    pad = jnp.full((E_PAD - N_EDGES,), N_PAD - 1, jnp.int32)
    src_p = jnp.concatenate([src, pad])
    dst_p = jnp.concatenate([dst, pad])
    x_p = jnp.pad(x, ((0, N_PAD - N_NODES), (0, 0)))

    partials = deg_kernel(dst_p)
    y = _y_call(x_p, W, partials)
    sd = jnp.stack([src_p.reshape(E_PAD // K, K),
                    dst_p.reshape(E_PAD // K, K)], axis=1)
    acc = scatter_kernel(sd, y)
    out = _out_call(acc, y, partials, b.reshape(1, CH))
    return out[:N_NODES]

# --- scband reference (transcript-rebuilt; emitter-appended) ---
"""Pipeline reference for scband-gcn-34007551050523 (READ-ONLY COPY).

The authoritative reference and input builder live on the scoring server;
editing this copy changes nothing except your own understanding.
"""

import jax, jax.numpy as jnp
import numpy as np

N_NODES = 10000
N_EDGES = 320000
IN_CH = 128
OUT_CH = 128

def setup_inputs(seed: int = 0) -> dict:
    key = jax.random.key(seed)
    k1, k2, k3, k4 = jax.random.split(key, 4)
    x = jax.random.normal(k1, (N_NODES, IN_CH), dtype=jnp.float32)
    edge_index = jax.random.randint(k2, (2, N_EDGES), 0, N_NODES, dtype=jnp.int64)
    # GCNConv linear weight (glorot) and zero bias, stored as [in, out]
    scale = jnp.sqrt(6.0 / (IN_CH + OUT_CH))
    W = jax.random.uniform(k3, (IN_CH, OUT_CH), dtype=jnp.float32, minval=-scale, maxval=scale)
    b = jnp.zeros((OUT_CH,), dtype=jnp.float32)
    return {"x": x, "edge_index": edge_index, "W": W, "b": b}

def reference(x, edge_index, W, b):
    N = x.shape[0]
    # add self loops (PyG GCNConv default add_self_loops=True)
    loop = jnp.arange(N, dtype=edge_index.dtype)
    src = jnp.concatenate([edge_index[0], loop])
    dst = jnp.concatenate([edge_index[1], loop])
    # symmetric normalization: deg computed over destination nodes, edge_weight=1
    deg = jnp.zeros((N,), dtype=x.dtype).at[dst].add(1.0)
    deg_inv_sqrt = jnp.where(deg > 0, jax.lax.rsqrt(deg), 0.0)
    norm = deg_inv_sqrt[src] * deg_inv_sqrt[dst]
    # linear transform first, then propagate
    xw = x @ W
    msg = xw[src] * norm[:, None]
    out = jnp.zeros((N, xw.shape[1]), dtype=x.dtype).at[dst].add(msg)
    out = out + b
    return jax.nn.relu(out)

if __name__ == "__main__":
    import jax
    _d = setup_inputs()
    print(jax.jit(kernel)(*tuple(_d.values())))

</pallas_src>

<mosaic_0001>
#map = affine_map<(d0, d1) -> (0)>
#map1 = affine_map<(d0, d1) -> (0, 0)>
module attributes {stable_mosaic.version = 14 : i64} {
  func.func @deg_kernel(%arg0: i32, %arg1: i32, %arg2: memref<327680xi32, #tpu.memory_space<hbm>>, %arg3: memref<32x10240xf32, #tpu.memory_space<hbm>>, %arg4: memref<10240xf32, #tpu.memory_space<vmem>>, %arg5: memref<10240xi32, #tpu.memory_space<vmem>>) attributes {dimension_semantics = [#tpu.dimension_semantics<core_parallel>, #tpu.dimension_semantics<subcore_parallel>], iteration_bounds = array<i64: 2, 16>, scalar_prefetch = 0 : i64, scratch_operands = 2 : i64, tpu.core_type = #tpu.core_type<sc_vector_subcore>, window_params = [{transform_indices = #map}, {transform_indices = #map1}]} {
    %mul3A = arith.constant 2 : i32
    %mul3A_0 = arith.muli %arg1, %mul3A : i32
    %add3A = arith.addi %mul3A_0, %arg0 : i32
    %broadcast_in_dim3A = arith.constant 0.000000e+00 : f32
    %broadcast_in_dim3A_1 = vector.broadcast %broadcast_in_dim3A : f32 to vector<16xf32>
    %broadcast_in_dim3A_2 = arith.constant 1.000000e+00 : f32
    %broadcast_in_dim3A_3 = vector.broadcast %broadcast_in_dim3A_2 : f32 to vector<16xf32>
    %scan3A = arith.constant 0 : i32
    %scan3A_4 = arith.constant 0 : i32
    %scan3A_5 = arith.constant 640 : i32
    %scan3A_6 = arith.addi %scan3A_4, %scan3A_5 : i32
    %scan3A_7 = arith.constant 8 : i32
    scf.for %scan3A_17 = %scan3A_4 to %scan3A_6 step %scan3A_7  : i32 {
      %mul3A_18 = arith.constant 16 : i32
      %mul3A_19 = arith.muli %scan3A_17, %mul3A_18 : i32
      %swap3A = arith.index_cast %mul3A_19 : i32 to index
      %swap3A_20 = tpu.vector_load %arg4[%swap3A] {strides = array<i32>} : memref<10240xf32, #tpu.memory_space<vmem>>, vector<16xf32>,
      tpu.vector_store %arg4[%swap3A], %broadcast_in_dim3A_1 {strides = array<i32>} : memref<10240xf32, #tpu.memory_space<vmem>>, vector<16xf32>,
      %scan3A_21 = arith.constant 1 : i32
      %scan3A_22 = arith.addi %scan3A_17, %scan3A_21 : i32
      %mul3A_23 = arith.constant 16 : i32
      %mul3A_24 = arith.muli %scan3A_22, %mul3A_23 : i32
      %swap3A_25 = arith.index_cast %mul3A_24 : i32 to index
      %swap3A_26 = tpu.vector_load %arg4[%swap3A_25] {strides = array<i32>} : memref<10240xf32, #tpu.memory_space<vmem>>, vector<16xf32>,
      tpu.vector_store %arg4[%swap3A_25], %broadcast_in_dim3A_1 {strides = array<i32>} : memref<10240xf32, #tpu.memory_space<vmem>>, vector<16xf32>,
      %scan3A_27 = arith.constant 2 : i32
      %scan3A_28 = arith.addi %scan3A_17, %scan3A_27 : i32
      %mul3A_29 = arith.constant 16 : i32
      %mul3A_30 = arith.muli %scan3A_28, %mul3A_29 : i32
      %swap3A_31 = arith.index_cast %mul3A_30 : i32 to index
      %swap3A_32 = tpu.vector_load %arg4[%swap3A_31] {strides = array<i32>} : memref<10240xf32, #tpu.memory_space<vmem>>, vector<16xf32>,
      tpu.vector_store %arg4[%swap3A_31], %broadcast_in_dim3A_1 {strides = array<i32>} : memref<10240xf32, #tpu.memory_space<vmem>>, vector<16xf32>,
      %scan3A_33 = arith.constant 3 : i32
      %scan3A_34 = arith.addi %scan3A_17, %scan3A_33 : i32
      %mul3A_35 = arith.constant 16 : i32
      %mul3A_36 = arith.muli %scan3A_34, %mul3A_35 : i32
      %swap3A_37 = arith.index_cast %mul3A_36 : i32 to index
      %swap3A_38 = tpu.vector_load %arg4[%swap3A_37] {strides = array<i32>} : memref<10240xf32, #tpu.memory_space<vmem>>, vector<16xf32>,
      tpu.vector_store %arg4[%swap3A_37], %broadcast_in_dim3A_1 {strides = array<i32>} : memref<10240xf32, #tpu.memory_space<vmem>>, vector<16xf32>,
      %scan3A_39 = arith.constant 4 : i32
      %scan3A_40 = arith.addi %scan3A_17, %scan3A_39 : i32
      %mul3A_41 = arith.constant 16 : i32
      %mul3A_42 = arith.muli %scan3A_40, %mul3A_41 : i32
      %swap3A_43 = arith.index_cast %mul3A_42 : i32 to index
      %swap3A_44 = tpu.vector_load %arg4[%swap3A_43] {strides = array<i32>} : memref<10240xf32, #tpu.memory_space<vmem>>, vector<16xf32>,
      tpu.vector_store %arg4[%swap3A_43], %broadcast_in_dim3A_1 {strides = array<i32>} : memref<10240xf32, #tpu.memory_space<vmem>>, vector<16xf32>,
      %scan3A_45 = arith.constant 5 : i32
      %scan3A_46 = arith.addi %scan3A_17, %scan3A_45 : i32
      %mul3A_47 = arith.constant 16 : i32
      %mul3A_48 = arith.muli %scan3A_46, %mul3A_47 : i32
      %swap3A_49 = arith.index_cast %mul3A_48 : i32 to index
      %swap3A_50 = tpu.vector_load %arg4[%swap3A_49] {strides = array<i32>} : memref<10240xf32, #tpu.memory_space<vmem>>, vector<16xf32>,
      tpu.vector_store %arg4[%swap3A_49], %broadcast_in_dim3A_1 {strides = array<i32>} : memref<10240xf32, #tpu.memory_space<vmem>>, vector<16xf32>,
      %scan3A_51 = arith.constant 6 : i32
      %scan3A_52 = arith.addi %scan3A_17, %scan3A_51 : i32
      %mul3A_53 = arith.constant 16 : i32
      %mul3A_54 = arith.muli %scan3A_52, %mul3A_53 : i32
      %swap3A_55 = arith.index_cast %mul3A_54 : i32 to index
      %swap3A_56 = tpu.vector_load %arg4[%swap3A_55] {strides = array<i32>} : memref<10240xf32, #tpu.memory_space<vmem>>, vector<16xf32>,
      tpu.vector_store %arg4[%swap3A_55], %broadcast_in_dim3A_1 {strides = array<i32>} : memref<10240xf32, #tpu.memory_space<vmem>>, vector<16xf32>,
      %scan3A_57 = arith.constant 7 : i32
      %scan3A_58 = arith.addi %scan3A_17, %scan3A_57 : i32
      %mul3A_59 = arith.constant 16 : i32
      %mul3A_60 = arith.muli %scan3A_58, %mul3A_59 : i32
      %swap3A_61 = arith.index_cast %mul3A_60 : i32 to index
      %swap3A_62 = tpu.vector_load %arg4[%swap3A_61] {strides = array<i32>} : memref<10240xf32, #tpu.memory_space<vmem>>, vector<16xf32>,
      tpu.vector_store %arg4[%swap3A_61], %broadcast_in_dim3A_1 {strides = array<i32>} : memref<10240xf32, #tpu.memory_space<vmem>>, vector<16xf32>,
    }
    %scan3A_8 = arith.constant 640 : i32
    %mul3A_9 = arith.constant 10240 : i32
    %mul3A_10 = arith.muli %add3A, %mul3A_9 : i32
    "tpu.region"() ({
      %run_scoped3A = tpu.sem_alloc : memref<!tpu.dma_semaphore, #tpu.memory_space<semaphore_mem>>
      %dma_start3A = tpu.memref_slice %arg2[%mul3A_10] : memref<327680xi32, #tpu.memory_space<hbm>> -> memref<10240xi32, #tpu.memory_space<hbm>>
      %dma_start3A_17 = tpu.memref_slice %arg2[%mul3A_10] : memref<327680xi32, #tpu.memory_space<hbm>> -> memref<10240xi32, #tpu.memory_space<hbm>>
      tpu.enqueue_dma source(%dma_start3A_17 : memref<10240xi32, #tpu.memory_space<hbm>>) target(%arg5 : memref<10240xi32, #tpu.memory_space<vmem>>) target_semaphore(%run_scoped3A : memref<!tpu.dma_semaphore, #tpu.memory_space<semaphore_mem>>)
      %dma_wait3A = tpu.memref_slice %arg2[%mul3A_10] : memref<327680xi32, #tpu.memory_space<hbm>> -> memref<10240xi32, #tpu.memory_space<hbm>>
      %dma_wait3A_18 = tpu.memref_slice %arg2[%mul3A_10] : memref<327680xi32, #tpu.memory_space<hbm>> -> memref<10240xi32, #tpu.memory_space<hbm>>
      tpu.wait_dma2 semaphore(%run_scoped3A : memref<!tpu.dma_semaphore, #tpu.memory_space<semaphore_mem>>) src(%dma_wait3A_18 : memref<10240xi32, #tpu.memory_space<hbm>>) dst(%arg5 : memref<10240xi32, #tpu.memory_space<vmem>>)
      tpu.yield
    }) : () -> ()
    %scan3A_11 = arith.constant 0 : i32
    %scan3A_12 = arith.constant 0 : i32
    %scan3A_13 = arith.constant 640 : i32
    %scan3A_14 = arith.addi %scan3A_12, %scan3A_13 : i32
    %scan3A_15 = arith.constant 8 : i32
    scf.for %scan3A_17 = %scan3A_12 to %scan3A_14 step %scan3A_15  : i32 {
      %mul3A_18 = arith.constant 16 : i32
      %mul3A_19 = arith.muli %scan3A_17, %mul3A_18 : i32
      %get3A = arith.index_cast %mul3A_19 : i32 to index
      %get3A_20 = tpu.vector_load %arg5[%get3A] {strides = array<i32>} : memref<10240xi32, #tpu.memory_space<vmem>>, vector<16xi32>,
      tpu.vector_store_idx %arg4[%get3A_20], %broadcast_in_dim3A_3 {add = true} : memref<10240xf32, #tpu.memory_space<vmem>>[vector<16xi32>], vector<16xf32>,
      %scan3A_21 = arith.constant 1 : i32
      %scan3A_22 = arith.addi %scan3A_17, %scan3A_21 : i32
      %mul3A_23 = arith.constant 16 : i32
      %mul3A_24 = arith.muli %scan3A_22, %mul3A_23 : i32
      %get3A_25 = arith.index_cast %mul3A_24 : i32 to index
      %get3A_26 = tpu.vector_load %arg5[%get3A_25] {strides = array<i32>} : memref<10240xi32, #tpu.memory_space<vmem>>, vector<16xi32>,
      tpu.vector_store_idx %arg4[%get3A_26], %broadcast_in_dim3A_3 {add = true} : memref<10240xf32, #tpu.memory_space<vmem>>[vector<16xi32>], vector<16xf32>,
      %scan3A_27 = arith.constant 2 : i32
      %scan3A_28 = arith.addi %scan3A_17, %scan3A_27 : i32
      %mul3A_29 = arith.constant 16 : i32
      %mul3A_30 = arith.muli %scan3A_28, %mul3A_29 : i32
      %get3A_31 = arith.index_cast %mul3A_30 : i32 to index
      %get3A_32 = tpu.vector_load %arg5[%get3A_31] {strides = array<i32>} : memref<10240xi32, #tpu.memory_space<vmem>>, vector<16xi32>,
      tpu.vector_store_idx %arg4[%get3A_32], %broadcast_in_dim3A_3 {add = true} : memref<10240xf32, #tpu.memory_space<vmem>>[vector<16xi32>], vector<16xf32>,
      %scan3A_33 = arith.constant 3 : i32
      %scan3A_34 = arith.addi %scan3A_17, %scan3A_33 : i32
      %mul3A_35 = arith.constant 16 : i32
      %mul3A_36 = arith.muli %scan3A_34, %mul3A_35 : i32
      %get3A_37 = arith.index_cast %mul3A_36 : i32 to index
      %get3A_38 = tpu.vector_load %arg5[%get3A_37] {strides = array<i32>} : memref<10240xi32, #tpu.memory_space<vmem>>, vector<16xi32>,
      tpu.vector_store_idx %arg4[%get3A_38], %broadcast_in_dim3A_3 {add = true} : memref<10240xf32, #tpu.memory_space<vmem>>[vector<16xi32>], vector<16xf32>,
      %scan3A_39 = arith.constant 4 : i32
      %scan3A_40 = arith.addi %scan3A_17, %scan3A_39 : i32
      %mul3A_41 = arith.constant 16 : i32
      %mul3A_42 = arith.muli %scan3A_40, %mul3A_41 : i32
      %get3A_43 = arith.index_cast %mul3A_42 : i32 to index
      %get3A_44 = tpu.vector_load %arg5[%get3A_43] {strides = array<i32>} : memref<10240xi32, #tpu.memory_space<vmem>>, vector<16xi32>,
      tpu.vector_store_idx %arg4[%get3A_44], %broadcast_in_dim3A_3 {add = true} : memref<10240xf32, #tpu.memory_space<vmem>>[vector<16xi32>], vector<16xf32>,
      %scan3A_45 = arith.constant 5 : i32
      %scan3A_46 = arith.addi %scan3A_17, %scan3A_45 : i32
      %mul3A_47 = arith.constant 16 : i32
      %mul3A_48 = arith.muli %scan3A_46, %mul3A_47 : i32
      %get3A_49 = arith.index_cast %mul3A_48 : i32 to index
      %get3A_50 = tpu.vector_load %arg5[%get3A_49] {strides = array<i32>} : memref<10240xi32, #tpu.memory_space<vmem>>, vector<16xi32>,
      tpu.vector_store_idx %arg4[%get3A_50], %broadcast_in_dim3A_3 {add = true} : memref<10240xf32, #tpu.memory_space<vmem>>[vector<16xi32>], vector<16xf32>,
      %scan3A_51 = arith.constant 6 : i32
      %scan3A_52 = arith.addi %scan3A_17, %scan3A_51 : i32
      %mul3A_53 = arith.constant 16 : i32
      %mul3A_54 = arith.muli %scan3A_52, %mul3A_53 : i32
      %get3A_55 = arith.index_cast %mul3A_54 : i32 to index
      %get3A_56 = tpu.vector_load %arg5[%get3A_55] {strides = array<i32>} : memref<10240xi32, #tpu.memory_space<vmem>>, vector<16xi32>,
      tpu.vector_store_idx %arg4[%get3A_56], %broadcast_in_dim3A_3 {add = true} : memref<10240xf32, #tpu.memory_space<vmem>>[vector<16xi32>], vector<16xf32>,
      %scan3A_57 = arith.constant 7 : i32
      %scan3A_58 = arith.addi %scan3A_17, %scan3A_57 : i32
      %mul3A_59 = arith.constant 16 : i32
      %mul3A_60 = arith.muli %scan3A_58, %mul3A_59 : i32
      %get3A_61 = arith.index_cast %mul3A_60 : i32 to index
      %get3A_62 = tpu.vector_load %arg5[%get3A_61] {strides = array<i32>} : memref<10240xi32, #tpu.memory_space<vmem>>, vector<16xi32>,
      tpu.vector_store_idx %arg4[%get3A_62], %broadcast_in_dim3A_3 {add = true} : memref<10240xf32, #tpu.memory_space<vmem>>[vector<16xi32>], vector<16xf32>,
    }
    %scan3A_16 = arith.constant 640 : i32
    "tpu.region"() ({
      %run_scoped3A = tpu.sem_alloc : memref<!tpu.dma_semaphore, #tpu.memory_space<semaphore_mem>>
      %dma_start3A = arith.constant 0 : i32
      %dma_start3A_17 = tpu.memref_slice %arg3[%add3A, %dma_start3A] : memref<32x10240xf32, #tpu.memory_space<hbm>> -> memref<1x10240xf32, #tpu.memory_space<hbm>>
      %dma_start3A_18 = tpu.memref_squeeze %dma_start3A_17 : memref<1x10240xf32, #tpu.memory_space<hbm>> -> memref<10240xf32, #tpu.memory_space<hbm>>
      %dma_start3A_19 = arith.constant 0 : i32
      %dma_start3A_20 = tpu.memref_slice %arg3[%add3A, %dma_start3A_19] : memref<32x10240xf32, #tpu.memory_space<hbm>> -> memref<1x10240xf32, #tpu.memory_space<hbm>>
      %dma_start3A_21 = tpu.memref_squeeze %dma_start3A_20 : memref<1x10240xf32, #tpu.memory_space<hbm>> -> memref<10240xf32, #tpu.memory_space<hbm>>
      tpu.enqueue_dma source(%arg4 : memref<10240xf32, #tpu.memory_space<vmem>>) target(%dma_start3A_21 : memref<10240xf32, #tpu.memory_space<hbm>>) target_semaphore(%run_scoped3A : memref<!tpu.dma_semaphore, #tpu.memory_space<semaphore_mem>>)
      %dma_wait3A = arith.constant 0 : i32
      %dma_wait3A_22 = tpu.memref_slice %arg3[%add3A, %dma_wait3A] : memref<32x10240xf32, #tpu.memory_space<hbm>> -> memref<1x10240xf32, #tpu.memory_space<hbm>>
      %dma_wait3A_23 = tpu.memref_squeeze %dma_wait3A_22 : memref<1x10240xf32, #tpu.memory_space<hbm>> -> memref<10240xf32, #tpu.memory_space<hbm>>
      %dma_wait3A_24 = arith.constant 0 : i32
      %dma_wait3A_25 = tpu.memref_slice %arg3[%add3A, %dma_wait3A_24] : memref<32x10240xf32, #tpu.memory_space<hbm>> -> memref<1x10240xf32, #tpu.memory_space<hbm>>
      %dma_wait3A_26 = tpu.memref_squeeze %dma_wait3A_25 : memref<1x10240xf32, #tpu.memory_space<hbm>> -> memref<10240xf32, #tpu.memory_space<hbm>>
      tpu.wait_dma2 semaphore(%run_scoped3A : memref<!tpu.dma_semaphore, #tpu.memory_space<semaphore_mem>>) src(%arg4 : memref<10240xf32, #tpu.memory_space<vmem>>) dst(%dma_wait3A_26 : memref<10240xf32, #tpu.memory_space<hbm>>)
      tpu.yield
    }) : () -> ()
    return
  }
}

#map = affine_map<(d0, d1) -> (0, 0, 0)>
#map1 = affine_map<(d0, d1) -> (0, 0)>
module attributes {stable_mosaic.version = 14 : i64} {
  func.func @scatter_kernel(%arg0: i32, %arg1: i32, %arg2: memref<2560x2x128xi32, #tpu.memory_space<hbm>>, %arg3: memref<10240x128xf32, #tpu.memory_space<hbm>>, %arg4: memref<2x10240x128xf32, #tpu.memory_space<hbm>>, %arg5: memref<4x2x128xi32, #tpu.memory_space<vmem>>, %arg6: memref<2x128x128xf32, #tpu.memory_space<vmem>>, %arg7: memref<10240x128xf32, #tpu.memory_space<vmem_shared>>, %arg8: memref<4x!tpu.dma_semaphore, #tpu.memory_space<semaphore_mem>>, %arg9: memref<2x!tpu.dma_semaphore, #tpu.memory_space<semaphore_mem>>, %arg10: memref<2x!tpu.dma_semaphore, #tpu.memory_space<semaphore_mem>>) attributes {dimension_semantics = [#tpu.dimension_semantics<core_parallel>, #tpu.dimension_semantics<subcore_parallel>], iteration_bounds = array<i64: 2, 16>, scalar_prefetch = 0 : i64, scratch_operands = 6 : i64, tpu.core_type = #tpu.core_type<sc_vector_subcore>, window_params = [{transform_indices = #map}, {transform_indices = #map1}, {transform_indices = #map}]} {
    %eq3A = arith.constant 0 : i32
    %eq3A_0 = arith.cmpi eq, %arg0, %eq3A : i32
    %mul3A = arith.constant 132 : i32
    %mul3A_1 = arith.muli %arg1, %mul3A : i32
    %mul3A_2 = arith.constant 28 : i32
    %mul3A_3 = arith.muli %arg1, %mul3A_2 : i32
    %add3A = arith.constant 2112 : i32
    %add3A_4 = arith.addi %add3A, %mul3A_3 : i32
    %select_n3A = arith.select %eq3A_0, %mul3A_1, %add3A_4 : i32
    %eq3A_5 = arith.constant 0 : i32
    %eq3A_6 = arith.cmpi eq, %arg0, %eq3A_5 : i32
    %jit3A = arith.constant 132 : i32
    %jit3A_7 = arith.constant 28 : i32
    %select_n3A_8 = arith.select %eq3A_6, %jit3A, %jit3A_7 : i32
    %add3A_9 = arith.constant 0 : i32
    %add3A_10 = arith.addi %select_n3A, %add3A_9 : i32
    %dma_start3A = arith.constant 0 : i32
    %dma_start3A_11 = arith.constant 0 : i32
    %dma_start3A_12 = arith.constant 0 : i32
    %dma_start3A_13 = arith.constant 0 : i32
    %dma_start3A_14 = tpu.memref_slice %arg5[%dma_start3A, %dma_start3A_12, %dma_start3A_13] : memref<4x2x128xi32, #tpu.memory_space<vmem>> -> memref<1x2x128xi32, #tpu.memory_space<vmem>>
    %dma_start3A_15 = tpu.memref_squeeze %dma_start3A_14 : memref<1x2x128xi32, #tpu.memory_space<vmem>> -> memref<2x128xi32, #tpu.memory_space<vmem>>
    %dma_start3A_16 = arith.constant 0 : i32
    %dma_start3A_17 = arith.constant 0 : i32
    %dma_start3A_18 = tpu.memref_slice %arg2[%add3A_10, %dma_start3A_16, %dma_start3A_17] : memref<2560x2x128xi32, #tpu.memory_space<hbm>> -> memref<1x2x128xi32, #tpu.memory_space<hbm>>
    %dma_start3A_19 = tpu.memref_squeeze %dma_start3A_18 : memref<1x2x128xi32, #tpu.memory_space<hbm>> -> memref<2x128xi32, #tpu.memory_space<hbm>>
    %dma_start3A_20 = tpu.memref_slice %arg8[%dma_start3A_11] : memref<4x!tpu.dma_semaphore, #tpu.memory_space<semaphore_mem>> -> memref<1x!tpu.dma_semaphore, #tpu.memory_space<semaphore_mem>>
    %dma_start3A_21 = tpu.memref_squeeze %dma_start3A_20 : memref<1x!tpu.dma_semaphore, #tpu.memory_space<semaphore_mem>> -> memref<!tpu.dma_semaphore, #tpu.memory_space<semaphore_mem>>
    %dma_start3A_22 = arith.constant 0 : i32
    %dma_start3A_23 = arith.constant 0 : i32
    %dma_start3A_24 = tpu.memref_slice %arg5[%dma_start3A, %dma_start3A_22, %dma_start3A_23] : memref<4x2x128xi32, #tpu.memory_space<vmem>> -> memref<1x2x128xi32, #tpu.memory_space<vmem>>
    %dma_start3A_25 = tpu.memref_squeeze %dma_start3A_24 : memref<1x2x128xi32, #tpu.memory_space<vmem>> -> memref<2x128xi32, #tpu.memory_space<vmem>>
    %dma_start3A_26 = arith.constant 0 : i32
    %dma_start3A_27 = arith.constant 0 : i32
    %dma_start3A_28 = tpu.memref_slice %arg2[%add3A_10, %dma_start3A_26, %dma_start3A_27] : memref<2560x2x128xi32, #tpu.memory_space<hbm>> -> memref<1x2x128xi32, #tpu.memory_space<hbm>>
    %dma_start3A_29 = tpu.memref_squeeze %dma_start3A_28 : memref<1x2x128xi32, #tpu.memory_space<hbm>> -> memref<2x128xi32, #tpu.memory_space<hbm>>
    tpu.enqueue_dma source(%dma_start3A_29 : memref<2x128xi32, #tpu.memory_space<hbm>>) target(%dma_start3A_25 : memref<2x128xi32, #tpu.memory_space<vmem>>) target_semaphore(%dma_start3A_21 : memref<!tpu.dma_semaphore, #tpu.memory_space<semaphore_mem>>)
    %add3A_30 = arith.constant 1 : i32
    %add3A_31 = arith.addi %select_n3A, %add3A_30 : i32
    %dma_start3A_32 = arith.constant 1 : i32
    %dma_start3A_33 = arith.constant 1 : i32
    %dma_start3A_34 = arith.constant 0 : i32
    %dma_start3A_35 = arith.constant 0 : i32
    %dma_start3A_36 = tpu.memref_slice %arg5[%dma_start3A_32, %dma_start3A_34, %dma_start3A_35] : memref<4x2x128xi32, #tpu.memory_space<vmem>> -> memref<1x2x128xi32, #tpu.memory_space<vmem>>
    %dma_start3A_37 = tpu.memref_squeeze %dma_start3A_36 : memref<1x2x128xi32, #tpu.memory_space<vmem>> -> memref<2x128xi32, #tpu.memory_space<vmem>>
    %dma_start3A_38 = arith.constant 0 : i32
    %dma_start3A_39 = arith.constant 0 : i32
    %dma_start3A_40 = tpu.memref_slice %arg2[%add3A_31, %dma_start3A_38, %dma_start3A_39] : memref<2560x2x128xi32, #tpu.memory_space<hbm>> -> memref<1x2x128xi32, #tpu.memory_space<hbm>>
    %dma_start3A_41 = tpu.memref_squeeze %dma_start3A_40 : memref<1x2x128xi32, #tpu.memory_space<hbm>> -> memref<2x128xi32, #tpu.memory_space<hbm>>
    %dma_start3A_42 = tpu.memref_slice %arg8[%dma_start3A_33] : memref<4x!tpu.dma_semaphore, #tpu.memory_space<semaphore_mem>> -> memref<1x!tpu.dma_semaphore, #tpu.memory_space<semaphore_mem>>
    %dma_start3A_43 = tpu.memref_squeeze %dma_start3A_42 : memref<1x!tpu.dma_semaphore, #tpu.memory_space<semaphore_mem>> -> memref<!tpu.dma_semaphore, #tpu.memory_space<semaphore_mem>>
    %dma_start3A_44 = arith.constant 0 : i32
    %dma_start3A_45 = arith.constant 0 : i32
    %dma_start3A_46 = tpu.memref_slice %arg5[%dma_start3A_32, %dma_start3A_44, %dma_start3A_45] : memref<4x2x128xi32, #tpu.memory_space<vmem>> -> memref<1x2x128xi32, #tpu.memory_space<vmem>>
    %dma_start3A_47 = tpu.memref_squeeze %dma_start3A_46 : memref<1x2x128xi32, #tpu.memory_space<vmem>> -> memref<2x128xi32, #tpu.memory_space<vmem>>
    %dma_start3A_48 = arith.constant 0 : i32
    %dma_start3A_49 = arith.constant 0 : i32
    %dma_start3A_50 = tpu.memref_slice %arg2[%add3A_31, %dma_start3A_48, %dma_start3A_49] : memref<2560x2x128xi32, #tpu.memory_space<hbm>> -> memref<1x2x128xi32, #tpu.memory_space<hbm>>
    %dma_start3A_51 = tpu.memref_squeeze %dma_start3A_50 : memref<1x2x128xi32, #tpu.memory_space<hbm>> -> memref<2x128xi32, #tpu.memory_space<hbm>>
    tpu.enqueue_dma source(%dma_start3A_51 : memref<2x128xi32, #tpu.memory_space<hbm>>) target(%dma_start3A_47 : memref<2x128xi32, #tpu.memory_space<vmem>>) target_semaphore(%dma_start3A_43 : memref<!tpu.dma_semaphore, #tpu.memory_space<semaphore_mem>>)
    %add3A_52 = arith.constant 2 : i32
    %add3A_53 = arith.addi %select_n3A, %add3A_52 : i32
    %dma_start3A_54 = arith.constant 2 : i32
    %dma_start3A_55 = arith.constant 2 : i32
    %dma_start3A_56 = arith.constant 0 : i32
    %dma_start3A_57 = arith.constant 0 : i32
    %dma_start3A_58 = tpu.memref_slice %arg5[%dma_start3A_54, %dma_start3A_56, %dma_start3A_57] : memref<4x2x128xi32, #tpu.memory_space<vmem>> -> memref<1x2x128xi32, #tpu.memory_space<vmem>>
    %dma_start3A_59 = tpu.memref_squeeze %dma_start3A_58 : memref<1x2x128xi32, #tpu.memory_space<vmem>> -> memref<2x128xi32, #tpu.memory_space<vmem>>
    %dma_start3A_60 = arith.constant 0 : i32
    %dma_start3A_61 = arith.constant 0 : i32
    %dma_start3A_62 = tpu.memref_slice %arg2[%add3A_53, %dma_start3A_60, %dma_start3A_61] : memref<2560x2x128xi32, #tpu.memory_space<hbm>> -> memref<1x2x128xi32, #tpu.memory_space<hbm>>
    %dma_start3A_63 = tpu.memref_squeeze %dma_start3A_62 : memref<1x2x128xi32, #tpu.memory_space<hbm>> -> memref<2x128xi32, #tpu.memory_space<hbm>>
    %dma_start3A_64 = tpu.memref_slice %arg8[%dma_start3A_55] : memref<4x!tpu.dma_semaphore, #tpu.memory_space<semaphore_mem>> -> memref<1x!tpu.dma_semaphore, #tpu.memory_space<semaphore_mem>>
    %dma_start3A_65 = tpu.memref_squeeze %dma_start3A_64 : memref<1x!tpu.dma_semaphore, #tpu.memory_space<semaphore_mem>> -> memref<!tpu.dma_semaphore, #tpu.memory_space<semaphore_mem>>
    %dma_start3A_66 = arith.constant 0 : i32
    %dma_start3A_67 = arith.constant 0 : i32
    %dma_start3A_68 = tpu.memref_slice %arg5[%dma_start3A_54, %dma_start3A_66, %dma_start3A_67] : memref<4x2x128xi32, #tpu.memory_space<vmem>> -> memref<1x2x128xi32, #tpu.memory_space<vmem>>
    %dma_start3A_69 = tpu.memref_squeeze %dma_start3A_68 : memref<1x2x128xi32, #tpu.memory_space<vmem>> -> memref<2x128xi32, #tpu.memory_space<vmem>>
    %dma_start3A_70 = arith.constant 0 : i32
    %dma_start3A_71 = arith.constant 0 : i32
    %dma_start3A_72 = tpu.memref_slice %arg2[%add3A_53, %dma_start3A_70, %dma_start3A_71] : memref<2560x2x128xi32, #tpu.memory_space<hbm>> -> memref<1x2x128xi32, #tpu.memory_space<hbm>>
    %dma_start3A_73 = tpu.memref_squeeze %dma_start3A_72 : memref<1x2x128xi32, #tpu.memory_space<hbm>> -> memref<2x128xi32, #tpu.memory_space<hbm>>
    tpu.enqueue_dma source(%dma_start3A_73 : memref<2x128xi32, #tpu.memory_space<hbm>>) target(%dma_start3A_69 : memref<2x128xi32, #tpu.memory_space<vmem>>) target_semaphore(%dma_start3A_65 : memref<!tpu.dma_semaphore, #tpu.memory_space<semaphore_mem>>)
    %broadcast_in_dim3A = arith.constant 0.000000e+00 : f32
    %broadcast_in_dim3A_74 = vector.broadcast %broadcast_in_dim3A : f32 to vector<16xf32>
    %scan3A = arith.constant 0 : i32
    %scan3A_75 = arith.constant 0 : i32
    %scan3A_76 = arith.constant 1024 : i32
    %scan3A_77 = arith.addi %scan3A_75, %scan3A_76 : i32
    %scan3A_78 = arith.constant 8 : i32
    scf.for %scan3A_171 = %scan3A_75 to %scan3A_77 step %scan3A_78  : i32 {
      %jit3A_172 = arith.constant 8 : i32
      %div3A_173 = arith.divsi %scan3A_171, %jit3A_172 : i32
      %sign3A_174 = arith.constant 0 : i32
      %sign3A_175 = arith.cmpi sgt, %scan3A_171, %sign3A_174 : i32
      %sign3A_176 = arith.extui %sign3A_175 : i1 to i32
      %sign3A_177 = arith.constant 0 : i32
      %sign3A_178 = arith.cmpi slt, %scan3A_171, %sign3A_177 : i32
      %sign3A_179 = arith.extui %sign3A_178 : i1 to i32
      %sign3A_180 = arith.subi %sign3A_176, %sign3A_179 : i32
      %sign3A_181 = arith.constant 0 : i32
      %sign3A_182 = arith.cmpi sgt, %jit3A_172, %sign3A_181 : i32
      %sign3A_183 = arith.extui %sign3A_182 : i1 to i32
      %sign3A_184 = arith.constant 0 : i32
      %sign3A_185 = arith.cmpi slt, %jit3A_172, %sign3A_184 : i32
      %sign3A_186 = arith.extui %sign3A_185 : i1 to i32
      %sign3A_187 = arith.subi %sign3A_183, %sign3A_186 : i32
      %ne3A_188 = arith.cmpi ne, %sign3A_180, %sign3A_187 : i32
      %rem3A_189 = arith.remsi %scan3A_171, %jit3A_172 : i32
      %ne3A_190 = arith.constant 0 : i32
      %ne3A_191 = arith.cmpi ne, %rem3A_189, %ne3A_190 : i32
      %and3A_192 = arith.andi %ne3A_188, %ne3A_191 : i1
      %sub3A_193 = arith.constant 1 : i32
      %sub3A_194 = arith.subi %div3A_173, %sub3A_193 : i32
      %select_n3A_195 = arith.select %and3A_192, %sub3A_194, %div3A_173 : i32
      %jit3A_196 = arith.constant 8 : i32
      %eq3A_197 = arith.constant 0 : i32
      %eq3A_198 = arith.cmpi eq, %jit3A_196, %eq3A_197 : i32
      %jit3A_199 = arith.constant 1 : i32
      %select_n3A_200 = arith.select %eq3A_198, %jit3A_199, %jit3A_196 : i32
      %rem3A_201 = arith.remsi %scan3A_171, %select_n3A_200 : i32
      %ne3A_202 = arith.constant 0 : i32
      %ne3A_203 = arith.cmpi ne, %rem3A_201, %ne3A_202 : i32
      %lt3A = arith.constant 0 : i32
      %lt3A_204 = arith.cmpi slt, %rem3A_201, %lt3A : i32
      %lt3A_205 = arith.constant 0 : i32
      %lt3A_206 = arith.cmpi slt, %select_n3A_200, %lt3A_205 : i32
      %ne3A_207 = arith.xori %lt3A_204, %lt3A_206 : i1
      %and3A_208 = arith.andi %ne3A_207, %ne3A_203 : i1
      %add3A_209 = arith.addi %rem3A_201, %select_n3A_200 : i32
      %select_n3A_210 = arith.select %and3A_208, %add3A_209, %rem3A_201 : i32
      %mul3A_211 = arith.constant 16 : i32
      %mul3A_212 = arith.muli %select_n3A_210, %mul3A_211 : i32
      %swap3A = arith.constant 0 : i32
      %swap3A_213 = arith.index_cast %swap3A : i32 to index
      %swap3A_214 = arith.index_cast %select_n3A_195 : i32 to index
      %swap3A_215 = arith.index_cast %mul3A_212 : i32 to index
      %swap3A_216 = tpu.vector_load %arg6[%swap3A_213, %swap3A_214, %swap3A_215] {strides = array<i32>} : memref<2x128x128xf32, #tpu.memory_space<vmem>>, vector<1x1x16xf32>,
      %swap3A_217 = vector.shape_cast %swap3A_216 : vector<1x1x16xf32> to vector<16xf32>
      %swap3A_218 = vector.shape_cast %broadcast_in_dim3A_74 : vector<16xf32> to vector<1x1x16xf32>
      tpu.vector_store %arg6[%swap3A_213, %swap3A_214, %swap3A_215], %swap3A_218 {strides = array<i32>} : memref<2x128x128xf32, #tpu.memory_space<vmem>>, vector<1x1x16xf32>,
      %scan3A_219 = arith.constant 1 : i32
      %scan3A_220 = arith.addi %scan3A_171, %scan3A_219 : i32
      %jit3A_221 = arith.constant 8 : i32
      %div3A_222 = arith.divsi %scan3A_220, %jit3A_221 : i32
      %sign3A_223 = arith.constant 0 : i32
      %sign3A_224 = arith.cmpi sgt, %scan3A_220, %sign3A_223 : i32
      %sign3A_225 = arith.extui %sign3A_224 : i1 to i32
      %sign3A_226 = arith.constant 0 : i32
      %sign3A_227 = arith.cmpi slt, %scan3A_220, %sign3A_226 : i32
      %sign3A_228 = arith.extui %sign3A_227 : i1 to i32
      %sign3A_229 = arith.subi %sign3A_225, %sign3A_228 : i32
      %sign3A_230 = arith.constant 0 : i32
      %sign3A_231 = arith.cmpi sgt, %jit3A_221, %sign3A_230 : i32
      %sign3A_232 = arith.extui %sign3A_231 : i1 to i32
      %sign3A_233 = arith.constant 0 : i32
      %sign3A_234 = arith.cmpi slt, %jit3A_221, %sign3A_233 : i32
      %sign3A_235 = arith.extui %sign3A_234 : i1 to i32
      %sign3A_236 = arith.subi %sign3A_232, %sign3A_235 : i32
      %ne3A_237 = arith.cmpi ne, %sign3A_229, %sign3A_236 : i32
      %rem3A_238 = arith.remsi %scan3A_220, %jit3A_221 : i32
      %ne3A_239 = arith.constant 0 : i32
      %ne3A_240 = arith.cmpi ne, %rem3A_238, %ne3A_239 : i32
      %and3A_241 = arith.andi %ne3A_237, %ne3A_240 : i1
      %sub3A_242 = arith.constant 1 : i32
      %sub3A_243 = arith.subi %div3A_222, %sub3A_242 : i32
      %select_n3A_244 = arith.select %and3A_241, %sub3A_243, %div3A_222 : i32
      %jit3A_245 = arith.constant 8 : i32
      %eq3A_246 = arith.constant 0 : i32
      %eq3A_247 = arith.cmpi eq, %jit3A_245, %eq3A_246 : i32
      %jit3A_248 = arith.constant 1 : i32
      %select_n3A_249 = arith.select %eq3A_247, %jit3A_248, %jit3A_245 : i32
      %rem3A_250 = arith.remsi %scan3A_220, %select_n3A_249 : i32
      %ne3A_251 = arith.constant 0 : i32
      %ne3A_252 = arith.cmpi ne, %rem3A_250, %ne3A_251 : i32
      %lt3A_253 = arith.constant 0 : i32
      %lt3A_254 = arith.cmpi slt, %rem3A_250, %lt3A_253 : i32
      %lt3A_255 = arith.constant 0 : i32
      %lt3A_256 = arith.cmpi slt, %select_n3A_249, %lt3A_255 : i32
      %ne3A_257 = arith.xori %lt3A_254, %lt3A_256 : i1
      %and3A_258 = arith.andi %ne3A_257, %ne3A_252 : i1
      %add3A_259 = arith.addi %rem3A_250, %select_n3A_249 : i32
      %select_n3A_260 = arith.select %and3A_258, %add3A_259, %rem3A_250 : i32
      %mul3A_261 = arith.constant 16 : i32
      %mul3A_262 = arith.muli %select_n3A_260, %mul3A_261 : i32
      %swap3A_263 = arith.constant 0 : i32
      %swap3A_264 = arith.index_cast %swap3A_263 : i32 to index
      %swap3A_265 = arith.index_cast %select_n3A_244 : i32 to index
      %swap3A_266 = arith.index_cast %mul3A_262 : i32 to index
      %swap3A_267 = tpu.vector_load %arg6[%swap3A_264, %swap3A_265, %swap3A_266] {strides = array<i32>} : memref<2x128x128xf32, #tpu.memory_space<vmem>>, vector<1x1x16xf32>,
      %swap3A_268 = vector.shape_cast %swap3A_267 : vector<1x1x16xf32> to vector<16xf32>
      %swap3A_269 = vector.shape_cast %broadcast_in_dim3A_74 : vector<16xf32> to vector<1x1x16xf32>
      tpu.vector_store %arg6[%swap3A_264, %swap3A_265, %swap3A_266], %swap3A_269 {strides = array<i32>} : memref<2x128x128xf32, #tpu.memory_space<vmem>>, vector<1x1x16xf32>,
      %scan3A_270 = arith.constant 2 : i32
      %scan3A_271 = arith.addi %scan3A_171, %scan3A_270 : i32
      %jit3A_272 = arith.constant 8 : i32
      %div3A_273 = arith.divsi %scan3A_271, %jit3A_272 : i32
      %sign3A_274 = arith.constant 0 : i32
      %sign3A_275 = arith.cmpi sgt, %scan3A_271, %sign3A_274 : i32
      %sign3A_276 = arith.extui %sign3A_275 : i1 to i32
      %sign3A_277 = arith.constant 0 : i32
      %sign3A_278 = arith.cmpi slt, %scan3A_271, %sign3A_277 : i32
      %sign3A_279 = arith.extui %sign3A_278 : i1 to i32
      %sign3A_280 = arith.subi %sign3A_276, %sign3A_279 : i32
      %sign3A_281 = arith.constant 0 : i32
      %sign3A_282 = arith.cmpi sgt, %jit3A_272, %sign3A_281 : i32
      %sign3A_283 = arith.extui %sign3A_282 : i1 to i32
      %sign3A_284 = arith.constant 0 : i32
      %sign3A_285 = arith.cmpi slt, %jit3A_272, %sign3A_284 : i32
      %sign3A_286 = arith.extui %sign3A_285 : i1 to i32
      %sign3A_287 = arith.subi %sign3A_283, %sign3A_286 : i32
      %ne3A_288 = arith.cmpi ne, %sign3A_280, %sign3A_287 : i32
      %rem3A_289 = arith.remsi %scan3A_271, %jit3A_272 : i32
      %ne3A_290 = arith.constant 0 : i32
      %ne3A_291 = arith.cmpi ne, %rem3A_289, %ne3A_290 : i32
      %and3A_292 = arith.andi %ne3A_288, %ne3A_291 : i1
      %sub3A_293 = arith.constant 1 : i32
      %sub3A_294 = arith.subi %div3A_273, %sub3A_293 : i32
      %select_n3A_295 = arith.select %and3A_292, %sub3A_294, %div3A_273 : i32
      %jit3A_296 = arith.constant 8 : i32
      %eq3A_297 = arith.constant 0 : i32
      %eq3A_298 = arith.cmpi eq, %jit3A_296, %eq3A_297 : i32
      %jit3A_299 = arith.constant 1 : i32
      %select_n3A_300 = arith.select %eq3A_298, %jit3A_299, %jit3A_296 : i32
      %rem3A_301 = arith.remsi %scan3A_271, %select_n3A_300 : i32
      %ne3A_302 = arith.constant 0 : i32
      %ne3A_303 = arith.cmpi ne, %rem3A_301, %ne3A_302 : i32
      %lt3A_304 = arith.constant 0 : i32
      %lt3A_305 = arith.cmpi slt, %rem3A_301, %lt3A_304 : i32
      %lt3A_306 = arith.constant 0 : i32
      %lt3A_307 = arith.cmpi slt, %select_n3A_300, %lt3A_306 : i32
      %ne3A_308 = arith.xori %lt3A_305, %lt3A_307 : i1
      %and3A_309 = arith.andi %ne3A_308, %ne3A_303 : i1
      %add3A_310 = arith.addi %rem3A_301, %select_n3A_300 : i32
      %select_n3A_311 = arith.select %and3A_309, %add3A_310, %rem3A_301 : i32
      %mul3A_312 = arith.constant 16 : i32
      %mul3A_313 = arith.muli %select_n3A_311, %mul3A_312 : i32
      %swap3A_314 = arith.constant 0 : i32
      %swap3A_315 = arith.index_cast %swap3A_314 : i32 to index
      %swap3A_316 = arith.index_cast %select_n3A_295 : i32 to index
      %swap3A_317 = arith.index_cast %mul3A_313 : i32 to index
      %swap3A_318 = tpu.vector_load %arg6[%swap3A_315, %swap3A_316, %swap3A_317] {strides = array<i32>} : memref<2x128x128xf32, #tpu.memory_space<vmem>>, vector<1x1x16xf32>,
      %swap3A_319 = vector.shape_cast %swap3A_318 : vector<1x1x16xf32> to vector<16xf32>
      %swap3A_320 = vector.shape_cast %broadcast_in_dim3A_74 : vector<16xf32> to vector<1x1x16xf32>
      tpu.vector_store %arg6[%swap3A_315, %swap3A_316, %swap3A_317], %swap3A_320 {strides = array<i32>} : memref<2x128x128xf32, #tpu.memory_space<vmem>>, vector<1x1x16xf32>,
      %scan3A_321 = arith.constant 3 : i32
      %scan3A_322 = arith.addi %scan3A_171, %scan3A_321 : i32
      %jit3A_323 = arith.constant 8 : i32
      %div3A_324 = arith.divsi %scan3A_322, %jit3A_323 : i32
      %sign3A_325 = arith.constant 0 : i32
      %sign3A_326 = arith.cmpi sgt, %scan3A_322, %sign3A_325 : i32
      %sign3A_327 = arith.extui %sign3A_326 : i1 to i32
      %sign3A_328 = arith.constant 0 : i32
      %sign3A_329 = arith.cmpi slt, %scan3A_322, %sign3A_328 : i32
      %sign3A_330 = arith.extui %sign3A_329 : i1 to i32
      %sign3A_331 = arith.subi %sign3A_327, %sign3A_330 : i32
      %sign3A_332 = arith.constant 0 : i32
      %sign3A_333 = arith.cmpi sgt, %jit3A_323, %sign3A_332 : i32
      %sign3A_334 = arith.extui %sign3A_333 : i1 to i32
      %sign3A_335 = arith.constant 0 : i32
      %sign3A_336 = arith.cmpi slt, %jit3A_323, %sign3A_335 : i32
      %sign3A_337 = arith.extui %sign3A_336 : i1 to i32
      %sign3A_338 = arith.subi %sign3A_334, %sign3A_337 : i32
      %ne3A_339 = arith.cmpi ne, %sign3A_331, %sign3A_338 : i32
      %rem3A_340 = arith.remsi %scan3A_322, %jit3A_323 : i32
      %ne3A_341 = arith.constant 0 : i32
      %ne3A_342 = arith.cmpi ne, %rem3A_340, %ne3A_341 : i32
      %and3A_343 = arith.andi %ne3A_339, %ne3A_342 : i1
      %sub3A_344 = arith.constant 1 : i32
      %sub3A_345 = arith.subi %div3A_324, %sub3A_344 : i32
      %select_n3A_346 = arith.select %and3A_343, %sub3A_345, %div3A_324 : i32
      %jit3A_347 = arith.constant 8 : i32
      %eq3A_348 = arith.constant 0 : i32
      %eq3A_349 = arith.cmpi eq, %jit3A_347, %eq3A_348 : i32
      %jit3A_350 = arith.constant 1 : i32
      %select_n3A_351 = arith.select %eq3A_349, %jit3A_350, %jit3A_347 : i32
      %rem3A_352 = arith.remsi %scan3A_322, %select_n3A_351 : i32
      %ne3A_353 = arith.constant 0 : i32
      %ne3A_354 = arith.cmpi ne, %rem3A_352, %ne3A_353 : i32
      %lt3A_355 = arith.constant 0 : i32
      %lt3A_356 = arith.cmpi slt, %rem3A_352, %lt3A_355 : i32
      %lt3A_357 = arith.constant 0 : i32
      %lt3A_358 = arith.cmpi slt, %select_n3A_351, %lt3A_357 : i32
      %ne3A_359 = arith.xori %lt3A_356, %lt3A_358 : i1
      %and3A_360 = arith.andi %ne3A_359, %ne3A_354 : i1
      %add3A_361 = arith.addi %rem3A_352, %select_n3A_351 : i32
      %select_n3A_362 = arith.select %and3A_360, %add3A_361, %rem3A_352 : i32
      %mul3A_363 = arith.constant 16 : i32
      %mul3A_364 = arith.muli %select_n3A_362, %mul3A_363 : i32
      %swap3A_365 = arith.constant 0 : i32
      %swap3A_366 = arith.index_cast %swap3A_365 : i32 to index
      %swap3A_367 = arith.index_cast %select_n3A_346 : i32 to index
      %swap3A_368 = arith.index_cast %mul3A_364 : i32 to index
      %swap3A_369 = tpu.vector_load %arg6[%swap3A_366, %swap3A_367, %swap3A_368] {strides = array<i32>} : memref<2x128x128xf32, #tpu.memory_space<vmem>>, vector<1x1x16xf32>,
      %swap3A_370 = vector.shape_cast %swap3A_369 : vector<1x1x16xf32> to vector<16xf32>
      %swap3A_371 = vector.shape_cast %broadcast_in_dim3A_74 : vector<16xf32> to vector<1x1x16xf32>
      tpu.vector_store %arg6[%swap3A_366, %swap3A_367, %swap3A_368], %swap3A_371 {strides = array<i32>} : memref<2x128x128xf32, #tpu.memory_space<vmem>>, vector<1x1x16xf32>,
      %scan3A_372 = arith.constant 4 : i32
      %scan3A_373 = arith.addi %scan3A_171, %scan3A_372 : i32
      %jit3A_374 = arith.constant 8 : i32
      %div3A_375 = arith.divsi %scan3A_373, %jit3A_374 : i32
      %sign3A_376 = arith.constant 0 : i32
      %sign3A_377 = arith.cmpi sgt, %scan3A_373, %sign3A_376 : i32
      %sign3A_378 = arith.extui %sign3A_377 : i1 to i32
      %sign3A_379 = arith.constant 0 : i32
      %sign3A_380 = arith.cmpi slt, %scan3A_373, %sign3A_379 : i32
      %sign3A_381 = arith.extui %sign3A_380 : i1 to i32
      %sign3A_382 = arith.subi %sign3A_378, %sign3A_381 : i32
      %sign3A_383 = arith.constant 0 : i32
      %sign3A_384 = arith.cmpi sgt, %jit3A_374, %sign3A_383 : i32
      %sign3A_385 = arith.extui %sign3A_384 : i1 to i32
      %sign3A_386 = arith.constant 0 : i32
      %sign3A_387 = arith.cmpi slt, %jit3A_374, %sign3A_386 : i32
      %sign3A_388 = arith.extui %sign3A_387 : i1 to i32
      %sign3A_389 = arith.subi %sign3A_385, %sign3A_388 : i32
      %ne3A_390 = arith.cmpi ne, %sign3A_382, %sign3A_389 : i32
      %rem3A_391 = arith.remsi %scan3A_373, %jit3A_374 : i32
      %ne3A_392 = arith.constant 0 : i32
      %ne3A_393 = arith.cmpi ne, %rem3A_391, %ne3A_392 : i32
      %and3A_394 = arith.andi %ne3A_390, %ne3A_393 : i1
      %sub3A_395 = arith.constant 1 : i32
      %sub3A_396 = arith.subi %div3A_375, %sub3A_395 : i32
      %select_n3A_397 = arith.select %and3A_394, %sub3A_396, %div3A_375 : i32
      %jit3A_398 = arith.constant 8 : i32
      %eq3A_399 = arith.constant 0 : i32
      %eq3A_400 = arith.cmpi eq, %jit3A_398, %eq3A_399 : i32
      %jit3A_401 = arith.constant 1 : i32
      %select_n3A_402 = arith.select %eq3A_400, %jit3A_401, %jit3A_398 : i32
      %rem3A_403 = arith.remsi %scan3A_373, %select_n3A_402 : i32
      %ne3A_404 = arith.constant 0 : i32
      %ne3A_405 = arith.cmpi ne, %rem3A_403, %ne3A_404 : i32
      %lt3A_406 = arith.constant 0 : i32
      %lt3A_407 = arith.cmpi slt, %rem3A_403, %lt3A_406 : i32
      %lt3A_408 = arith.constant 0 : i32
      %lt3A_409 = arith.cmpi slt, %select_n3A_402, %lt3A_408 : i32
      %ne3A_410 = arith.xori %lt3A_407, %lt3A_409 : i1
      %and3A_411 = arith.andi %ne3A_410, %ne3A_405 : i1
      %add3A_412 = arith.addi %rem3A_403, %select_n3A_402 : i32
      %select_n3A_413 = arith.select %and3A_411, %add3A_412, %rem3A_403 : i32
      %mul3A_414 = arith.constant 16 : i32
      %mul3A_415 = arith.muli %select_n3A_413, %mul3A_414 : i32
      %swap3A_416 = arith.constant 0 : i32
      %swap3A_417 = arith.index_cast %swap3A_416 : i32 to index
      %swap3A_418 = arith.index_cast %select_n3A_397 : i32 to index
      %swap3A_419 = arith.index_cast %mul3A_415 : i32 to index
      %swap3A_420 = tpu.vector_load %arg6[%swap3A_417, %swap3A_418, %swap3A_419] {strides = array<i32>} : memref<2x128x128xf32, #tpu.memory_space<vmem>>, vector<1x1x16xf32>,
      %swap3A_421 = vector.shape_cast %swap3A_420 : vector<1x1x16xf32> to vector<16xf32>
      %swap3A_422 = vector.shape_cast %broadcast_in_dim3A_74 : vector<16xf32> to vector<1x1x16xf32>
      tpu.vector_store %arg6[%swap3A_417, %swap3A_418, %swap3A_419], %swap3A_422 {strides = array<i32>} : memref<2x128x128xf32, #tpu.memory_space<vmem>>, vector<1x1x16xf32>,
      %scan3A_423 = arith.constant 5 : i32
      %scan3A_424 = arith.addi %scan3A_171, %scan3A_423 : i32
      %jit3A_425 = arith.constant 8 : i32
      %div3A_426 = arith.divsi %scan3A_424, %jit3A_425 : i32
      %sign3A_427 = arith.constant 0 : i32
      %sign3A_428 = arith.cmpi sgt, %scan3A_424, %sign3A_427 : i32
      %sign3A_429 = arith.extui %sign3A_428 : i1 to i32
      %sign3A_430 = arith.constant 0 : i32
      %sign3A_431 = arith.cmpi slt, %scan3A_424, %sign3A_430 : i32
      %sign3A_432 = arith.extui %sign3A_431 : i1 to i32
      %sign3A_433 = arith.subi %sign3A_429, %sign3A_432 : i32
      %sign3A_434 = arith.constant 0 : i32
      %sign3A_435 = arith.cmpi sgt, %jit3A_425, %sign3A_434 : i32
      %sign3A_436 = arith.extui %sign3A_435 : i1 to i32
      %sign3A_437 = arith.constant 0 : i32
      %sign3A_438 = arith.cmpi slt, %jit3A_425, %sign3A_437 : i32
      %sign3A_439 = arith.extui %sign3A_438 : i1 to i32
      %sign3A_440 = arith.subi %sign3A_436, %sign3A_439 : i32
      %ne3A_441 = arith.cmpi ne, %sign3A_433, %sign3A_440 : i32
      %rem3A_442 = arith.remsi %scan3A_424, %jit3A_425 : i32
      %ne3A_443 = arith.constant 0 : i32
      %ne3A_444 = arith.cmpi ne, %rem3A_442, %ne3A_443 : i32
      %and3A_445 = arith.andi %ne3A_441, %ne3A_444 : i1
      %sub3A_446 = arith.constant 1 : i32
      %sub3A_447 = arith.subi %div3A_426, %sub3A_446 : i32
      %select_n3A_448 = arith.select %and3A_445, %sub3A_447, %div3A_426 : i32
      %jit3A_449 = arith.constant 8 : i32
      %eq3A_450 = arith.constant 0 : i32
      %eq3A_451 = arith.cmpi eq, %jit3A_449, %eq3A_450 : i32
      %jit3A_452 = arith.constant 1 : i32
      %select_n3A_453 = arith.select %eq3A_451, %jit3A_452, %jit3A_449 : i32
      %rem3A_454 = arith.remsi %scan3A_424, %select_n3A_453 : i32
      %ne3A_455 = arith.constant 0 : i32
      %ne3A_456 = arith.cmpi ne, %rem3A_454, %ne3A_455 : i32
      %lt3A_457 = arith.constant 0 : i32
      %lt3A_458 = arith.cmpi slt, %rem3A_454, %lt3A_457 : i32
      %lt3A_459 = arith.constant 0 : i32
      %lt3A_460 = arith.cmpi slt, %select_n3A_453, %lt3A_459 : i32
      %ne3A_461 = arith.xori %lt3A_458, %lt3A_460 : i1
      %and3A_462 = arith.andi %ne3A_461, %ne3A_456 : i1
      %add3A_463 = arith.addi %rem3A_454, %select_n3A_453 : i32
      %select_n3A_464 = arith.select %and3A_462, %add3A_463, %rem3A_454 : i32
      %mul3A_465 = arith.constant 16 : i32
      %mul3A_466 = arith.muli %select_n3A_464, %mul3A_465 : i32
      %swap3A_467 = arith.constant 0 : i32
      %swap3A_468 = arith.index_cast %swap3A_467 : i32 to index
      %swap3A_469 = arith.index_cast %select_n3A_448 : i32 to index
      %swap3A_470 = arith.index_cast %mul3A_466 : i32 to index
      %swap3A_471 = tpu.vector_load %arg6[%swap3A_468, %swap3A_469, %swap3A_470] {strides = array<i32>} : memref<2x128x128xf32, #tpu.memory_space<vmem>>, vector<1x1x16xf32>,
      %swap3A_472 = vector.shape_cast %swap3A_471 : vector<1x1x16xf32> to vector<16xf32>
      %swap3A_473 = vector.shape_cast %broadcast_in_dim3A_74 : vector<16xf32> to vector<1x1x16xf32>
      tpu.vector_store %arg6[%swap3A_468, %swap3A_469, %swap3A_470], %swap3A_473 {strides = array<i32>} : memref<2x128x128xf32, #tpu.memory_space<vmem>>, vector<1x1x16xf32>,
      %scan3A_474 = arith.constant 6 : i32
      %scan3A_475 = arith.addi %scan3A_171, %scan3A_474 : i32
      %jit3A_476 = arith.constant 8 : i32
      %div3A_477 = arith.divsi %scan3A_475, %jit3A_476 : i32
      %sign3A_478 = arith.constant 0 : i32
      %sign3A_479 = arith.cmpi sgt, %scan3A_475, %sign3A_478 : i32
      %sign3A_480 = arith.extui %sign3A_479 : i1 to i32
      %sign3A_481 = arith.constant 0 : i32
      %sign3A_482 = arith.cmpi slt, %scan3A_475, %sign3A_481 : i32
      %sign3A_483 = arith.extui %sign3A_482 : i1 to i32
      %sign3A_484 = arith.subi %sign3A_480, %sign3A_483 : i32
      %sign3A_485 = arith.constant 0 : i32
      %sign3A_486 = arith.cmpi sgt, %jit3A_476, %sign3A_485 : i32
      %sign3A_487 = arith.extui %sign3A_486 : i1 to i32
      %sign3A_488 = arith.constant 0 : i32
      %sign3A_489 = arith.cmpi slt, %jit3A_476, %sign3A_488 : i32
      %sign3A_490 = arith.extui %sign3A_489 : i1 to i32
      %sign3A_491 = arith.subi %sign3A_487, %sign3A_490 : i32
      %ne3A_492 = arith.cmpi ne, %sign3A_484, %sign3A_491 : i32
      %rem3A_493 = arith.remsi %scan3A_475, %jit3A_476 : i32
      %ne3A_494 = arith.constant 0 : i32
      %ne3A_495 = arith.cmpi ne, %rem3A_493, %ne3A_494 : i32
      %and3A_496 = arith.andi %ne3A_492, %ne3A_495 : i1
      %sub3A_497 = arith.constant 1 : i32
      %sub3A_498 = arith.subi %div3A_477, %sub3A_497 : i32
      %select_n3A_499 = arith.select %and3A_496, %sub3A_498, %div3A_477 : i32
      %jit3A_500 = arith.constant 8 : i32
      %eq3A_501 = arith.constant 0 : i32
      %eq3A_502 = arith.cmpi eq, %jit3A_500, %eq3A_501 : i32
      %jit3A_503 = arith.constant 1 : i32
      %select_n3A_504 = arith.select %eq3A_502, %jit3A_503, %jit3A_500 : i32
      %rem3A_505 = arith.remsi %scan3A_475, %select_n3A_504 : i32
      %ne3A_506 = arith.constant 0 : i32
      %ne3A_507 = arith.cmpi ne, %rem3A_505, %ne3A_506 : i32
      %lt3A_508 = arith.constant 0 : i32
      %lt3A_509 = arith.cmpi slt, %rem3A_505, %lt3A_508 : i32
      %lt3A_510 = arith.constant 0 : i32
      %lt3A_511 = arith.cmpi slt, %select_n3A_504, %lt3A_510 : i32
      %ne3A_512 = arith.xori %lt3A_509, %lt3A_511 : i1
      %and3A_513 = arith.andi %ne3A_512, %ne3A_507 : i1
      %add3A_514 = arith.addi %rem3A_505, %select_n3A_504 : i32
      %select_n3A_515 = arith.select %and3A_513, %add3A_514, %rem3A_505 : i32
      %mul3A_516 = arith.constant 16 : i32
      %mul3A_517 = arith.muli %select_n3A_515, %mul3A_516 : i32
      %swap3A_518 = arith.constant 0 : i32
      %swap3A_519 = arith.index_cast %swap3A_518 : i32 to index
      %swap3A_520 = arith.index_cast %select_n3A_499 : i32 to index
      %swap3A_521 = arith.index_cast %mul3A_517 : i32 to index
      %swap3A_522 = tpu.vector_load %arg6[%swap3A_519, %swap3A_520, %swap3A_521] {strides = array<i32>} : memref<2x128x128xf32, #tpu.memory_space<vmem>>, vector<1x1x16xf32>,
      %swap3A_523 = vector.shape_cast %swap3A_522 : vector<1x1x16xf32> to vector<16xf32>
      %swap3A_524 = vector.shape_cast %broadcast_in_dim3A_74 : vector<16xf32> to vector<1x1x16xf32>
      tpu.vector_store %arg6[%swap3A_519, %swap3A_520, %swap3A_521], %swap3A_524 {strides = array<i32>} : memref<2x128x128xf32, #tpu.memory_space<vmem>>, vector<1x1x16xf32>,
      %scan3A_525 = arith.constant 7 : i32
      %scan3A_526 = arith.addi %scan3A_171, %scan3A_525 : i32
      %jit3A_527 = arith.constant 8 : i32
      %div3A_528 = arith.divsi %scan3A_526, %jit3A_527 : i32
      %sign3A_529 = arith.constant 0 : i32
      %sign3A_530 = arith.cmpi sgt, %scan3A_526, %sign3A_529 : i32
      %sign3A_531 = arith.extui %sign3A_530 : i1 to i32
      %sign3A_532 = arith.constant 0 : i32
      %sign3A_533 = arith.cmpi slt, %scan3A_526, %sign3A_532 : i32
      %sign3A_534 = arith.extui %sign3A_533 : i1 to i32
      %sign3A_535 = arith.subi %sign3A_531, %sign3A_534 : i32
      %sign3A_536 = arith.constant 0 : i32
      %sign3A_537 = arith.cmpi sgt, %jit3A_527, %sign3A_536 : i32
      %sign3A_538 = arith.extui %sign3A_537 : i1 to i32
      %sign3A_539 = arith.constant 0 : i32
      %sign3A_540 = arith.cmpi slt, %jit3A_527, %sign3A_539 : i32
      %sign3A_541 = arith.extui %sign3A_540 : i1 to i32
      %sign3A_542 = arith.subi %sign3A_538, %sign3A_541 : i32
      %ne3A_543 = arith.cmpi ne, %sign3A_535, %sign3A_542 : i32
      %rem3A_544 = arith.remsi %scan3A_526, %jit3A_527 : i32
      %ne3A_545 = arith.constant 0 : i32
      %ne3A_546 = arith.cmpi ne, %rem3A_544, %ne3A_545 : i32
      %and3A_547 = arith.andi %ne3A_543, %ne3A_546 : i1
      %sub3A_548 = arith.constant 1 : i32
      %sub3A_549 = arith.subi %div3A_528, %sub3A_548 : i32
      %select_n3A_550 = arith.select %and3A_547, %sub3A_549, %div3A_528 : i32
      %jit3A_551 = arith.constant 8 : i32
      %eq3A_552 = arith.constant 0 : i32
      %eq3A_553 = arith.cmpi eq, %jit3A_551, %eq3A_552 : i32
      %jit3A_554 = arith.constant 1 : i32
      %select_n3A_555 = arith.select %eq3A_553, %jit3A_554, %jit3A_551 : i32
      %rem3A_556 = arith.remsi %scan3A_526, %select_n3A_555 : i32
      %ne3A_557 = arith.constant 0 : i32
      %ne3A_558 = arith.cmpi ne, %rem3A_556, %ne3A_557 : i32
      %lt3A_559 = arith.constant 0 : i32
      %lt3A_560 = arith.cmpi slt, %rem3A_556, %lt3A_559 : i32
      %lt3A_561 = arith.constant 0 : i32
      %lt3A_562 = arith.cmpi slt, %select_n3A_555, %lt3A_561 : i32
      %ne3A_563 = arith.xori %lt3A_560, %lt3A_562 : i1
      %and3A_564 = arith.andi %ne3A_563, %ne3A_558 : i1
      %add3A_565 = arith.addi %rem3A_556, %select_n3A_555 : i32
      %select_n3A_566 = arith.select %and3A_564, %add3A_565, %rem3A_556 : i32
      %mul3A_567 = arith.constant 16 : i32
      %mul3A_568 = arith.muli %select_n3A_566, %mul3A_567 : i32
      %swap3A_569 = arith.constant 0 : i32
      %swap3A_570 = arith.index_cast %swap3A_569 : i32 to index
      %swap3A_571 = arith.index_cast %select_n3A_550 : i32 to index
      %swap3A_572 = arith.index_cast %mul3A_568 : i32 to index
      %swap3A_573 = tpu.vector_load %arg6[%swap3A_570, %swap3A_571, %swap3A_572] {strides = array<i32>} : memref<2x128x128xf32, #tpu.memory_space<vmem>>, vector<1x1x16xf32>,
      %swap3A_574 = vector.shape_cast %swap3A_573 : vector<1x1x16xf32> to vector<16xf32>
      %swap3A_575 = vector.shape_cast %broadcast_in_dim3A_74 : vector<16xf32> to vector<1x1x16xf32>
      tpu.vector_store %arg6[%swap3A_570, %swap3A_571, %swap3A_572], %swap3A_575 {strides = array<i32>} : memref<2x128x128xf32, #tpu.memory_space<vmem>>, vector<1x1x16xf32>,
    }
    %scan3A_79 = arith.constant 1024 : i32
    %scan3A_80 = arith.constant 0 : i32
    %scan3A_81 = arith.constant 0 : i32
    %scan3A_82 = arith.constant 5 : i32
    %scan3A_83 = arith.addi %scan3A_81, %scan3A_82 : i32
    %scan3A_84 = arith.constant 1 : i32
    scf.for %scan3A_171 = %scan3A_81 to %scan3A_83 step %scan3A_84  : i32 {
      %mul3A_172 = arith.constant 640 : i32
      %mul3A_173 = arith.muli %arg1, %mul3A_172 : i32
      %mul3A_174 = arith.constant 128 : i32
      %mul3A_175 = arith.muli %scan3A_171, %mul3A_174 : i32
      %add3A_176 = arith.addi %mul3A_173, %mul3A_175 : i32
      %run_scoped3A = arith.constant 0 : i32
      "tpu.region"() ({
        %run_scoped3A_177 = tpu.sem_alloc : memref<!tpu.dma_semaphore, #tpu.memory_space<semaphore_mem>>
        %dma_start3A_178 = arith.constant 0 : i32
        %dma_start3A_179 = arith.constant 0 : i32
        %dma_start3A_180 = tpu.memref_slice %arg6[%run_scoped3A, %dma_start3A_178, %dma_start3A_179] : memref<2x128x128xf32, #tpu.memory_space<vmem>> -> memref<1x128x128xf32, #tpu.memory_space<vmem>>
        %dma_start3A_181 = tpu.memref_squeeze %dma_start3A_180 : memref<1x128x128xf32, #tpu.memory_space<vmem>> -> memref<128x128xf32, #tpu.memory_space<vmem>>
        %dma_start3A_182 = arith.constant 0 : i32
        %dma_start3A_183 = tpu.memref_slice %arg7[%add3A_176, %dma_start3A_182] : memref<10240x128xf32, #tpu.memory_space<vmem_shared>> -> memref<128x128xf32, #tpu.memory_space<vmem_shared>>
        %dma_start3A_184 = arith.constant 0 : i32
        %dma_start3A_185 = tpu.memref_slice %arg7[%add3A_176, %dma_start3A_184] : memref<10240x128xf32, #tpu.memory_space<vmem_shared>> -> memref<128x128xf32, #tpu.memory_space<vmem_shared>>
        %dma_start3A_186 = arith.constant 0 : i32
        %dma_start3A_187 = arith.constant 0 : i32
        %dma_start3A_188 = tpu.memref_slice %arg6[%run_scoped3A, %dma_start3A_186, %dma_start3A_187] : memref<2x128x128xf32, #tpu.memory_space<vmem>> -> memref<1x128x128xf32, #tpu.memory_space<vmem>>
        %dma_start3A_189 = tpu.memref_squeeze %dma_start3A_188 : memref<1x128x128xf32, #tpu.memory_space<vmem>> -> memref<128x128xf32, #tpu.memory_space<vmem>>
        tpu.enqueue_dma source(%dma_start3A_189 : memref<128x128xf32, #tpu.memory_space<vmem>>) target(%dma_start3A_185 : memref<128x128xf32, #tpu.memory_space<vmem_shared>>) target_semaphore(%run_scoped3A_177 : memref<!tpu.dma_semaphore, #tpu.memory_space<semaphore_mem>>)
        %dma_wait3A_190 = arith.constant 0 : i32
        %dma_wait3A_191 = arith.constant 0 : i32
        %dma_wait3A_192 = tpu.memref_slice %arg6[%run_scoped3A, %dma_wait3A_190, %dma_wait3A_191] : memref<2x128x128xf32, #tpu.memory_space<vmem>> -> memref<1x128x128xf32, #tpu.memory_space<vmem>>
        %dma_wait3A_193 = tpu.memref_squeeze %dma_wait3A_192 : memref<1x128x128xf32, #tpu.memory_space<vmem>> -> memref<128x128xf32, #tpu.memory_space<vmem>>
        %dma_wait3A_194 = arith.constant 0 : i32
        %dma_wait3A_195 = tpu.memref_slice %arg7[%add3A_176, %dma_wait3A_194] : memref<10240x128xf32, #tpu.memory_space<vmem_shared>> -> memref<128x128xf32, #tpu.memory_space<vmem_shared>>
        %dma_wait3A_196 = arith.constant 0 : i32
        %dma_wait3A_197 = tpu.memref_slice %arg7[%add3A_176, %dma_wait3A_196] : memref<10240x128xf32, #tpu.memory_space<vmem_shared>> -> memref<128x128xf32, #tpu.memory_space<vmem_shared>>
        %dma_wait3A_198 = arith.constant 0 : i32
        %dma_wait3A_199 = arith.constant 0 : i32
        %dma_wait3A_200 = tpu.memref_slice %arg6[%run_scoped3A, %dma_wait3A_198, %dma_wait3A_199] : memref<2x128x128xf32, #tpu.memory_space<vmem>> -> memref<1x128x128xf32, #tpu.memory_space<vmem>>
        %dma_wait3A_201 = tpu.memref_squeeze %dma_wait3A_200 : memref<1x128x128xf32, #tpu.memory_space<vmem>> -> memref<128x128xf32, #tpu.memory_space<vmem>>
        tpu.wait_dma2 semaphore(%run_scoped3A_177 : memref<!tpu.dma_semaphore, #tpu.memory_space<semaphore_mem>>) src(%dma_wait3A_201 : memref<128x128xf32, #tpu.memory_space<vmem>>) dst(%dma_wait3A_197 : memref<128x128xf32, #tpu.memory_space<vmem_shared>>)
        tpu.yield
      }) : () -> ()
    }
    %scan3A_85 = arith.constant 5 : i32
    %barrier3A = arith.constant 0 : index
    tpu.barrier barrier_id(%barrier3A)
    %add3A_86 = arith.constant 0 : i32
    %add3A_87 = arith.addi %select_n3A, %add3A_86 : i32
    %dma_wait3A = arith.constant 0 : i32
    %dma_wait3A_88 = arith.constant 0 : i32
    %dma_wait3A_89 = arith.constant 0 : i32
    %dma_wait3A_90 = arith.constant 0 : i32
    %dma_wait3A_91 = tpu.memref_slice %arg5[%dma_wait3A, %dma_wait3A_89, %dma_wait3A_90] : memref<4x2x128xi32, #tpu.memory_space<vmem>> -> memref<1x2x128xi32, #tpu.memory_space<vmem>>
    %dma_wait3A_92 = tpu.memref_squeeze %dma_wait3A_91 : memref<1x2x128xi32, #tpu.memory_space<vmem>> -> memref<2x128xi32, #tpu.memory_space<vmem>>
    %dma_wait3A_93 = arith.constant 0 : i32
    %dma_wait3A_94 = arith.constant 0 : i32
    %dma_wait3A_95 = tpu.memref_slice %arg2[%add3A_87, %dma_wait3A_93, %dma_wait3A_94] : memref<2560x2x128xi32, #tpu.memory_space<hbm>> -> memref<1x2x128xi32, #tpu.memory_space<hbm>>
    %dma_wait3A_96 = tpu.memref_squeeze %dma_wait3A_95 : memref<1x2x128xi32, #tpu.memory_space<hbm>> -> memref<2x128xi32, #tpu.memory_space<hbm>>
    %dma_wait3A_97 = tpu.memref_slice %arg8[%dma_wait3A_88] : memref<4x!tpu.dma_semaphore, #tpu.memory_space<semaphore_mem>> -> memref<1x!tpu.dma_semaphore, #tpu.memory_space<semaphore_mem>>
    %dma_wait3A_98 = tpu.memref_squeeze %dma_wait3A_97 : memref<1x!tpu.dma_semaphore, #tpu.memory_space<semaphore_mem>> -> memref<!tpu.dma_semaphore, #tpu.memory_space<semaphore_mem>>
    %dma_wait3A_99 = arith.constant 0 : i32
    %dma_wait3A_100 = arith.constant 0 : i32
    %dma_wait3A_101 = tpu.memref_slice %arg5[%dma_wait3A, %dma_wait3A_99, %dma_wait3A_100] : memref<4x2x128xi32, #tpu.memory_space<vmem>> -> memref<1x2x128xi32, #tpu.memory_space<vmem>>
    %dma_wait3A_102 = tpu.memref_squeeze %dma_wait3A_101 : memref<1x2x128xi32, #tpu.memory_space<vmem>> -> memref<2x128xi32, #tpu.memory_space<vmem>>
    %dma_wait3A_103 = arith.constant 0 : i32
    %dma_wait3A_104 = arith.constant 0 : i32
    %dma_wait3A_105 = tpu.memref_slice %arg2[%add3A_87, %dma_wait3A_103, %dma_wait3A_104] : memref<2560x2x128xi32, #tpu.memory_space<hbm>> -> memref<1x2x128xi32, #tpu.memory_space<hbm>>
    %dma_wait3A_106 = tpu.memref_squeeze %dma_wait3A_105 : memref<1x2x128xi32, #tpu.memory_space<hbm>> -> memref<2x128xi32, #tpu.memory_space<hbm>>
    tpu.wait_dma2 semaphore(%dma_wait3A_98 : memref<!tpu.dma_semaphore, #tpu.memory_space<semaphore_mem>>) src(%dma_wait3A_106 : memref<2x128xi32, #tpu.memory_space<hbm>>) dst(%dma_wait3A_102 : memref<2x128xi32, #tpu.memory_space<vmem>>)
    %dma_start3A_107 = arith.constant 0 : i32
    %dma_start3A_108 = arith.constant 0 : i32
    %dma_start3A_109 = arith.constant 0 : i32
    %dma_start3A_110 = arith.constant 0 : i32
    %dma_start3A_111 = arith.constant 0 : i32
    %dma_start3A_112 = arith.constant 0 : i32
    %dma_start3A_113 = tpu.memref_slice %arg6[%dma_start3A_109, %dma_start3A_111, %dma_start3A_112] : memref<2x128x128xf32, #tpu.memory_space<vmem>> -> memref<1x128x128xf32, #tpu.memory_space<vmem>>
    %dma_start3A_114 = tpu.memref_squeeze %dma_start3A_113 : memref<1x128x128xf32, #tpu.memory_space<vmem>> -> memref<128x128xf32, #tpu.memory_space<vmem>>
    %dma_start3A_115 = arith.constant 0 : i32
    %dma_start3A_116 = tpu.memref_slice %arg5[%dma_start3A_107, %dma_start3A_108, %dma_start3A_115] : memref<4x2x128xi32, #tpu.memory_space<vmem>> -> memref<1x1x128xi32, #tpu.memory_space<vmem>>
    %dma_start3A_117 = tpu.memref_squeeze %dma_start3A_116 : memref<1x1x128xi32, #tpu.memory_space<vmem>> -> memref<128xi32, #tpu.memory_space<vmem>>
    %dma_start3A_118 = arith.constant 0 : i32
    %dma_start3A_119 = arith.constant 0 : i32
    %dma_start3A_120 = tpu.memref_slice %arg3[%dma_start3A_118, %dma_start3A_119] : memref<10240x128xf32, #tpu.memory_space<hbm>> -> memref<10240x128xf32, #tpu.memory_space<hbm>>
    %dma_start3A_121 = tpu.memref_slice %arg9[%dma_start3A_110] : memref<2x!tpu.dma_semaphore, #tpu.memory_space<semaphore_mem>> -> memref<1x!tpu.dma_semaphore, #tpu.memory_space<semaphore_mem>>
    %dma_start3A_122 = tpu.memref_squeeze %dma_start3A_121 : memref<1x!tpu.dma_semaphore, #tpu.memory_space<semaphore_mem>> -> memref<!tpu.dma_semaphore, #tpu.memory_space<semaphore_mem>>
    tpu.enqueue_indirect_dma source(%dma_start3A_120 : memref<10240x128xf32, #tpu.memory_space<hbm>>) target(%dma_start3A_114 : memref<128x128xf32, #tpu.memory_space<vmem>>) offsets(%dma_start3A_117 : memref<128xi32, #tpu.memory_space<vmem>>) semaphore(%dma_start3A_122 : memref<!tpu.dma_semaphore, #tpu.memory_space<semaphore_mem>>)
    %jit3A_123 = arith.constant 4 : i32
    %div3A = arith.divsi %select_n3A_8, %jit3A_123 : i32
    %sign3A = arith.constant 0 : i32
    %sign3A_124 = arith.cmpi sgt, %select_n3A_8, %sign3A : i32
    %sign3A_125 = arith.extui %sign3A_124 : i1 to i32
    %sign3A_126 = arith.constant 0 : i32
    %sign3A_127 = arith.cmpi slt, %select_n3A_8, %sign3A_126 : i32
    %sign3A_128 = arith.extui %sign3A_127 : i1 to i32
    %sign3A_129 = arith.subi %sign3A_125, %sign3A_128 : i32
    %sign3A_130 = arith.constant 0 : i32
    %sign3A_131 = arith.cmpi sgt, %jit3A_123, %sign3A_130 : i32
    %sign3A_132 = arith.extui %sign3A_131 : i1 to i32
    %sign3A_133 = arith.constant 0 : i32
    %sign3A_134 = arith.cmpi slt, %jit3A_123, %sign3A_133 : i32
    %sign3A_135 = arith.extui %sign3A_134 : i1 to i32
    %sign3A_136 = arith.subi %sign3A_132, %sign3A_135 : i32
    %ne3A = arith.cmpi ne, %sign3A_129, %sign3A_136 : i32
    %rem3A = arith.remsi %select_n3A_8, %jit3A_123 : i32
    %ne3A_137 = arith.constant 0 : i32
    %ne3A_138 = arith.cmpi ne, %rem3A, %ne3A_137 : i32
    %and3A = arith.andi %ne3A, %ne3A_138 : i1
    %sub3A = arith.constant 1 : i32
    %sub3A_139 = arith.subi %div3A, %sub3A : i32
    %select_n3A_140 = arith.select %and3A, %sub3A_139, %div3A : i32
    %while3A = arith.constant 0 : i32
    %while3A_141 = arith.constant 0 : i32
    %while3A_142 = arith.subi %select_n3A_140, %while3A_141 : i32
    %while3A_143 = arith.addi %while3A_141, %while3A_142 : i32
    %while3A_144 = arith.constant 1 : i32
    %while3A_145 = arith.divsi %while3A_142, %while3A_144 : i32
    %while3A_146 = arith.muli %while3A_145, %while3A_144 : i32
    %while3A_147 = arith.addi %while3A_141, %while3A_146 : i32
    %while3A_148 = arith.constant 1 : i32
    scf.for %while3A_171 = %while3A_141 to %while3A_147 step %while3A_148  : i32 {
      %mul3A_172 = arith.constant 4 : i32
      %mul3A_173 = arith.muli %while3A_171, %mul3A_172 : i32
      %add3A_174 = arith.constant 0 : i32
      %add3A_175 = arith.addi %mul3A_173, %add3A_174 : i32
      %dma_wait3A_176 = arith.constant 0 : i32
      %dma_wait3A_177 = arith.constant 0 : i32
      %dma_wait3A_178 = arith.constant 0 : i32
      %dma_wait3A_179 = arith.constant 0 : i32
      %dma_wait3A_180 = arith.constant 0 : i32
      %dma_wait3A_181 = arith.constant 0 : i32
      %dma_wait3A_182 = tpu.memref_slice %arg6[%dma_wait3A_178, %dma_wait3A_180, %dma_wait3A_181] : memref<2x128x128xf32, #tpu.memory_space<vmem>> -> memref<1x128x128xf32, #tpu.memory_space<vmem>>
      %dma_wait3A_183 = tpu.memref_squeeze %dma_wait3A_182 : memref<1x128x128xf32, #tpu.memory_space<vmem>> -> memref<128x128xf32, #tpu.memory_space<vmem>>
      %dma_wait3A_184 = arith.constant 0 : i32
      %dma_wait3A_185 = tpu.memref_slice %arg5[%dma_wait3A_176, %dma_wait3A_177, %dma_wait3A_184] : memref<4x2x128xi32, #tpu.memory_space<vmem>> -> memref<1x1x128xi32, #tpu.memory_space<vmem>>
      %dma_wait3A_186 = tpu.memref_squeeze %dma_wait3A_185 : memref<1x1x128xi32, #tpu.memory_space<vmem>> -> memref<128xi32, #tpu.memory_space<vmem>>
      %dma_wait3A_187 = arith.constant 0 : i32
      %dma_wait3A_188 = arith.constant 0 : i32
      %dma_wait3A_189 = tpu.memref_slice %arg3[%dma_wait3A_187, %dma_wait3A_188] : memref<10240x128xf32, #tpu.memory_space<hbm>> -> memref<10240x128xf32, #tpu.memory_space<hbm>>
      %dma_wait3A_190 = tpu.memref_slice %arg9[%dma_wait3A_179] : memref<2x!tpu.dma_semaphore, #tpu.memory_space<semaphore_mem>> -> memref<1x!tpu.dma_semaphore, #tpu.memory_space<semaphore_mem>>
      %dma_wait3A_191 = tpu.memref_squeeze %dma_wait3A_190 : memref<1x!tpu.dma_semaphore, #tpu.memory_space<semaphore_mem>> -> memref<!tpu.dma_semaphore, #tpu.memory_space<semaphore_mem>>
      tpu.wait_indirect_dma semaphore(%dma_wait3A_191 : memref<!tpu.dma_semaphore, #tpu.memory_space<semaphore_mem>>) src(%dma_wait3A_189 : memref<10240x128xf32, #tpu.memory_space<hbm>>) dst(%dma_wait3A_183 : memref<128x128xf32, #tpu.memory_space<vmem>>)
      %dma_start3A_192 = arith.constant 0 : i32
      %dma_start3A_193 = arith.constant 0 : i32
      %dma_start3A_194 = arith.constant 1 : i32
      %dma_start3A_195 = arith.constant 0 : i32
      %dma_start3A_196 = arith.constant 0 : i32
      %dma_start3A_197 = arith.constant 0 : i32
      %dma_start3A_198 = tpu.memref_slice %arg6[%dma_start3A_192, %dma_start3A_196, %dma_start3A_197] : memref<2x128x128xf32, #tpu.memory_space<vmem>> -> memref<1x128x128xf32, #tpu.memory_space<vmem>>
      %dma_start3A_199 = tpu.memref_squeeze %dma_start3A_198 : memref<1x128x128xf32, #tpu.memory_space<vmem>> -> memref<128x128xf32, #tpu.memory_space<vmem>>
      %dma_start3A_200 = arith.constant 0 : i32
      %dma_start3A_201 = tpu.memref_slice %arg5[%dma_start3A_193, %dma_start3A_194, %dma_start3A_200] : memref<4x2x128xi32, #tpu.memory_space<vmem>> -> memref<1x1x128xi32, #tpu.memory_space<vmem>>
      %dma_start3A_202 = tpu.memref_squeeze %dma_start3A_201 : memref<1x1x128xi32, #tpu.memory_space<vmem>> -> memref<128xi32, #tpu.memory_space<vmem>>
      %dma_start3A_203 = arith.constant 0 : i32
      %dma_start3A_204 = arith.constant 0 : i32
      %dma_start3A_205 = tpu.memref_slice %arg7[%dma_start3A_203, %dma_start3A_204] : memref<10240x128xf32, #tpu.memory_space<vmem_shared>> -> memref<10240x128xf32, #tpu.memory_space<vmem_shared>>
      %dma_start3A_206 = tpu.memref_slice %arg10[%dma_start3A_195] : memref<2x!tpu.dma_semaphore, #tpu.memory_space<semaphore_mem>> -> memref<1x!tpu.dma_semaphore, #tpu.memory_space<semaphore_mem>>
      %dma_start3A_207 = tpu.memref_squeeze %dma_start3A_206 : memref<1x!tpu.dma_semaphore, #tpu.memory_space<semaphore_mem>> -> memref<!tpu.dma_semaphore, #tpu.memory_space<semaphore_mem>>
      tpu.enqueue_indirect_dma source(%dma_start3A_199 : memref<128x128xf32, #tpu.memory_space<vmem>>) target(%dma_start3A_205 : memref<10240x128xf32, #tpu.memory_space<vmem_shared>>) offsets(%dma_start3A_202 : memref<128xi32, #tpu.memory_space<vmem>>) semaphore(%dma_start3A_207 : memref<!tpu.dma_semaphore, #tpu.memory_space<semaphore_mem>>) {add = true}
      %sub3A_208 = arith.constant 1 : i32
      %sub3A_209 = arith.subi %add3A_175, %sub3A_208 : i32
      %ge3A = arith.constant 0 : i32
      %ge3A_210 = arith.cmpi sge, %sub3A_209, %ge3A : i32
      %convert_element_type3A = arith.extui %ge3A_210 : i1 to i32
      %cond3A = arith.constant 0 : i32
      %cond3A_211 = arith.cmpi ne, %convert_element_type3A, %cond3A : i32
      scf.if %cond3A_211 {
        %dma_wait3A_388 = arith.constant 1 : i32
        %dma_wait3A_389 = arith.constant 1 : i32
        %dma_wait3A_390 = arith.constant 1 : i32
        %dma_wait3A_391 = arith.constant 1 : i32
        %dma_wait3A_392 = arith.constant 0 : i32
        %dma_wait3A_393 = arith.constant 0 : i32
        %dma_wait3A_394 = tpu.memref_slice %arg6[%dma_wait3A_388, %dma_wait3A_392, %dma_wait3A_393] : memref<2x128x128xf32, #tpu.memory_space<vmem>> -> memref<1x128x128xf32, #tpu.memory_space<vmem>>
        %dma_wait3A_395 = tpu.memref_squeeze %dma_wait3A_394 : memref<1x128x128xf32, #tpu.memory_space<vmem>> -> memref<128x128xf32, #tpu.memory_space<vmem>>
        %dma_wait3A_396 = arith.constant 0 : i32
        %dma_wait3A_397 = tpu.memref_slice %arg5[%dma_wait3A_389, %dma_wait3A_390, %dma_wait3A_396] : memref<4x2x128xi32, #tpu.memory_space<vmem>> -> memref<1x1x128xi32, #tpu.memory_space<vmem>>
        %dma_wait3A_398 = tpu.memref_squeeze %dma_wait3A_397 : memref<1x1x128xi32, #tpu.memory_space<vmem>> -> memref<128xi32, #tpu.memory_space<vmem>>
        %dma_wait3A_399 = arith.constant 0 : i32
        %dma_wait3A_400 = arith.constant 0 : i32
        %dma_wait3A_401 = tpu.memref_slice %arg7[%dma_wait3A_399, %dma_wait3A_400] : memref<10240x128xf32, #tpu.memory_space<vmem_shared>> -> memref<10240x128xf32, #tpu.memory_space<vmem_shared>>
        %dma_wait3A_402 = tpu.memref_slice %arg10[%dma_wait3A_391] : memref<2x!tpu.dma_semaphore, #tpu.memory_space<semaphore_mem>> -> memref<1x!tpu.dma_semaphore, #tpu.memory_space<semaphore_mem>>
        %dma_wait3A_403 = tpu.memref_squeeze %dma_wait3A_402 : memref<1x!tpu.dma_semaphore, #tpu.memory_space<semaphore_mem>> -> memref<!tpu.dma_semaphore, #tpu.memory_space<semaphore_mem>>
        tpu.wait_indirect_dma semaphore(%dma_wait3A_403 : memref<!tpu.dma_semaphore, #tpu.memory_space<semaphore_mem>>) src(%dma_wait3A_395 : memref<128x128xf32, #tpu.memory_space<vmem>>) dst(%dma_wait3A_401 : memref<10240x128xf32, #tpu.memory_space<vmem_shared>>)
      } else {
      }
      %add3A_212 = arith.constant 1 : i32
      %add3A_213 = arith.addi %add3A_175, %add3A_212 : i32
      %lt3A = arith.cmpi slt, %add3A_213, %select_n3A_8 : i32
      %convert_element_type3A_214 = arith.extui %lt3A : i1 to i32
      %cond3A_215 = arith.constant 0 : i32
      %cond3A_216 = arith.cmpi ne, %convert_element_type3A_214, %cond3A_215 : i32
      scf.if %cond3A_216 {
        %add3A_388 = arith.constant 1 : i32
        %add3A_389 = arith.addi %add3A_175, %add3A_388 : i32
        %add3A_390 = arith.addi %select_n3A, %add3A_389 : i32
        %dma_wait3A_391 = arith.constant 1 : i32
        %dma_wait3A_392 = arith.constant 1 : i32
        %dma_wait3A_393 = arith.constant 0 : i32
        %dma_wait3A_394 = arith.constant 0 : i32
        %dma_wait3A_395 = tpu.memref_slice %arg5[%dma_wait3A_391, %dma_wait3A_393, %dma_wait3A_394] : memref<4x2x128xi32, #tpu.memory_space<vmem>> -> memref<1x2x128xi32, #tpu.memory_space<vmem>>
        %dma_wait3A_396 = tpu.memref_squeeze %dma_wait3A_395 : memref<1x2x128xi32, #tpu.memory_space<vmem>> -> memref<2x128xi32, #tpu.memory_space<vmem>>
        %dma_wait3A_397 = arith.constant 0 : i32
        %dma_wait3A_398 = arith.constant 0 : i32
        %dma_wait3A_399 = tpu.memref_slice %arg2[%add3A_390, %dma_wait3A_397, %dma_wait3A_398] : memref<2560x2x128xi32, #tpu.memory_space<hbm>> -> memref<1x2x128xi32, #tpu.memory_space<hbm>>
        %dma_wait3A_400 = tpu.memref_squeeze %dma_wait3A_399 : memref<1x2x128xi32, #tpu.memory_space<hbm>> -> memref<2x128xi32, #tpu.memory_space<hbm>>
        %dma_wait3A_401 = tpu.memref_slice %arg8[%dma_wait3A_392] : memref<4x!tpu.dma_semaphore, #tpu.memory_space<semaphore_mem>> -> memref<1x!tpu.dma_semaphore, #tpu.memory_space<semaphore_mem>>
        %dma_wait3A_402 = tpu.memref_squeeze %dma_wait3A_401 : memref<1x!tpu.dma_semaphore, #tpu.memory_space<semaphore_mem>> -> memref<!tpu.dma_semaphore, #tpu.memory_space<semaphore_mem>>
        %dma_wait3A_403 = arith.constant 0 : i32
        %dma_wait3A_404 = arith.constant 0 : i32
        %dma_wait3A_405 = tpu.memref_slice %arg5[%dma_wait3A_391, %dma_wait3A_403, %dma_wait3A_404] : memref<4x2x128xi32, #tpu.memory_space<vmem>> -> memref<1x2x128xi32, #tpu.memory_space<vmem>>
        %dma_wait3A_406 = tpu.memref_squeeze %dma_wait3A_405 : memref<1x2x128xi32, #tpu.memory_space<vmem>> -> memref<2x128xi32, #tpu.memory_space<vmem>>
        %dma_wait3A_407 = arith.constant 0 : i32
        %dma_wait3A_408 = arith.constant 0 : i32
        %dma_wait3A_409 = tpu.memref_slice %arg2[%add3A_390, %dma_wait3A_407, %dma_wait3A_408] : memref<2560x2x128xi32, #tpu.memory_space<hbm>> -> memref<1x2x128xi32, #tpu.memory_space<hbm>>
        %dma_wait3A_410 = tpu.memref_squeeze %dma_wait3A_409 : memref<1x2x128xi32, #tpu.memory_space<hbm>> -> memref<2x128xi32, #tpu.memory_space<hbm>>
        tpu.wait_dma2 semaphore(%dma_wait3A_402 : memref<!tpu.dma_semaphore, #tpu.memory_space<semaphore_mem>>) src(%dma_wait3A_410 : memref<2x128xi32, #tpu.memory_space<hbm>>) dst(%dma_wait3A_406 : memref<2x128xi32, #tpu.memory_space<vmem>>)
        %dma_start3A_411 = arith.constant 1 : i32
        %dma_start3A_412 = arith.constant 0 : i32
        %dma_start3A_413 = arith.constant 1 : i32
        %dma_start3A_414 = arith.constant 1 : i32
        %dma_start3A_415 = arith.constant 0 : i32
        %dma_start3A_416 = arith.constant 0 : i32
        %dma_start3A_417 = tpu.memref_slice %arg6[%dma_start3A_413, %dma_start3A_415, %dma_start3A_416] : memref<2x128x128xf32, #tpu.memory_space<vmem>> -> memref<1x128x128xf32, #tpu.memory_space<vmem>>
        %dma_start3A_418 = tpu.memref_squeeze %dma_start3A_417 : memref<1x128x128xf32, #tpu.memory_space<vmem>> -> memref<128x128xf32, #tpu.memory_space<vmem>>
        %dma_start3A_419 = arith.constant 0 : i32
        %dma_start3A_420 = tpu.memref_slice %arg5[%dma_start3A_411, %dma_start3A_412, %dma_start3A_419] : memref<4x2x128xi32, #tpu.memory_space<vmem>> -> memref<1x1x128xi32, #tpu.memory_space<vmem>>
        %dma_start3A_421 = tpu.memref_squeeze %dma_start3A_420 : memref<1x1x128xi32, #tpu.memory_space<vmem>> -> memref<128xi32, #tpu.memory_space<vmem>>
        %dma_start3A_422 = arith.constant 0 : i32
        %dma_start3A_423 = arith.constant 0 : i32
        %dma_start3A_424 = tpu.memref_slice %arg3[%dma_start3A_422, %dma_start3A_423] : memref<10240x128xf32, #tpu.memory_space<hbm>> -> memref<10240x128xf32, #tpu.memory_space<hbm>>
        %dma_start3A_425 = tpu.memref_slice %arg9[%dma_start3A_414] : memref<2x!tpu.dma_semaphore, #tpu.memory_space<semaphore_mem>> -> memref<1x!tpu.dma_semaphore, #tpu.memory_space<semaphore_mem>>
        %dma_start3A_426 = tpu.memref_squeeze %dma_start3A_425 : memref<1x!tpu.dma_semaphore, #tpu.memory_space<semaphore_mem>> -> memref<!tpu.dma_semaphore, #tpu.memory_space<semaphore_mem>>
        tpu.enqueue_indirect_dma source(%dma_start3A_424 : memref<10240x128xf32, #tpu.memory_space<hbm>>) target(%dma_start3A_418 : memref<128x128xf32, #tpu.memory_space<vmem>>) offsets(%dma_start3A_421 : memref<128xi32, #tpu.memory_space<vmem>>) semaphore(%dma_start3A_426 : memref<!tpu.dma_semaphore, #tpu.memory_space<semaphore_mem>>)
      } else {
      }
      %add3A_217 = arith.constant 3 : i32
      %add3A_218 = arith.addi %add3A_175, %add3A_217 : i32
      %lt3A_219 = arith.cmpi slt, %add3A_218, %select_n3A_8 : i32
      %convert_element_type3A_220 = arith.extui %lt3A_219 : i1 to i32
      %cond3A_221 = arith.constant 0 : i32
      %cond3A_222 = arith.cmpi ne, %convert_element_type3A_220, %cond3A_221 : i32
      scf.if %cond3A_222 {
        %add3A_388 = arith.constant 3 : i32
        %add3A_389 = arith.addi %add3A_175, %add3A_388 : i32
        %add3A_390 = arith.addi %select_n3A, %add3A_389 : i32
        %dma_start3A_391 = arith.constant 3 : i32
        %dma_start3A_392 = arith.constant 3 : i32
        %dma_start3A_393 = arith.constant 0 : i32
        %dma_start3A_394 = arith.constant 0 : i32
        %dma_start3A_395 = tpu.memref_slice %arg5[%dma_start3A_391, %dma_start3A_393, %dma_start3A_394] : memref<4x2x128xi32, #tpu.memory_space<vmem>> -> memref<1x2x128xi32, #tpu.memory_space<vmem>>
        %dma_start3A_396 = tpu.memref_squeeze %dma_start3A_395 : memref<1x2x128xi32, #tpu.memory_space<vmem>> -> memref<2x128xi32, #tpu.memory_space<vmem>>
        %dma_start3A_397 = arith.constant 0 : i32
        %dma_start3A_398 = arith.constant 0 : i32
        %dma_start3A_399 = tpu.memref_slice %arg2[%add3A_390, %dma_start3A_397, %dma_start3A_398] : memref<2560x2x128xi32, #tpu.memory_space<hbm>> -> memref<1x2x128xi32, #tpu.memory_space<hbm>>
        %dma_start3A_400 = tpu.memref_squeeze %dma_start3A_399 : memref<1x2x128xi32, #tpu.memory_space<hbm>> -> memref<2x128xi32, #tpu.memory_space<hbm>>
        %dma_start3A_401 = tpu.memref_slice %arg8[%dma_start3A_392] : memref<4x!tpu.dma_semaphore, #tpu.memory_space<semaphore_mem>> -> memref<1x!tpu.dma_semaphore, #tpu.memory_space<semaphore_mem>>
        %dma_start3A_402 = tpu.memref_squeeze %dma_start3A_401 : memref<1x!tpu.dma_semaphore, #tpu.memory_space<semaphore_mem>> -> memref<!tpu.dma_semaphore, #tpu.memory_space<semaphore_mem>>
        %dma_start3A_403 = arith.constant 0 : i32
        %dma_start3A_404 = arith.constant 0 : i32
        %dma_start3A_405 = tpu.memref_slice %arg5[%dma_start3A_391, %dma_start3A_403, %dma_start3A_404] : memref<4x2x128xi32, #tpu.memory_space<vmem>> -> memref<1x2x128xi32, #tpu.memory_space<vmem>>
        %dma_start3A_406 = tpu.memref_squeeze %dma_start3A_405 : memref<1x2x128xi32, #tpu.memory_space<vmem>> -> memref<2x128xi32, #tpu.memory_space<vmem>>
        %dma_start3A_407 = arith.constant 0 : i32
        %dma_start3A_408 = arith.constant 0 : i32
        %dma_start3A_409 = tpu.memref_slice %arg2[%add3A_390, %dma_start3A_407, %dma_start3A_408] : memref<2560x2x128xi32, #tpu.memory_space<hbm>> -> memref<1x2x128xi32, #tpu.memory_space<hbm>>
        %dma_start3A_410 = tpu.memref_squeeze %dma_start3A_409 : memref<1x2x128xi32, #tpu.memory_space<hbm>> -> memref<2x128xi32, #tpu.memory_space<hbm>>
        tpu.enqueue_dma source(%dma_start3A_410 : memref<2x128xi32, #tpu.memory_space<hbm>>) target(%dma_start3A_406 : memref<2x128xi32, #tpu.memory_space<vmem>>) target_semaphore(%dma_start3A_402 : memref<!tpu.dma_semaphore, #tpu.memory_space<semaphore_mem>>)
      } else {
      }
      %mul3A_223 = arith.constant 4 : i32
      %mul3A_224 = arith.muli %while3A_171, %mul3A_223 : i32
      %add3A_225 = arith.constant 1 : i32
      %add3A_226 = arith.addi %mul3A_224, %add3A_225 : i32
      %dma_wait3A_227 = arith.constant 1 : i32
      %dma_wait3A_228 = arith.constant 0 : i32
      %dma_wait3A_229 = arith.constant 1 : i32
      %dma_wait3A_230 = arith.constant 1 : i32
      %dma_wait3A_231 = arith.constant 0 : i32
      %dma_wait3A_232 = arith.constant 0 : i32
      %dma_wait3A_233 = tpu.memref_slice %arg6[%dma_wait3A_229, %dma_wait3A_231, %dma_wait3A_232] : memref<2x128x128xf32, #tpu.memory_space<vmem>> -> memref<1x128x128xf32, #tpu.memory_space<vmem>>
      %dma_wait3A_234 = tpu.memref_squeeze %dma_wait3A_233 : memref<1x128x128xf32, #tpu.memory_space<vmem>> -> memref<128x128xf32, #tpu.memory_space<vmem>>
      %dma_wait3A_235 = arith.constant 0 : i32
      %dma_wait3A_236 = tpu.memref_slice %arg5[%dma_wait3A_227, %dma_wait3A_228, %dma_wait3A_235] : memref<4x2x128xi32, #tpu.memory_space<vmem>> -> memref<1x1x128xi32, #tpu.memory_space<vmem>>
      %dma_wait3A_237 = tpu.memref_squeeze %dma_wait3A_236 : memref<1x1x128xi32, #tpu.memory_space<vmem>> -> memref<128xi32, #tpu.memory_space<vmem>>
      %dma_wait3A_238 = arith.constant 0 : i32
      %dma_wait3A_239 = arith.constant 0 : i32
      %dma_wait3A_240 = tpu.memref_slice %arg3[%dma_wait3A_238, %dma_wait3A_239] : memref<10240x128xf32, #tpu.memory_space<hbm>> -> memref<10240x128xf32, #tpu.memory_space<hbm>>
      %dma_wait3A_241 = tpu.memref_slice %arg9[%dma_wait3A_230] : memref<2x!tpu.dma_semaphore, #tpu.memory_space<semaphore_mem>> -> memref<1x!tpu.dma_semaphore, #tpu.memory_space<semaphore_mem>>
      %dma_wait3A_242 = tpu.memref_squeeze %dma_wait3A_241 : memref<1x!tpu.dma_semaphore, #tpu.memory_space<semaphore_mem>> -> memref<!tpu.dma_semaphore, #tpu.memory_space<semaphore_mem>>
      tpu.wait_indirect_dma semaphore(%dma_wait3A_242 : memref<!tpu.dma_semaphore, #tpu.memory_space<semaphore_mem>>) src(%dma_wait3A_240 : memref<10240x128xf32, #tpu.memory_space<hbm>>) dst(%dma_wait3A_234 : memref<128x128xf32, #tpu.memory_space<vmem>>)
      %dma_start3A_243 = arith.constant 1 : i32
      %dma_start3A_244 = arith.constant 1 : i32
      %dma_start3A_245 = arith.constant 1 : i32
      %dma_start3A_246 = arith.constant 1 : i32
      %dma_start3A_247 = arith.constant 0 : i32
      %dma_start3A_248 = arith.constant 0 : i32
      %dma_start3A_249 = tpu.memref_slice %arg6[%dma_start3A_243, %dma_start3A_247, %dma_start3A_248] : memref<2x128x128xf32, #tpu.memory_space<vmem>> -> memref<1x128x128xf32, #tpu.memory_space<vmem>>
      %dma_start3A_250 = tpu.memref_squeeze %dma_start3A_249 : memref<1x128x128xf32, #tpu.memory_space<vmem>> -> memref<128x128xf32, #tpu.memory_space<vmem>>
      %dma_start3A_251 = arith.constant 0 : i32
      %dma_start3A_252 = tpu.memref_slice %arg5[%dma_start3A_244, %dma_start3A_245, %dma_start3A_251] : memref<4x2x128xi32, #tpu.memory_space<vmem>> -> memref<1x1x128xi32, #tpu.memory_space<vmem>>
      %dma_start3A_253 = tpu.memref_squeeze %dma_start3A_252 : memref<1x1x128xi32, #tpu.memory_space<vmem>> -> memref<128xi32, #tpu.memory_space<vmem>>
      %dma_start3A_254 = arith.constant 0 : i32
      %dma_start3A_255 = arith.constant 0 : i32
      %dma_start3A_256 = tpu.memref_slice %arg7[%dma_start3A_254, %dma_start3A_255] : memref<10240x128xf32, #tpu.memory_space<vmem_shared>> -> memref<10240x128xf32, #tpu.memory_space<vmem_shared>>
      %dma_start3A_257 = tpu.memref_slice %arg10[%dma_start3A_246] : memref<2x!tpu.dma_semaphore, #tpu.memory_space<semaphore_mem>> -> memref<1x!tpu.dma_semaphore, #tpu.memory_space<semaphore_mem>>
      %dma_start3A_258 = tpu.memref_squeeze %dma_start3A_257 : memref<1x!tpu.dma_semaphore, #tpu.memory_space<semaphore_mem>> -> memref<!tpu.dma_semaphore, #tpu.memory_space<semaphore_mem>>
      tpu.enqueue_indirect_dma source(%dma_start3A_250 : memref<128x128xf32, #tpu.memory_space<vmem>>) target(%dma_start3A_256 : memref<10240x128xf32, #tpu.memory_space<vmem_shared>>) offsets(%dma_start3A_253 : memref<128xi32, #tpu.memory_space<vmem>>) semaphore(%dma_start3A_258 : memref<!tpu.dma_semaphore, #tpu.memory_space<semaphore_mem>>) {add = true}
      %sub3A_259 = arith.constant 1 : i32
      %sub3A_260 = arith.subi %add3A_226, %sub3A_259 : i32
      %ge3A_261 = arith.constant 0 : i32
      %ge3A_262 = arith.cmpi sge, %sub3A_260, %ge3A_261 : i32
      %convert_element_type3A_263 = arith.extui %ge3A_262 : i1 to i32
      %cond3A_264 = arith.constant 0 : i32
      %cond3A_265 = arith.cmpi ne, %convert_element_type3A_263, %cond3A_264 : i32
      scf.if %cond3A_265 {
        %dma_wait3A_388 = arith.constant 0 : i32
        %dma_wait3A_389 = arith.constant 2 : i32
        %dma_wait3A_390 = arith.constant 1 : i32
        %dma_wait3A_391 = arith.constant 0 : i32
        %dma_wait3A_392 = arith.constant 0 : i32
        %dma_wait3A_393 = arith.constant 0 : i32
        %dma_wait3A_394 = tpu.memref_slice %arg6[%dma_wait3A_388, %dma_wait3A_392, %dma_wait3A_393] : memref<2x128x128xf32, #tpu.memory_space<vmem>> -> memref<1x128x128xf32, #tpu.memory_space<vmem>>
        %dma_wait3A_395 = tpu.memref_squeeze %dma_wait3A_394 : memref<1x128x128xf32, #tpu.memory_space<vmem>> -> memref<128x128xf32, #tpu.memory_space<vmem>>
        %dma_wait3A_396 = arith.constant 0 : i32
        %dma_wait3A_397 = tpu.memref_slice %arg5[%dma_wait3A_389, %dma_wait3A_390, %dma_wait3A_396] : memref<4x2x128xi32, #tpu.memory_space<vmem>> -> memref<1x1x128xi32, #tpu.memory_space<vmem>>
        %dma_wait3A_398 = tpu.memref_squeeze %dma_wait3A_397 : memref<1x1x128xi32, #tpu.memory_space<vmem>> -> memref<128xi32, #tpu.memory_space<vmem>>
        %dma_wait3A_399 = arith.constant 0 : i32
        %dma_wait3A_400 = arith.constant 0 : i32
        %dma_wait3A_401 = tpu.memref_slice %arg7[%dma_wait3A_399, %dma_wait3A_400] : memref<10240x128xf32, #tpu.memory_space<vmem_shared>> -> memref<10240x128xf32, #tpu.memory_space<vmem_shared>>
        %dma_wait3A_402 = tpu.memref_slice %arg10[%dma_wait3A_391] : memref<2x!tpu.dma_semaphore, #tpu.memory_space<semaphore_mem>> -> memref<1x!tpu.dma_semaphore, #tpu.memory_space<semaphore_mem>>
        %dma_wait3A_403 = tpu.memref_squeeze %dma_wait3A_402 : memref<1x!tpu.dma_semaphore, #tpu.memory_space<semaphore_mem>> -> memref<!tpu.dma_semaphore, #tpu.memory_space<semaphore_mem>>
        tpu.wait_indirect_dma semaphore(%dma_wait3A_403 : memref<!tpu.dma_semaphore, #tpu.memory_space<semaphore_mem>>) src(%dma_wait3A_395 : memref<128x128xf32, #tpu.memory_space<vmem>>) dst(%dma_wait3A_401 : memref<10240x128xf32, #tpu.memory_space<vmem_shared>>)
      } else {
      }
      %add3A_266 = arith.constant 1 : i32
      %add3A_267 = arith.addi %add3A_226, %add3A_266 : i32
      %lt3A_268 = arith.cmpi slt, %add3A_267, %select_n3A_8 : i32
      %convert_element_type3A_269 = arith.extui %lt3A_268 : i1 to i32
      %cond3A_270 = arith.constant 0 : i32
      %cond3A_271 = arith.cmpi ne, %convert_element_type3A_269, %cond3A_270 : i32
      scf.if %cond3A_271 {
        %add3A_388 = arith.constant 1 : i32
        %add3A_389 = arith.addi %add3A_226, %add3A_388 : i32
        %add3A_390 = arith.addi %select_n3A, %add3A_389 : i32
        %dma_wait3A_391 = arith.constant 2 : i32
        %dma_wait3A_392 = arith.constant 2 : i32
        %dma_wait3A_393 = arith.constant 0 : i32
        %dma_wait3A_394 = arith.constant 0 : i32
        %dma_wait3A_395 = tpu.memref_slice %arg5[%dma_wait3A_391, %dma_wait3A_393, %dma_wait3A_394] : memref<4x2x128xi32, #tpu.memory_space<vmem>> -> memref<1x2x128xi32, #tpu.memory_space<vmem>>
        %dma_wait3A_396 = tpu.memref_squeeze %dma_wait3A_395 : memref<1x2x128xi32, #tpu.memory_space<vmem>> -> memref<2x128xi32, #tpu.memory_space<vmem>>
        %dma_wait3A_397 = arith.constant 0 : i32
        %dma_wait3A_398 = arith.constant 0 : i32
        %dma_wait3A_399 = tpu.memref_slice %arg2[%add3A_390, %dma_wait3A_397, %dma_wait3A_398] : memref<2560x2x128xi32, #tpu.memory_space<hbm>> -> memref<1x2x128xi32, #tpu.memory_space<hbm>>
        %dma_wait3A_400 = tpu.memref_squeeze %dma_wait3A_399 : memref<1x2x128xi32, #tpu.memory_space<hbm>> -> memref<2x128xi32, #tpu.memory_space<hbm>>
        %dma_wait3A_401 = tpu.memref_slice %arg8[%dma_wait3A_392] : memref<4x!tpu.dma_semaphore, #tpu.memory_space<semaphore_mem>> -> memref<1x!tpu.dma_semaphore, #tpu.memory_space<semaphore_mem>>
        %dma_wait3A_402 = tpu.memref_squeeze %dma_wait3A_401 : memref<1x!tpu.dma_semaphore, #tpu.memory_space<semaphore_mem>> -> memref<!tpu.dma_semaphore, #tpu.memory_space<semaphore_mem>>
        %dma_wait3A_403 = arith.constant 0 : i32
        %dma_wait3A_404 = arith.constant 0 : i32
        %dma_wait3A_405 = tpu.memref_slice %arg5[%dma_wait3A_391, %dma_wait3A_403, %dma_wait3A_404] : memref<4x2x128xi32, #tpu.memory_space<vmem>> -> memref<1x2x128xi32, #tpu.memory_space<vmem>>
        %dma_wait3A_406 = tpu.memref_squeeze %dma_wait3A_405 : memref<1x2x128xi32, #tpu.memory_space<vmem>> -> memref<2x128xi32, #tpu.memory_space<vmem>>
        %dma_wait3A_407 = arith.constant 0 : i32
        %dma_wait3A_408 = arith.constant 0 : i32
        %dma_wait3A_409 = tpu.memref_slice %arg2[%add3A_390, %dma_wait3A_407, %dma_wait3A_408] : memref<2560x2x128xi32, #tpu.memory_space<hbm>> -> memref<1x2x128xi32, #tpu.memory_space<hbm>>
        %dma_wait3A_410 = tpu.memref_squeeze %dma_wait3A_409 : memref<1x2x128xi32, #tpu.memory_space<hbm>> -> memref<2x128xi32, #tpu.memory_space<hbm>>
        tpu.wait_dma2 semaphore(%dma_wait3A_402 : memref<!tpu.dma_semaphore, #tpu.memory_space<semaphore_mem>>) src(%dma_wait3A_410 : memref<2x128xi32, #tpu.memory_space<hbm>>) dst(%dma_wait3A_406 : memref<2x128xi32, #tpu.memory_space<vmem>>)
        %dma_start3A_411 = arith.constant 2 : i32
        %dma_start3A_412 = arith.constant 0 : i32
        %dma_start3A_413 = arith.constant 0 : i32
        %dma_start3A_414 = arith.constant 0 : i32
        %dma_start3A_415 = arith.constant 0 : i32
        %dma_start3A_416 = arith.constant 0 : i32
        %dma_start3A_417 = tpu.memref_slice %arg6[%dma_start3A_413, %dma_start3A_415, %dma_start3A_416] : memref<2x128x128xf32, #tpu.memory_space<vmem>> -> memref<1x128x128xf32, #tpu.memory_space<vmem>>
        %dma_start3A_418 = tpu.memref_squeeze %dma_start3A_417 : memref<1x128x128xf32, #tpu.memory_space<vmem>> -> memref<128x128xf32, #tpu.memory_space<vmem>>
        %dma_start3A_419 = arith.constant 0 : i32
        %dma_start3A_420 = tpu.memref_slice %arg5[%dma_start3A_411, %dma_start3A_412, %dma_start3A_419] : memref<4x2x128xi32, #tpu.memory_space<vmem>> -> memref<1x1x128xi32, #tpu.memory_space<vmem>>
        %dma_start3A_421 = tpu.memref_squeeze %dma_start3A_420 : memref<1x1x128xi32, #tpu.memory_space<vmem>> -> memref<128xi32, #tpu.memory_space<vmem>>
        %dma_start3A_422 = arith.constant 0 : i32
        %dma_start3A_423 = arith.constant 0 : i32
        %dma_start3A_424 = tpu.memref_slice %arg3[%dma_start3A_422, %dma_start3A_423] : memref<10240x128xf32, #tpu.memory_space<hbm>> -> memref<10240x128xf32, #tpu.memory_space<hbm>>
        %dma_start3A_425 = tpu.memref_slice %arg9[%dma_start3A_414] : memref<2x!tpu.dma_semaphore, #tpu.memory_space<semaphore_mem>> -> memref<1x!tpu.dma_semaphore, #tpu.memory_space<semaphore_mem>>
        %dma_start3A_426 = tpu.memref_squeeze %dma_start3A_425 : memref<1x!tpu.dma_semaphore, #tpu.memory_space<semaphore_mem>> -> memref<!tpu.dma_semaphore, #tpu.memory_space<semaphore_mem>>
        tpu.enqueue_indirect_dma source(%dma_start3A_424 : memref<10240x128xf32, #tpu.memory_space<hbm>>) target(%dma_start3A_418 : memref<128x128xf32, #tpu.memory_space<vmem>>) offsets(%dma_start3A_421 : memref<128xi32, #tpu.memory_space<vmem>>) semaphore(%dma_start3A_426 : memref<!tpu.dma_semaphore, #tpu.memory_space<semaphore_mem>>)
      } else {
      }
      %add3A_272 = arith.constant 3 : i32
      %add3A_273 = arith.addi %add3A_226, %add3A_272 : i32
      %lt3A_274 = arith.cmpi slt, %add3A_273, %select_n3A_8 : i32
      %convert_element_type3A_275 = arith.extui %lt3A_274 : i1 to i32
      %cond3A_276 = arith.constant 0 : i32
      %cond3A_277 = arith.cmpi ne, %convert_element_type3A_275, %cond3A_276 : i32
      scf.if %cond3A_277 {
        %add3A_388 = arith.constant 3 : i32
        %add3A_389 = arith.addi %add3A_226, %add3A_388 : i32
        %add3A_390 = arith.addi %select_n3A, %add3A_389 : i32
        %dma_start3A_391 = arith.constant 0 : i32
        %dma_start3A_392 = arith.constant 0 : i32
        %dma_start3A_393 = arith.constant 0 : i32
        %dma_start3A_394 = arith.constant 0 : i32
        %dma_start3A_395 = tpu.memref_slice %arg5[%dma_start3A_391, %dma_start3A_393, %dma_start3A_394] : memref<4x2x128xi32, #tpu.memory_space<vmem>> -> memref<1x2x128xi32, #tpu.memory_space<vmem>>
        %dma_start3A_396 = tpu.memref_squeeze %dma_start3A_395 : memref<1x2x128xi32, #tpu.memory_space<vmem>> -> memref<2x128xi32, #tpu.memory_space<vmem>>
        %dma_start3A_397 = arith.constant 0 : i32
        %dma_start3A_398 = arith.constant 0 : i32
        %dma_start3A_399 = tpu.memref_slice %arg2[%add3A_390, %dma_start3A_397, %dma_start3A_398] : memref<2560x2x128xi32, #tpu.memory_space<hbm>> -> memref<1x2x128xi32, #tpu.memory_space<hbm>>
        %dma_start3A_400 = tpu.memref_squeeze %dma_start3A_399 : memref<1x2x128xi32, #tpu.memory_space<hbm>> -> memref<2x128xi32, #tpu.memory_space<hbm>>
        %dma_start3A_401 = tpu.memref_slice %arg8[%dma_start3A_392] : memref<4x!tpu.dma_semaphore, #tpu.memory_space<semaphore_mem>> -> memref<1x!tpu.dma_semaphore, #tpu.memory_space<semaphore_mem>>
        %dma_start3A_402 = tpu.memref_squeeze %dma_start3A_401 : memref<1x!tpu.dma_semaphore, #tpu.memory_space<semaphore_mem>> -> memref<!tpu.dma_semaphore, #tpu.memory_space<semaphore_mem>>
        %dma_start3A_403 = arith.constant 0 : i32
        %dma_start3A_404 = arith.constant 0 : i32
        %dma_start3A_405 = tpu.memref_slice %arg5[%dma_start3A_391, %dma_start3A_403, %dma_start3A_404] : memref<4x2x128xi32, #tpu.memory_space<vmem>> -> memref<1x2x128xi32, #tpu.memory_space<vmem>>
        %dma_start3A_406 = tpu.memref_squeeze %dma_start3A_405 : memref<1x2x128xi32, #tpu.memory_space<vmem>> -> memref<2x128xi32, #tpu.memory_space<vmem>>
        %dma_start3A_407 = arith.constant 0 : i32
        %dma_start3A_408 = arith.constant 0 : i32
        %dma_start3A_409 = tpu.memref_slice %arg2[%add3A_390, %dma_start3A_407, %dma_start3A_408] : memref<2560x2x128xi32, #tpu.memory_space<hbm>> -> memref<1x2x128xi32, #tpu.memory_space<hbm>>
        %dma_start3A_410 = tpu.memref_squeeze %dma_start3A_409 : memref<1x2x128xi32, #tpu.memory_space<hbm>> -> memref<2x128xi32, #tpu.memory_space<hbm>>
        tpu.enqueue_dma source(%dma_start3A_410 : memref<2x128xi32, #tpu.memory_space<hbm>>) target(%dma_start3A_406 : memref<2x128xi32, #tpu.memory_space<vmem>>) target_semaphore(%dma_start3A_402 : memref<!tpu.dma_semaphore, #tpu.memory_space<semaphore_mem>>)
      } else {
      }
      %mul3A_278 = arith.constant 4 : i32
      %mul3A_279 = arith.muli %while3A_171, %mul3A_278 : i32
      %add3A_280 = arith.constant 2 : i32
      %add3A_281 = arith.addi %mul3A_279, %add3A_280 : i32
      %dma_wait3A_282 = arith.constant 2 : i32
      %dma_wait3A_283 = arith.constant 0 : i32
      %dma_wait3A_284 = arith.constant 0 : i32
      %dma_wait3A_285 = arith.constant 0 : i32
      %dma_wait3A_286 = arith.constant 0 : i32
      %dma_wait3A_287 = arith.constant 0 : i32
      %dma_wait3A_288 = tpu.memref_slice %arg6[%dma_wait3A_284, %dma_wait3A_286, %dma_wait3A_287] : memref<2x128x128xf32, #tpu.memory_space<vmem>> -> memref<1x128x128xf32, #tpu.memory_space<vmem>>
      %dma_wait3A_289 = tpu.memref_squeeze %dma_wait3A_288 : memref<1x128x128xf32, #tpu.memory_space<vmem>> -> memref<128x128xf32, #tpu.memory_space<vmem>>
      %dma_wait3A_290 = arith.constant 0 : i32
      %dma_wait3A_291 = tpu.memref_slice %arg5[%dma_wait3A_282, %dma_wait3A_283, %dma_wait3A_290] : memref<4x2x128xi32, #tpu.memory_space<vmem>> -> memref<1x1x128xi32, #tpu.memory_space<vmem>>
      %dma_wait3A_292 = tpu.memref_squeeze %dma_wait3A_291 : memref<1x1x128xi32, #tpu.memory_space<vmem>> -> memref<128xi32, #tpu.memory_space<vmem>>
      %dma_wait3A_293 = arith.constant 0 : i32
      %dma_wait3A_294 = arith.constant 0 : i32
      %dma_wait3A_295 = tpu.memref_slice %arg3[%dma_wait3A_293, %dma_wait3A_294] : memref<10240x128xf32, #tpu.memory_space<hbm>> -> memref<10240x128xf32, #tpu.memory_space<hbm>>
      %dma_wait3A_296 = tpu.memref_slice %arg9[%dma_wait3A_285] : memref<2x!tpu.dma_semaphore, #tpu.memory_space<semaphore_mem>> -> memref<1x!tpu.dma_semaphore, #tpu.memory_space<semaphore_mem>>
      %dma_wait3A_297 = tpu.memref_squeeze %dma_wait3A_296 : memref<1x!tpu.dma_semaphore, #tpu.memory_space<semaphore_mem>> -> memref<!tpu.dma_semaphore, #tpu.memory_space<semaphore_mem>>
      tpu.wait_indirect_dma semaphore(%dma_wait3A_297 : memref<!tpu.dma_semaphore, #tpu.memory_space<semaphore_mem>>) src(%dma_wait3A_295 : memref<10240x128xf32, #tpu.memory_space<hbm>>) dst(%dma_wait3A_289 : memref<128x128xf32, #tpu.memory_space<vmem>>)
      %dma_start3A_298 = arith.constant 0 : i32
      %dma_start3A_299 = arith.constant 2 : i32
      %dma_start3A_300 = arith.constant 1 : i32
      %dma_start3A_301 = arith.constant 0 : i32
      %dma_start3A_302 = arith.constant 0 : i32
      %dma_start3A_303 = arith.constant 0 : i32
      %dma_start3A_304 = tpu.memref_slice %arg6[%dma_start3A_298, %dma_start3A_302, %dma_start3A_303] : memref<2x128x128xf32, #tpu.memory_space<vmem>> -> memref<1x128x128xf32, #tpu.memory_space<vmem>>
      %dma_start3A_305 = tpu.memref_squeeze %dma_start3A_304 : memref<1x128x128xf32, #tpu.memory_space<vmem>> -> memref<128x128xf32, #tpu.memory_space<vmem>>
      %dma_start3A_306 = arith.constant 0 : i32
      %dma_start3A_307 = tpu.memref_slice %arg5[%dma_start3A_299, %dma_start3A_300, %dma_start3A_306] : memref<4x2x128xi32, #tpu.memory_space<vmem>> -> memref<1x1x128xi32, #tpu.memory_space<vmem>>
      %dma_start3A_308 = tpu.memref_squeeze %dma_start3A_307 : memref<1x1x128xi32, #tpu.memory_space<vmem>> -> memref<128xi32, #tpu.memory_space<vmem>>
      %dma_start3A_309 = arith.constant 0 : i32
      %dma_start3A_310 = arith.constant 0 : i32
      %dma_start3A_311 = tpu.memref_slice %arg7[%dma_start3A_309, %dma_start3A_310] : memref<10240x128xf32, #tpu.memory_space<vmem_shared>> -> memref<10240x128xf32, #tpu.memory_space<vmem_shared>>
      %dma_start3A_312 = tpu.memref_slice %arg10[%dma_start3A_301] : memref<2x!tpu.dma_semaphore, #tpu.memory_space<semaphore_mem>> -> memref<1x!tpu.dma_semaphore, #tpu.memory_space<semaphore_mem>>
      %dma_start3A_313 = tpu.memref_squeeze %dma_start3A_312 : memref<1x!tpu.dma_semaphore, #tpu.memory_space<semaphore_mem>> -> memref<!tpu.dma_semaphore, #tpu.memory_space<semaphore_mem>>
      tpu.enqueue_indirect_dma source(%dma_start3A_305 : memref<128x128xf32, #tpu.memory_space<vmem>>) target(%dma_start3A_311 : memref<10240x128xf32, #tpu.memory_space<vmem_shared>>) offsets(%dma_start3A_308 : memref<128xi32, #tpu.memory_space<vmem>>) semaphore(%dma_start3A_313 : memref<!tpu.dma_semaphore, #tpu.memory_space<semaphore_mem>>) {add = true}
      %sub3A_314 = arith.constant 1 : i32
      %sub3A_315 = arith.subi %add3A_281, %sub3A_314 : i32
      %ge3A_316 = arith.constant 0 : i32
      %ge3A_317 = arith.cmpi sge, %sub3A_315, %ge3A_316 : i32
      %convert_element_type3A_318 = arith.extui %ge3A_317 : i1 to i32
      %cond3A_319 = arith.constant 0 : i32
      %cond3A_320 = arith.cmpi ne, %convert_element_type3A_318, %cond3A_319 : i32
      scf.if %cond3A_320 {
        %dma_wait3A_388 = arith.constant 1 : i32
        %dma_wait3A_389 = arith.constant 3 : i32
        %dma_wait3A_390 = arith.constant 1 : i32
        %dma_wait3A_391 = arith.constant 1 : i32
        %dma_wait3A_392 = arith.constant 0 : i32
        %dma_wait3A_393 = arith.constant 0 : i32
        %dma_wait3A_394 = tpu.memref_slice %arg6[%dma_wait3A_388, %dma_wait3A_392, %dma_wait3A_393] : memref<2x128x128xf32, #tpu.memory_space<vmem>> -> memref<1x128x128xf32, #tpu.memory_space<vmem>>
        %dma_wait3A_395 = tpu.memref_squeeze %dma_wait3A_394 : memref<1x128x128xf32, #tpu.memory_space<vmem>> -> memref<128x128xf32, #tpu.memory_space<vmem>>
        %dma_wait3A_396 = arith.constant 0 : i32
        %dma_wait3A_397 = tpu.memref_slice %arg5[%dma_wait3A_389, %dma_wait3A_390, %dma_wait3A_396] : memref<4x2x128xi32, #tpu.memory_space<vmem>> -> memref<1x1x128xi32, #tpu.memory_space<vmem>>
        %dma_wait3A_398 = tpu.memref_squeeze %dma_wait3A_397 : memref<1x1x128xi32, #tpu.memory_space<vmem>> -> memref<128xi32, #tpu.memory_space<vmem>>
        %dma_wait3A_399 = arith.constant 0 : i32
        %dma_wait3A_400 = arith.constant 0 : i32
        %dma_wait3A_401 = tpu.memref_slice %arg7[%dma_wait3A_399, %dma_wait3A_400] : memref<10240x128xf32, #tpu.memory_space<vmem_shared>> -> memref<10240x128xf32, #tpu.memory_space<vmem_shared>>
        %dma_wait3A_402 = tpu.memref_slice %arg10[%dma_wait3A_391] : memref<2x!tpu.dma_semaphore, #tpu.memory_space<semaphore_mem>> -> memref<1x!tpu.dma_semaphore, #tpu.memory_space<semaphore_mem>>
        %dma_wait3A_403 = tpu.memref_squeeze %dma_wait3A_402 : memref<1x!tpu.dma_semaphore, #tpu.memory_space<semaphore_mem>> -> memref<!tpu.dma_semaphore, #tpu.memory_space<semaphore_mem>>
        tpu.wait_indirect_dma semaphore(%dma_wait3A_403 : memref<!tpu.dma_semaphore, #tpu.memory_space<semaphore_mem>>) src(%dma_wait3A_395 : memref<128x128xf32, #tpu.memory_space<vmem>>) dst(%dma_wait3A_401 : memref<10240x128xf32, #tpu.memory_space<vmem_shared>>)
      } else {
      }
      %add3A_321 = arith.constant 1 : i32
      %add3A_322 = arith.addi %add3A_281, %add3A_321 : i32
      %lt3A_323 = arith.cmpi slt, %add3A_322, %select_n3A_8 : i32
      %convert_element_type3A_324 = arith.extui %lt3A_323 : i1 to i32
      %cond3A_325 = arith.constant 0 : i32
      %cond3A_326 = arith.cmpi ne, %convert_element_type3A_324, %cond3A_325 : i32
      scf.if %cond3A_326 {
        %add3A_388 = arith.constant 1 : i32
        %add3A_389 = arith.addi %add3A_281, %add3A_388 : i32
        %add3A_390 = arith.addi %select_n3A, %add3A_389 : i32
        %dma_wait3A_391 = arith.constant 3 : i32
        %dma_wait3A_392 = arith.constant 3 : i32
        %dma_wait3A_393 = arith.constant 0 : i32
        %dma_wait3A_394 = arith.constant 0 : i32
        %dma_wait3A_395 = tpu.memref_slice %arg5[%dma_wait3A_391, %dma_wait3A_393, %dma_wait3A_394] : memref<4x2x128xi32, #tpu.memory_space<vmem>> -> memref<1x2x128xi32, #tpu.memory_space<vmem>>
        %dma_wait3A_396 = tpu.memref_squeeze %dma_wait3A_395 : memref<1x2x128xi32, #tpu.memory_space<vmem>> -> memref<2x128xi32, #tpu.memory_space<vmem>>
        %dma_wait3A_397 = arith.constant 0 : i32
        %dma_wait3A_398 = arith.constant 0 : i32
        %dma_wait3A_399 = tpu.memref_slice %arg2[%add3A_390, %dma_wait3A_397, %dma_wait3A_398] : memref<2560x2x128xi32, #tpu.memory_space<hbm>> -> memref<1x2x128xi32, #tpu.memory_space<hbm>>
        %dma_wait3A_400 = tpu.memref_squeeze %dma_wait3A_399 : memref<1x2x128xi32, #tpu.memory_space<hbm>> -> memref<2x128xi32, #tpu.memory_space<hbm>>
        %dma_wait3A_401 = tpu.memref_slice %arg8[%dma_wait3A_392] : memref<4x!tpu.dma_semaphore, #tpu.memory_space<semaphore_mem>> -> memref<1x!tpu.dma_semaphore, #tpu.memory_space<semaphore_mem>>
        %dma_wait3A_402 = tpu.memref_squeeze %dma_wait3A_401 : memref<1x!tpu.dma_semaphore, #tpu.memory_space<semaphore_mem>> -> memref<!tpu.dma_semaphore, #tpu.memory_space<semaphore_mem>>
        %dma_wait3A_403 = arith.constant 0 : i32
        %dma_wait3A_404 = arith.constant 0 : i32
        %dma_wait3A_405 = tpu.memref_slice %arg5[%dma_wait3A_391, %dma_wait3A_403, %dma_wait3A_404] : memref<4x2x128xi32, #tpu.memory_space<vmem>> -> memref<1x2x128xi32, #tpu.memory_space<vmem>>
        %dma_wait3A_406 = tpu.memref_squeeze %dma_wait3A_405 : memref<1x2x128xi32, #tpu.memory_space<vmem>> -> memref<2x128xi32, #tpu.memory_space<vmem>>
        %dma_wait3A_407 = arith.constant 0 : i32
        %dma_wait3A_408 = arith.constant 0 : i32
        %dma_wait3A_409 = tpu.memref_slice %arg2[%add3A_390, %dma_wait3A_407, %dma_wait3A_408] : memref<2560x2x128xi32, #tpu.memory_space<hbm>> -> memref<1x2x128xi32, #tpu.memory_space<hbm>>
        %dma_wait3A_410 = tpu.memref_squeeze %dma_wait3A_409 : memref<1x2x128xi32, #tpu.memory_space<hbm>> -> memref<2x128xi32, #tpu.memory_space<hbm>>
        tpu.wait_dma2 semaphore(%dma_wait3A_402 : memref<!tpu.dma_semaphore, #tpu.memory_space<semaphore_mem>>) src(%dma_wait3A_410 : memref<2x128xi32, #tpu.memory_space<hbm>>) dst(%dma_wait3A_406 : memref<2x128xi32, #tpu.memory_space<vmem>>)
        %dma_start3A_411 = arith.constant 3 : i32
        %dma_start3A_412 = arith.constant 0 : i32
        %dma_start3A_413 = arith.constant 1 : i32
        %dma_start3A_414 = arith.constant 1 : i32
        %dma_start3A_415 = arith.constant 0 : i32
        %dma_start3A_416 = arith.constant 0 : i32
        %dma_start3A_417 = tpu.memref_slice %arg6[%dma_start3A_413, %dma_start3A_415, %dma_start3A_416] : memref<2x128x128xf32, #tpu.memory_space<vmem>> -> memref<1x128x128xf32, #tpu.memory_space<vmem>>
        %dma_start3A_418 = tpu.memref_squeeze %dma_start3A_417 : memref<1x128x128xf32, #tpu.memory_space<vmem>> -> memref<128x128xf32, #tpu.memory_space<vmem>>
        %dma_start3A_419 = arith.constant 0 : i32
        %dma_start3A_420 = tpu.memref_slice %arg5[%dma_start3A_411, %dma_start3A_412, %dma_start3A_419] : memref<4x2x128xi32, #tpu.memory_space<vmem>> -> memref<1x1x128xi32, #tpu.memory_space<vmem>>
        %dma_start3A_421 = tpu.memref_squeeze %dma_start3A_420 : memref<1x1x128xi32, #tpu.memory_space<vmem>> -> memref<128xi32, #tpu.memory_space<vmem>>
        %dma_start3A_422 = arith.constant 0 : i32
        %dma_start3A_423 = arith.constant 0 : i32
        %dma_start3A_424 = tpu.memref_slice %arg3[%dma_start3A_422, %dma_start3A_423] : memref<10240x128xf32, #tpu.memory_space<hbm>> -> memref<10240x128xf32, #tpu.memory_space<hbm>>
        %dma_start3A_425 = tpu.memref_slice %arg9[%dma_start3A_414] : memref<2x!tpu.dma_semaphore, #tpu.memory_space<semaphore_mem>> -> memref<1x!tpu.dma_semaphore, #tpu.memory_space<semaphore_mem>>
        %dma_start3A_426 = tpu.memref_squeeze %dma_start3A_425 : memref<1x!tpu.dma_semaphore, #tpu.memory_space<semaphore_mem>> -> memref<!tpu.dma_semaphore, #tpu.memory_space<semaphore_mem>>
        tpu.enqueue_indirect_dma source(%dma_start3A_424 : memref<10240x128xf32, #tpu.memory_space<hbm>>) target(%dma_start3A_418 : memref<128x128xf32, #tpu.memory_space<vmem>>) offsets(%dma_start3A_421 : memref<128xi32, #tpu.memory_space<vmem>>) semaphore(%dma_start3A_426 : memref<!tpu.dma_semaphore, #tpu.memory_space<semaphore_mem>>)
      } else {
      }
      %add3A_327 = arith.constant 3 : i32
      %add3A_328 = arith.addi %add3A_281, %add3A_327 : i32
      %lt3A_329 = arith.cmpi slt, %add3A_328, %select_n3A_8 : i32
      %convert_element_type3A_330 = arith.extui %lt3A_329 : i1 to i32
      %cond3A_331 = arith.constant 0 : i32
      %cond3A_332 = arith.cmpi ne, %convert_element_type3A_330, %cond3A_331 : i32
      scf.if %cond3A_332 {
        %add3A_388 = arith.constant 3 : i32
        %add3A_389 = arith.addi %add3A_281, %add3A_388 : i32
        %add3A_390 = arith.addi %select_n3A, %add3A_389 : i32
        %dma_start3A_391 = arith.constant 1 : i32
        %dma_start3A_392 = arith.constant 1 : i32
        %dma_start3A_393 = arith.constant 0 : i32
        %dma_start3A_394 = arith.constant 0 : i32
        %dma_start3A_395 = tpu.memref_slice %arg5[%dma_start3A_391, %dma_start3A_393, %dma_start3A_394] : memref<4x2x128xi32, #tpu.memory_space<vmem>> -> memref<1x2x128xi32, #tpu.memory_space<vmem>>
        %dma_start3A_396 = tpu.memref_squeeze %dma_start3A_395 : memref<1x2x128xi32, #tpu.memory_space<vmem>> -> memref<2x128xi32, #tpu.memory_space<vmem>>
        %dma_start3A_397 = arith.constant 0 : i32
        %dma_start3A_398 = arith.constant 0 : i32
        %dma_start3A_399 = tpu.memref_slice %arg2[%add3A_390, %dma_start3A_397, %dma_start3A_398] : memref<2560x2x128xi32, #tpu.memory_space<hbm>> -> memref<1x2x128xi32, #tpu.memory_space<hbm>>
        %dma_start3A_400 = tpu.memref_squeeze %dma_start3A_399 : memref<1x2x128xi32, #tpu.memory_space<hbm>> -> memref<2x128xi32, #tpu.memory_space<hbm>>
        %dma_start3A_401 = tpu.memref_slice %arg8[%dma_start3A_392] : memref<4x!tpu.dma_semaphore, #tpu.memory_space<semaphore_mem>> -> memref<1x!tpu.dma_semaphore, #tpu.memory_space<semaphore_mem>>
        %dma_start3A_402 = tpu.memref_squeeze %dma_start3A_401 : memref<1x!tpu.dma_semaphore, #tpu.memory_space<semaphore_mem>> -> memref<!tpu.dma_semaphore, #tpu.memory_space<semaphore_mem>>
        %dma_start3A_403 = arith.constant 0 : i32
        %dma_start3A_404 = arith.constant 0 : i32
        %dma_start3A_405 = tpu.memref_slice %arg5[%dma_start3A_391, %dma_start3A_403, %dma_start3A_404] : memref<4x2x128xi32, #tpu.memory_space<vmem>> -> memref<1x2x128xi32, #tpu.memory_space<vmem>>
        %dma_start3A_406 = tpu.memref_squeeze %dma_start3A_405 : memref<1x2x128xi32, #tpu.memory_space<vmem>> -> memref<2x128xi32, #tpu.memory_space<vmem>>
        %dma_start3A_407 = arith.constant 0 : i32
        %dma_start3A_408 = arith.constant 0 : i32
        %dma_start3A_409 = tpu.memref_slice %arg2[%add3A_390, %dma_start3A_407, %dma_start3A_408] : memref<2560x2x128xi32, #tpu.memory_space<hbm>> -> memref<1x2x128xi32, #tpu.memory_space<hbm>>
        %dma_start3A_410 = tpu.memref_squeeze %dma_start3A_409 : memref<1x2x128xi32, #tpu.memory_space<hbm>> -> memref<2x128xi32, #tpu.memory_space<hbm>>
        tpu.enqueue_dma source(%dma_start3A_410 : memref<2x128xi32, #tpu.memory_space<hbm>>) target(%dma_start3A_406 : memref<2x128xi32, #tpu.memory_space<vmem>>) target_semaphore(%dma_start3A_402 : memref<!tpu.dma_semaphore, #tpu.memory_space<semaphore_mem>>)
      } else {
      }
      %mul3A_333 = arith.constant 4 : i32
      %mul3A_334 = arith.muli %while3A_171, %mul3A_333 : i32
      %add3A_335 = arith.constant 3 : i32
      %add3A_336 = arith.addi %mul3A_334, %add3A_335 : i32
      %dma_wait3A_337 = arith.constant 3 : i32
      %dma_wait3A_338 = arith.constant 0 : i32
      %dma_wait3A_339 = arith.constant 1 : i32
      %dma_wait3A_340 = arith.constant 1 : i32
      %dma_wait3A_341 = arith.constant 0 : i32
      %dma_wait3A_342 = arith.constant 0 : i32
      %dma_wait3A_343 = tpu.memref_slice %arg6[%dma_wait3A_339, %dma_wait3A_341, %dma_wait3A_342] : memref<2x128x128xf32, #tpu.memory_space<vmem>> -> memref<1x128x128xf32, #tpu.memory_space<vmem>>
      %dma_wait3A_344 = tpu.memref_squeeze %dma_wait3A_343 : memref<1x128x128xf32, #tpu.memory_space<vmem>> -> memref<128x128xf32, #tpu.memory_space<vmem>>
      %dma_wait3A_345 = arith.constant 0 : i32
      %dma_wait3A_346 = tpu.memref_slice %arg5[%dma_wait3A_337, %dma_wait3A_338, %dma_wait3A_345] : memref<4x2x128xi32, #tpu.memory_space<vmem>> -> memref<1x1x128xi32, #tpu.memory_space<vmem>>
      %dma_wait3A_347 = tpu.memref_squeeze %dma_wait3A_346 : memref<1x1x128xi32, #tpu.memory_space<vmem>> -> memref<128xi32, #tpu.memory_space<vmem>>
      %dma_wait3A_348 = arith.constant 0 : i32
      %dma_wait3A_349 = arith.constant 0 : i32
      %dma_wait3A_350 = tpu.memref_slice %arg3[%dma_wait3A_348, %dma_wait3A_349] : memref<10240x128xf32, #tpu.memory_space<hbm>> -> memref<10240x128xf32, #tpu.memory_space<hbm>>
      %dma_wait3A_351 = tpu.memref_slice %arg9[%dma_wait3A_340] : memref<2x!tpu.dma_semaphore, #tpu.memory_space<semaphore_mem>> -> memref<1x!tpu.dma_semaphore, #tpu.memory_space<semaphore_mem>>
      %dma_wait3A_352 = tpu.memref_squeeze %dma_wait3A_351 : memref<1x!tpu.dma_semaphore, #tpu.memory_space<semaphore_mem>> -> memref<!tpu.dma_semaphore, #tpu.memory_space<semaphore_mem>>
      tpu.wait_indirect_dma semaphore(%dma_wait3A_352 : memref<!tpu.dma_semaphore, #tpu.memory_space<semaphore_mem>>) src(%dma_wait3A_350 : memref<10240x128xf32, #tpu.memory_space<hbm>>) dst(%dma_wait3A_344 : memref<128x128xf32, #tpu.memory_space<vmem>>)
      %dma_start3A_353 = arith.constant 1 : i32
      %dma_start3A_354 = arith.constant 3 : i32
      %dma_start3A_355 = arith.constant 1 : i32
      %dma_start3A_356 = arith.constant 1 : i32
      %dma_start3A_357 = arith.constant 0 : i32
      %dma_start3A_358 = arith.constant 0 : i32
      %dma_start3A_359 = tpu.memref_slice %arg6[%dma_start3A_353, %dma_start3A_357, %dma_start3A_358] : memref<2x128x128xf32, #tpu.memory_space<vmem>> -> memref<1x128x128xf32, #tpu.memory_space<vmem>>
      %dma_start3A_360 = tpu.memref_squeeze %dma_start3A_359 : memref<1x128x128xf32, #tpu.memory_space<vmem>> -> memref<128x128xf32, #tpu.memory_space<vmem>>
      %dma_start3A_361 = arith.constant 0 : i32
      %dma_start3A_362 = tpu.memref_slice %arg5[%dma_start3A_354, %dma_start3A_355, %dma_start3A_361] : memref<4x2x128xi32, #tpu.memory_space<vmem>> -> memref<1x1x128xi32, #tpu.memory_space<vmem>>
      %dma_start3A_363 = tpu.memref_squeeze %dma_start3A_362 : memref<1x1x128xi32, #tpu.memory_space<vmem>> -> memref<128xi32, #tpu.memory_space<vmem>>
      %dma_start3A_364 = arith.constant 0 : i32
      %dma_start3A_365 = arith.constant 0 : i32
      %dma_start3A_366 = tpu.memref_slice %arg7[%dma_start3A_364, %dma_start3A_365] : memref<10240x128xf32, #tpu.memory_space<vmem_shared>> -> memref<10240x128xf32, #tpu.memory_space<vmem_shared>>
      %dma_start3A_367 = tpu.memref_slice %arg10[%dma_start3A_356] : memref<2x!tpu.dma_semaphore, #tpu.memory_space<semaphore_mem>> -> memref<1x!tpu.dma_semaphore, #tpu.memory_space<semaphore_mem>>
      %dma_start3A_368 = tpu.memref_squeeze %dma_start3A_367 : memref<1x!tpu.dma_semaphore, #tpu.memory_space<semaphore_mem>> -> memref<!tpu.dma_semaphore, #tpu.memory_space<semaphore_mem>>
      tpu.enqueue_indirect_dma source(%dma_start3A_360 : memref<128x128xf32, #tpu.memory_space<vmem>>) target(%dma_start3A_366 : memref<10240x128xf32, #tpu.memory_space<vmem_shared>>) offsets(%dma_start3A_363 : memref<128xi32, #tpu.memory_space<vmem>>) semaphore(%dma_start3A_368 : memref<!tpu.dma_semaphore, #tpu.memory_space<semaphore_mem>>) {add = true}
      %sub3A_369 = arith.constant 1 : i32
      %sub3A_370 = arith.subi %add3A_336, %sub3A_369 : i32
      %ge3A_371 = arith.constant 0 : i32
      %ge3A_372 = arith.cmpi sge, %sub3A_370, %ge3A_371 : i32
      %convert_element_type3A_373 = arith.extui %ge3A_372 : i1 to i32
      %cond3A_374 = arith.constant 0 : i32
      %cond3A_375 = arith.cmpi ne, %convert_element_type3A_373, %cond3A_374 : i32
      scf.if %cond3A_375 {
        %dma_wait3A_388 = arith.constant 0 : i32
        %dma_wait3A_389 = arith.constant 0 : i32
        %dma_wait3A_390 = arith.constant 1 : i32
        %dma_wait3A_391 = arith.constant 0 : i32
        %dma_wait3A_392 = arith.constant 0 : i32
        %dma_wait3A_393 = arith.constant 0 : i32
        %dma_wait3A_394 = tpu.memref_slice %arg6[%dma_wait3A_388, %dma_wait3A_392, %dma_wait3A_393] : memref<2x128x128xf32, #tpu.memory_space<vmem>> -> memref<1x128x128xf32, #tpu.memory_space<vmem>>
        %dma_wait3A_395 = tpu.memref_squeeze %dma_wait3A_394 : memref<1x128x128xf32, #tpu.memory_space<vmem>> -> memref<128x128xf32, #tpu.memory_space<vmem>>
        %dma_wait3A_396 = arith.constant 0 : i32
        %dma_wait3A_397 = tpu.memref_slice %arg5[%dma_wait3A_389, %dma_wait3A_390, %dma_wait3A_396] : memref<4x2x128xi32, #tpu.memory_space<vmem>> -> memref<1x1x128xi32, #tpu.memory_space<vmem>>
        %dma_wait3A_398 = tpu.memref_squeeze %dma_wait3A_397 : memref<1x1x128xi32, #tpu.memory_space<vmem>> -> memref<128xi32, #tpu.memory_space<vmem>>
        %dma_wait3A_399 = arith.constant 0 : i32
        %dma_wait3A_400 = arith.constant 0 : i32
        %dma_wait3A_401 = tpu.memref_slice %arg7[%dma_wait3A_399, %dma_wait3A_400] : memref<10240x128xf32, #tpu.memory_space<vmem_shared>> -> memref<10240x128xf32, #tpu.memory_space<vmem_shared>>
        %dma_wait3A_402 = tpu.memref_slice %arg10[%dma_wait3A_391] : memref<2x!tpu.dma_semaphore, #tpu.memory_space<semaphore_mem>> -> memref<1x!tpu.dma_semaphore, #tpu.memory_space<semaphore_mem>>
        %dma_wait3A_403 = tpu.memref_squeeze %dma_wait3A_402 : memref<1x!tpu.dma_semaphore, #tpu.memory_space<semaphore_mem>> -> memref<!tpu.dma_semaphore, #tpu.memory_space<semaphore_mem>>
        tpu.wait_indirect_dma semaphore(%dma_wait3A_403 : memref<!tpu.dma_semaphore, #tpu.memory_space<semaphore_mem>>) src(%dma_wait3A_395 : memref<128x128xf32, #tpu.memory_space<vmem>>) dst(%dma_wait3A_401 : memref<10240x128xf32, #tpu.memory_space<vmem_shared>>)
      } else {
      }
      %add3A_376 = arith.constant 1 : i32
      %add3A_377 = arith.addi %add3A_336, %add3A_376 : i32
      %lt3A_378 = arith.cmpi slt, %add3A_377, %select_n3A_8 : i32
      %convert_element_type3A_379 = arith.extui %lt3A_378 : i1 to i32
      %cond3A_380 = arith.constant 0 : i32
      %cond3A_381 = arith.cmpi ne, %convert_element_type3A_379, %cond3A_380 : i32
      scf.if %cond3A_381 {
        %add3A_388 = arith.constant 1 : i32
        %add3A_389 = arith.addi %add3A_336, %add3A_388 : i32
        %add3A_390 = arith.addi %select_n3A, %add3A_389 : i32
        %dma_wait3A_391 = arith.constant 0 : i32
        %dma_wait3A_392 = arith.constant 0 : i32
        %dma_wait3A_393 = arith.constant 0 : i32
        %dma_wait3A_394 = arith.constant 0 : i32
        %dma_wait3A_395 = tpu.memref_slice %arg5[%dma_wait3A_391, %dma_wait3A_393, %dma_wait3A_394] : memref<4x2x128xi32, #tpu.memory_space<vmem>> -> memref<1x2x128xi32, #tpu.memory_space<vmem>>
        %dma_wait3A_396 = tpu.memref_squeeze %dma_wait3A_395 : memref<1x2x128xi32, #tpu.memory_space<vmem>> -> memref<2x128xi32, #tpu.memory_space<vmem>>
        %dma_wait3A_397 = arith.constant 0 : i32
        %dma_wait3A_398 = arith.constant 0 : i32
        %dma_wait3A_399 = tpu.memref_slice %arg2[%add3A_390, %dma_wait3A_397, %dma_wait3A_398] : memref<2560x2x128xi32, #tpu.memory_space<hbm>> -> memref<1x2x128xi32, #tpu.memory_space<hbm>>
        %dma_wait3A_400 = tpu.memref_squeeze %dma_wait3A_399 : memref<1x2x128xi32, #tpu.memory_space<hbm>> -> memref<2x128xi32, #tpu.memory_space<hbm>>
        %dma_wait3A_401 = tpu.memref_slice %arg8[%dma_wait3A_392] : memref<4x!tpu.dma_semaphore, #tpu.memory_space<semaphore_mem>> -> memref<1x!tpu.dma_semaphore, #tpu.memory_space<semaphore_mem>>
        %dma_wait3A_402 = tpu.memref_squeeze %dma_wait3A_401 : memref<1x!tpu.dma_semaphore, #tpu.memory_space<semaphore_mem>> -> memref<!tpu.dma_semaphore, #tpu.memory_space<semaphore_mem>>
        %dma_wait3A_403 = arith.constant 0 : i32
        %dma_wait3A_404 = arith.constant 0 : i32
        %dma_wait3A_405 = tpu.memref_slice %arg5[%dma_wait3A_391, %dma_wait3A_403, %dma_wait3A_404] : memref<4x2x128xi32, #tpu.memory_space<vmem>> -> memref<1x2x128xi32, #tpu.memory_space<vmem>>
        %dma_wait3A_406 = tpu.memref_squeeze %dma_wait3A_405 : memref<1x2x128xi32, #tpu.memory_space<vmem>> -> memref<2x128xi32, #tpu.memory_space<vmem>>
        %dma_wait3A_407 = arith.constant 0 : i32
        %dma_wait3A_408 = arith.constant 0 : i32
        %dma_wait3A_409 = tpu.memref_slice %arg2[%add3A_390, %dma_wait3A_407, %dma_wait3A_408] : memref<2560x2x128xi32, #tpu.memory_space<hbm>> -> memref<1x2x128xi32, #tpu.memory_space<hbm>>
        %dma_wait3A_410 = tpu.memref_squeeze %dma_wait3A_409 : memref<1x2x128xi32, #tpu.memory_space<hbm>> -> memref<2x128xi32, #tpu.memory_space<hbm>>
        tpu.wait_dma2 semaphore(%dma_wait3A_402 : memref<!tpu.dma_semaphore, #tpu.memory_space<semaphore_mem>>) src(%dma_wait3A_410 : memref<2x128xi32, #tpu.memory_space<hbm>>) dst(%dma_wait3A_406 : memref<2x128xi32, #tpu.memory_space<vmem>>)
        %dma_start3A_411 = arith.constant 0 : i32
        %dma_start3A_412 = arith.constant 0 : i32
        %dma_start3A_413 = arith.constant 0 : i32
        %dma_start3A_414 = arith.constant 0 : i32
        %dma_start3A_415 = arith.constant 0 : i32
        %dma_start3A_416 = arith.constant 0 : i32
        %dma_start3A_417 = tpu.memref_slice %arg6[%dma_start3A_413, %dma_start3A_415, %dma_start3A_416] : memref<2x128x128xf32, #tpu.memory_space<vmem>> -> memref<1x128x128xf32, #tpu.memory_space<vmem>>
        %dma_start3A_418 = tpu.memref_squeeze %dma_start3A_417 : memref<1x128x128xf32, #tpu.memory_space<vmem>> -> memref<128x128xf32, #tpu.memory_space<vmem>>
        %dma_start3A_419 = arith.constant 0 : i32
        %dma_start3A_420 = tpu.memref_slice %arg5[%dma_start3A_411, %dma_start3A_412, %dma_start3A_419] : memref<4x2x128xi32, #tpu.memory_space<vmem>> -> memref<1x1x128xi32, #tpu.memory_space<vmem>>
        %dma_start3A_421 = tpu.memref_squeeze %dma_start3A_420 : memref<1x1x128xi32, #tpu.memory_space<vmem>> -> memref<128xi32, #tpu.memory_space<vmem>>
        %dma_start3A_422 = arith.constant 0 : i32
        %dma_start3A_423 = arith.constant 0 : i32
        %dma_start3A_424 = tpu.memref_slice %arg3[%dma_start3A_422, %dma_start3A_423] : memref<10240x128xf32, #tpu.memory_space<hbm>> -> memref<10240x128xf32, #tpu.memory_space<hbm>>
        %dma_start3A_425 = tpu.memref_slice %arg9[%dma_start3A_414] : memref<2x!tpu.dma_semaphore, #tpu.memory_space<semaphore_mem>> -> memref<1x!tpu.dma_semaphore, #tpu.memory_space<semaphore_mem>>
        %dma_start3A_426 = tpu.memref_squeeze %dma_start3A_425 : memref<1x!tpu.dma_semaphore, #tpu.memory_space<semaphore_mem>> -> memref<!tpu.dma_semaphore, #tpu.memory_space<semaphore_mem>>
        tpu.enqueue_indirect_dma source(%dma_start3A_424 : memref<10240x128xf32, #tpu.memory_space<hbm>>) target(%dma_start3A_418 : memref<128x128xf32, #tpu.memory_space<vmem>>) offsets(%dma_start3A_421 : memref<128xi32, #tpu.memory_space<vmem>>) semaphore(%dma_start3A_426 : memref<!tpu.dma_semaphore, #tpu.memory_space<semaphore_mem>>)
      } else {
      }
      %add3A_382 = arith.constant 3 : i32
      %add3A_383 = arith.addi %add3A_336, %add3A_382 : i32
      %lt3A_384 = arith.cmpi slt, %add3A_383, %select_n3A_8 : i32
      %convert_element_type3A_385 = arith.extui %lt3A_384 : i1 to i32
      %cond3A_386 = arith.constant 0 : i32
      %cond3A_387 = arith.cmpi ne, %convert_element_type3A_385, %cond3A_386 : i32
      scf.if %cond3A_387 {
        %add3A_388 = arith.constant 3 : i32
        %add3A_389 = arith.addi %add3A_336, %add3A_388 : i32
        %add3A_390 = arith.addi %select_n3A, %add3A_389 : i32
        %dma_start3A_391 = arith.constant 2 : i32
        %dma_start3A_392 = arith.constant 2 : i32
        %dma_start3A_393 = arith.constant 0 : i32
        %dma_start3A_394 = arith.constant 0 : i32
        %dma_start3A_395 = tpu.memref_slice %arg5[%dma_start3A_391, %dma_start3A_393, %dma_start3A_394] : memref<4x2x128xi32, #tpu.memory_space<vmem>> -> memref<1x2x128xi32, #tpu.memory_space<vmem>>
        %dma_start3A_396 = tpu.memref_squeeze %dma_start3A_395 : memref<1x2x128xi32, #tpu.memory_space<vmem>> -> memref<2x128xi32, #tpu.memory_space<vmem>>
        %dma_start3A_397 = arith.constant 0 : i32
        %dma_start3A_398 = arith.constant 0 : i32
        %dma_start3A_399 = tpu.memref_slice %arg2[%add3A_390, %dma_start3A_397, %dma_start3A_398] : memref<2560x2x128xi32, #tpu.memory_space<hbm>> -> memref<1x2x128xi32, #tpu.memory_space<hbm>>
        %dma_start3A_400 = tpu.memref_squeeze %dma_start3A_399 : memref<1x2x128xi32, #tpu.memory_space<hbm>> -> memref<2x128xi32, #tpu.memory_space<hbm>>
        %dma_start3A_401 = tpu.memref_slice %arg8[%dma_start3A_392] : memref<4x!tpu.dma_semaphore, #tpu.memory_space<semaphore_mem>> -> memref<1x!tpu.dma_semaphore, #tpu.memory_space<semaphore_mem>>
        %dma_start3A_402 = tpu.memref_squeeze %dma_start3A_401 : memref<1x!tpu.dma_semaphore, #tpu.memory_space<semaphore_mem>> -> memref<!tpu.dma_semaphore, #tpu.memory_space<semaphore_mem>>
        %dma_start3A_403 = arith.constant 0 : i32
        %dma_start3A_404 = arith.constant 0 : i32
        %dma_start3A_405 = tpu.memref_slice %arg5[%dma_start3A_391, %dma_start3A_403, %dma_start3A_404] : memref<4x2x128xi32, #tpu.memory_space<vmem>> -> memref<1x2x128xi32, #tpu.memory_space<vmem>>
        %dma_start3A_406 = tpu.memref_squeeze %dma_start3A_405 : memref<1x2x128xi32, #tpu.memory_space<vmem>> -> memref<2x128xi32, #tpu.memory_space<vmem>>
        %dma_start3A_407 = arith.constant 0 : i32
        %dma_start3A_408 = arith.constant 0 : i32
        %dma_start3A_409 = tpu.memref_slice %arg2[%add3A_390, %dma_start3A_407, %dma_start3A_408] : memref<2560x2x128xi32, #tpu.memory_space<hbm>> -> memref<1x2x128xi32, #tpu.memory_space<hbm>>
        %dma_start3A_410 = tpu.memref_squeeze %dma_start3A_409 : memref<1x2x128xi32, #tpu.memory_space<hbm>> -> memref<2x128xi32, #tpu.memory_space<hbm>>
        tpu.enqueue_dma source(%dma_start3A_410 : memref<2x128xi32, #tpu.memory_space<hbm>>) target(%dma_start3A_406 : memref<2x128xi32, #tpu.memory_space<vmem>>) target_semaphore(%dma_start3A_402 : memref<!tpu.dma_semaphore, #tpu.memory_space<semaphore_mem>>)
      } else {
      }
    }
    %while3A_149 = arith.constant 1 : i32
    scf.for %while3A_171 = %while3A_147 to %while3A_143 step %while3A_149  : i32 {
      %mul3A_172 = arith.constant 4 : i32
      %mul3A_173 = arith.muli %while3A_171, %mul3A_172 : i32
      %add3A_174 = arith.constant 0 : i32
      %add3A_175 = arith.addi %mul3A_173, %add3A_174 : i32
      %dma_wait3A_176 = arith.constant 0 : i32
      %dma_wait3A_177 = arith.constant 0 : i32
      %dma_wait3A_178 = arith.constant 0 : i32
      %dma_wait3A_179 = arith.constant 0 : i32
      %dma_wait3A_180 = arith.constant 0 : i32
      %dma_wait3A_181 = arith.constant 0 : i32
      %dma_wait3A_182 = tpu.memref_slice %arg6[%dma_wait3A_178, %dma_wait3A_180, %dma_wait3A_181] : memref<2x128x128xf32, #tpu.memory_space<vmem>> -> memref<1x128x128xf32, #tpu.memory_space<vmem>>
      %dma_wait3A_183 = tpu.memref_squeeze %dma_wait3A_182 : memref<1x128x128xf32, #tpu.memory_space<vmem>> -> memref<128x128xf32, #tpu.memory_space<vmem>>
      %dma_wait3A_184 = arith.constant 0 : i32
      %dma_wait3A_185 = tpu.memref_slice %arg5[%dma_wait3A_176, %dma_wait3A_177, %dma_wait3A_184] : memref<4x2x128xi32, #tpu.memory_space<vmem>> -> memref<1x1x128xi32, #tpu.memory_space<vmem>>
      %dma_wait3A_186 = tpu.memref_squeeze %dma_wait3A_185 : memref<1x1x128xi32, #tpu.memory_space<vmem>> -> memref<128xi32, #tpu.memory_space<vmem>>
      %dma_wait3A_187 = arith.constant 0 : i32
      %dma_wait3A_188 = arith.constant 0 : i32
      %dma_wait3A_189 = tpu.memref_slice %arg3[%dma_wait3A_187, %dma_wait3A_188] : memref<10240x128xf32, #tpu.memory_space<hbm>> -> memref<10240x128xf32, #tpu.memory_space<hbm>>
      %dma_wait3A_190 = tpu.memref_slice %arg9[%dma_wait3A_179] : memref<2x!tpu.dma_semaphore, #tpu.memory_space<semaphore_mem>> -> memref<1x!tpu.dma_semaphore, #tpu.memory_space<semaphore_mem>>
      %dma_wait3A_191 = tpu.memref_squeeze %dma_wait3A_190 : memref<1x!tpu.dma_semaphore, #tpu.memory_space<semaphore_mem>> -> memref<!tpu.dma_semaphore, #tpu.memory_space<semaphore_mem>>
      tpu.wait_indirect_dma semaphore(%dma_wait3A_191 : memref<!tpu.dma_semaphore, #tpu.memory_space<semaphore_mem>>) src(%dma_wait3A_189 : memref<10240x128xf32, #tpu.memory_space<hbm>>) dst(%dma_wait3A_183 : memref<128x128xf32, #tpu.memory_space<vmem>>)
      %dma_start3A_192 = arith.constant 0 : i32
      %dma_start3A_193 = arith.constant 0 : i32
      %dma_start3A_194 = arith.constant 1 : i32
      %dma_start3A_195 = arith.constant 0 : i32
      %dma_start3A_196 = arith.constant 0 : i32
      %dma_start3A_197 = arith.constant 0 : i32
      %dma_start3A_198 = tpu.memref_slice %arg6[%dma_start3A_192, %dma_start3A_196, %dma_start3A_197] : memref<2x128x128xf32, #tpu.memory_space<vmem>> -> memref<1x128x128xf32, #tpu.memory_space<vmem>>
      %dma_start3A_199 = tpu.memref_squeeze %dma_start3A_198 : memref<1x128x128xf32, #tpu.memory_space<vmem>> -> memref<128x128xf32, #tpu.memory_space<vmem>>
      %dma_start3A_200 = arith.constant 0 : i32
      %dma_start3A_201 = tpu.memref_slice %arg5[%dma_start3A_193, %dma_start3A_194, %dma_start3A_200] : memref<4x2x128xi32, #tpu.memory_space<vmem>> -> memref<1x1x128xi32, #tpu.memory_space<vmem>>
      %dma_start3A_202 = tpu.memref_squeeze %dma_start3A_201 : memref<1x1x128xi32, #tpu.memory_space<vmem>> -> memref<128xi32, #tpu.memory_space<vmem>>
      %dma_start3A_203 = arith.constant 0 : i32
      %dma_start3A_204 = arith.constant 0 : i32
      %dma_start3A_205 = tpu.memref_slice %arg7[%dma_start3A_203, %dma_start3A_204] : memref<10240x128xf32, #tpu.memory_space<vmem_shared>> -> memref<10240x128xf32, #tpu.memory_space<vmem_shared>>
      %dma_start3A_206 = tpu.memref_slice %arg10[%dma_start3A_195] : memref<2x!tpu.dma_semaphore, #tpu.memory_space<semaphore_mem>> -> memref<1x!tpu.dma_semaphore, #tpu.memory_space<semaphore_mem>>
      %dma_start3A_207 = tpu.memref_squeeze %dma_start3A_206 : memref<1x!tpu.dma_semaphore, #tpu.memory_space<semaphore_mem>> -> memref<!tpu.dma_semaphore, #tpu.memory_space<semaphore_mem>>
      tpu.enqueue_indirect_dma source(%dma_start3A_199 : memref<128x128xf32, #tpu.memory_space<vmem>>) target(%dma_start3A_205 : memref<10240x128xf32, #tpu.memory_space<vmem_shared>>) offsets(%dma_start3A_202 : memref<128xi32, #tpu.memory_space<vmem>>) semaphore(%dma_start3A_207 : memref<!tpu.dma_semaphore, #tpu.memory_space<semaphore_mem>>) {add = true}
      %sub3A_208 = arith.constant 1 : i32
      %sub3A_209 = arith.subi %add3A_175, %sub3A_208 : i32
      %ge3A = arith.constant 0 : i32
      %ge3A_210 = arith.cmpi sge, %sub3A_209, %ge3A : i32
      %convert_element_type3A = arith.extui %ge3A_210 : i1 to i32
      %cond3A = arith.constant 0 : i32
      %cond3A_211 = arith.cmpi ne, %convert_element_type3A, %cond3A : i32
      scf.if %cond3A_211 {
        %dma_wait3A_388 = arith.constant 1 : i32
        %dma_wait3A_389 = arith.constant 1 : i32
        %dma_wait3A_390 = arith.constant 1 : i32
        %dma_wait3A_391 = arith.constant 1 : i32
        %dma_wait3A_392 = arith.constant 0 : i32
        %dma_wait3A_393 = arith.constant 0 : i32
        %dma_wait3A_394 = tpu.memref_slice %arg6[%dma_wait3A_388, %dma_wait3A_392, %dma_wait3A_393] : memref<2x128x128xf32, #tpu.memory_space<vmem>> -> memref<1x128x128xf32, #tpu.memory_space<vmem>>
        %dma_wait3A_395 = tpu.memref_squeeze %dma_wait3A_394 : memref<1x128x128xf32, #tpu.memory_space<vmem>> -> memref<128x128xf32, #tpu.memory_space<vmem>>
        %dma_wait3A_396 = arith.constant 0 : i32
        %dma_wait3A_397 = tpu.memref_slice %arg5[%dma_wait3A_389, %dma_wait3A_390, %dma_wait3A_396] : memref<4x2x128xi32, #tpu.memory_space<vmem>> -> memref<1x1x128xi32, #tpu.memory_space<vmem>>
        %dma_wait3A_398 = tpu.memref_squeeze %dma_wait3A_397 : memref<1x1x128xi32, #tpu.memory_space<vmem>> -> memref<128xi32, #tpu.memory_space<vmem>>
        %dma_wait3A_399 = arith.constant 0 : i32
        %dma_wait3A_400 = arith.constant 0 : i32
        %dma_wait3A_401 = tpu.memref_slice %arg7[%dma_wait3A_399, %dma_wait3A_400] : memref<10240x128xf32, #tpu.memory_space<vmem_shared>> -> memref<10240x128xf32, #tpu.memory_space<vmem_shared>>
        %dma_wait3A_402 = tpu.memref_slice %arg10[%dma_wait3A_391] : memref<2x!tpu.dma_semaphore, #tpu.memory_space<semaphore_mem>> -> memref<1x!tpu.dma_semaphore, #tpu.memory_space<semaphore_mem>>
        %dma_wait3A_403 = tpu.memref_squeeze %dma_wait3A_402 : memref<1x!tpu.dma_semaphore, #tpu.memory_space<semaphore_mem>> -> memref<!tpu.dma_semaphore, #tpu.memory_space<semaphore_mem>>
        tpu.wait_indirect_dma semaphore(%dma_wait3A_403 : memref<!tpu.dma_semaphore, #tpu.memory_space<semaphore_mem>>) src(%dma_wait3A_395 : memref<128x128xf32, #tpu.memory_space<vmem>>) dst(%dma_wait3A_401 : memref<10240x128xf32, #tpu.memory_space<vmem_shared>>)
      } else {
      }
      %add3A_212 = arith.constant 1 : i32
      %add3A_213 = arith.addi %add3A_175, %add3A_212 : i32
      %lt3A = arith.cmpi slt, %add3A_213, %select_n3A_8 : i32
      %convert_element_type3A_214 = arith.extui %lt3A : i1 to i32
      %cond3A_215 = arith.constant 0 : i32
      %cond3A_216 = arith.cmpi ne, %convert_element_type3A_214, %cond3A_215 : i32
      scf.if %cond3A_216 {
        %add3A_388 = arith.constant 1 : i32
        %add3A_389 = arith.addi %add3A_175, %add3A_388 : i32
        %add3A_390 = arith.addi %select_n3A, %add3A_389 : i32
        %dma_wait3A_391 = arith.constant 1 : i32
        %dma_wait3A_392 = arith.constant 1 : i32
        %dma_wait3A_393 = arith.constant 0 : i32
        %dma_wait3A_394 = arith.constant 0 : i32
        %dma_wait3A_395 = tpu.memref_slice %arg5[%dma_wait3A_391, %dma_wait3A_393, %dma_wait3A_394] : memref<4x2x128xi32, #tpu.memory_space<vmem>> -> memref<1x2x128xi32, #tpu.memory_space<vmem>>
        %dma_wait3A_396 = tpu.memref_squeeze %dma_wait3A_395 : memref<1x2x128xi32, #tpu.memory_space<vmem>> -> memref<2x128xi32, #tpu.memory_space<vmem>>
        %dma_wait3A_397 = arith.constant 0 : i32
        %dma_wait3A_398 = arith.constant 0 : i32
        %dma_wait3A_399 = tpu.memref_slice %arg2[%add3A_390, %dma_wait3A_397, %dma_wait3A_398] : memref<2560x2x128xi32, #tpu.memory_space<hbm>> -> memref<1x2x128xi32, #tpu.memory_space<hbm>>
        %dma_wait3A_400 = tpu.memref_squeeze %dma_wait3A_399 : memref<1x2x128xi32, #tpu.memory_space<hbm>> -> memref<2x128xi32, #tpu.memory_space<hbm>>
        %dma_wait3A_401 = tpu.memref_slice %arg8[%dma_wait3A_392] : memref<4x!tpu.dma_semaphore, #tpu.memory_space<semaphore_mem>> -> memref<1x!tpu.dma_semaphore, #tpu.memory_space<semaphore_mem>>
        %dma_wait3A_402 = tpu.memref_squeeze %dma_wait3A_401 : memref<1x!tpu.dma_semaphore, #tpu.memory_space<semaphore_mem>> -> memref<!tpu.dma_semaphore, #tpu.memory_space<semaphore_mem>>
        %dma_wait3A_403 = arith.constant 0 : i32
        %dma_wait3A_404 = arith.constant 0 : i32
        %dma_wait3A_405 = tpu.memref_slice %arg5[%dma_wait3A_391, %dma_wait3A_403, %dma_wait3A_404] : memref<4x2x128xi32, #tpu.memory_space<vmem>> -> memref<1x2x128xi32, #tpu.memory_space<vmem>>
        %dma_wait3A_406 = tpu.memref_squeeze %dma_wait3A_405 : memref<1x2x128xi32, #tpu.memory_space<vmem>> -> memref<2x128xi32, #tpu.memory_space<vmem>>
        %dma_wait3A_407 = arith.constant 0 : i32
        %dma_wait3A_408 = arith.constant 0 : i32
        %dma_wait3A_409 = tpu.memref_slice %arg2[%add3A_390, %dma_wait3A_407, %dma_wait3A_408] : memref<2560x2x128xi32, #tpu.memory_space<hbm>> -> memref<1x2x128xi32, #tpu.memory_space<hbm>>
        %dma_wait3A_410 = tpu.memref_squeeze %dma_wait3A_409 : memref<1x2x128xi32, #tpu.memory_space<hbm>> -> memref<2x128xi32, #tpu.memory_space<hbm>>
        tpu.wait_dma2 semaphore(%dma_wait3A_402 : memref<!tpu.dma_semaphore, #tpu.memory_space<semaphore_mem>>) src(%dma_wait3A_410 : memref<2x128xi32, #tpu.memory_space<hbm>>) dst(%dma_wait3A_406 : memref<2x128xi32, #tpu.memory_space<vmem>>)
        %dma_start3A_411 = arith.constant 1 : i32
        %dma_start3A_412 = arith.constant 0 : i32
        %dma_start3A_413 = arith.constant 1 : i32
        %dma_start3A_414 = arith.constant 1 : i32
        %dma_start3A_415 = arith.constant 0 : i32
        %dma_start3A_416 = arith.constant 0 : i32
        %dma_start3A_417 = tpu.memref_slice %arg6[%dma_start3A_413, %dma_start3A_415, %dma_start3A_416] : memref<2x128x128xf32, #tpu.memory_space<vmem>> -> memref<1x128x128xf32, #tpu.memory_space<vmem>>
        %dma_start3A_418 = tpu.memref_squeeze %dma_start3A_417 : memref<1x128x128xf32, #tpu.memory_space<vmem>> -> memref<128x128xf32, #tpu.memory_space<vmem>>
        %dma_start3A_419 = arith.constant 0 : i32
        %dma_start3A_420 = tpu.memref_slice %arg5[%dma_start3A_411, %dma_start3A_412, %dma_start3A_419] : memref<4x2x128xi32, #tpu.memory_space<vmem>> -> memref<1x1x128xi32, #tpu.memory_space<vmem>>
        %dma_start3A_421 = tpu.memref_squeeze %dma_start3A_420 : memref<1x1x128xi32, #tpu.memory_space<vmem>> -> memref<128xi32, #tpu.memory_space<vmem>>
        %dma_start3A_422 = arith.constant 0 : i32
        %dma_start3A_423 = arith.constant 0 : i32
        %dma_start3A_424 = tpu.memref_slice %arg3[%dma_start3A_422, %dma_start3A_423] : memref<10240x128xf32, #tpu.memory_space<hbm>> -> memref<10240x128xf32, #tpu.memory_space<hbm>>
        %dma_start3A_425 = tpu.memref_slice %arg9[%dma_start3A_414] : memref<2x!tpu.dma_semaphore, #tpu.memory_space<semaphore_mem>> -> memref<1x!tpu.dma_semaphore, #tpu.memory_space<semaphore_mem>>
        %dma_start3A_426 = tpu.memref_squeeze %dma_start3A_425 : memref<1x!tpu.dma_semaphore, #tpu.memory_space<semaphore_mem>> -> memref<!tpu.dma_semaphore, #tpu.memory_space<semaphore_mem>>
        tpu.enqueue_indirect_dma source(%dma_start3A_424 : memref<10240x128xf32, #tpu.memory_space<hbm>>) target(%dma_start3A_418 : memref<128x128xf32, #tpu.memory_space<vmem>>) offsets(%dma_start3A_421 : memref<128xi32, #tpu.memory_space<vmem>>) semaphore(%dma_start3A_426 : memref<!tpu.dma_semaphore, #tpu.memory_space<semaphore_mem>>)
      } else {
      }
      %add3A_217 = arith.constant 3 : i32
      %add3A_218 = arith.addi %add3A_175, %add3A_217 : i32
      %lt3A_219 = arith.cmpi slt, %add3A_218, %select_n3A_8 : i32
      %convert_element_type3A_220 = arith.extui %lt3A_219 : i1 to i32
      %cond3A_221 = arith.constant 0 : i32
      %cond3A_222 = arith.cmpi ne, %convert_element_type3A_220, %cond3A_221 : i32
      scf.if %cond3A_222 {
        %add3A_388 = arith.constant 3 : i32
        %add3A_389 = arith.addi %add3A_175, %add3A_388 : i32
        %add3A_390 = arith.addi %select_n3A, %add3A_389 : i32
        %dma_start3A_391 = arith.constant 3 : i32
        %dma_start3A_392 = arith.constant 3 : i32
        %dma_start3A_393 = arith.constant 0 : i32
        %dma_start3A_394 = arith.constant 0 : i32
        %dma_start3A_395 = tpu.memref_slice %arg5[%dma_start3A_391, %dma_start3A_393, %dma_start3A_394] : memref<4x2x128xi32, #tpu.memory_space<vmem>> -> memref<1x2x128xi32, #tpu.memory_space<vmem>>
        %dma_start3A_396 = tpu.memref_squeeze %dma_start3A_395 : memref<1x2x128xi32, #tpu.memory_space<vmem>> -> memref<2x128xi32, #tpu.memory_space<vmem>>
        %dma_start3A_397 = arith.constant 0 : i32
        %dma_start3A_398 = arith.constant 0 : i32
        %dma_start3A_399 = tpu.memref_slice %arg2[%add3A_390, %dma_start3A_397, %dma_start3A_398] : memref<2560x2x128xi32, #tpu.memory_space<hbm>> -> memref<1x2x128xi32, #tpu.memory_space<hbm>>
        %dma_start3A_400 = tpu.memref_squeeze %dma_start3A_399 : memref<1x2x128xi32, #tpu.memory_space<hbm>> -> memref<2x128xi32, #tpu.memory_space<hbm>>
        %dma_start3A_401 = tpu.memref_slice %arg8[%dma_start3A_392] : memref<4x!tpu.dma_semaphore, #tpu.memory_space<semaphore_mem>> -> memref<1x!tpu.dma_semaphore, #tpu.memory_space<semaphore_mem>>
        %dma_start3A_402 = tpu.memref_squeeze %dma_start3A_401 : memref<1x!tpu.dma_semaphore, #tpu.memory_space<semaphore_mem>> -> memref<!tpu.dma_semaphore, #tpu.memory_space<semaphore_mem>>
        %dma_start3A_403 = arith.constant 0 : i32
        %dma_start3A_404 = arith.constant 0 : i32
        %dma_start3A_405 = tpu.memref_slice %arg5[%dma_start3A_391, %dma_start3A_403, %dma_start3A_404] : memref<4x2x128xi32, #tpu.memory_space<vmem>> -> memref<1x2x128xi32, #tpu.memory_space<vmem>>
        %dma_start3A_406 = tpu.memref_squeeze %dma_start3A_405 : memref<1x2x128xi32, #tpu.memory_space<vmem>> -> memref<2x128xi32, #tpu.memory_space<vmem>>
        %dma_start3A_407 = arith.constant 0 : i32
        %dma_start3A_408 = arith.constant 0 : i32
        %dma_start3A_409 = tpu.memref_slice %arg2[%add3A_390, %dma_start3A_407, %dma_start3A_408] : memref<2560x2x128xi32, #tpu.memory_space<hbm>> -> memref<1x2x128xi32, #tpu.memory_space<hbm>>
        %dma_start3A_410 = tpu.memref_squeeze %dma_start3A_409 : memref<1x2x128xi32, #tpu.memory_space<hbm>> -> memref<2x128xi32, #tpu.memory_space<hbm>>
        tpu.enqueue_dma source(%dma_start3A_410 : memref<2x128xi32, #tpu.memory_space<hbm>>) target(%dma_start3A_406 : memref<2x128xi32, #tpu.memory_space<vmem>>) target_semaphore(%dma_start3A_402 : memref<!tpu.dma_semaphore, #tpu.memory_space<semaphore_mem>>)
      } else {
      }
      %mul3A_223 = arith.constant 4 : i32
      %mul3A_224 = arith.muli %while3A_171, %mul3A_223 : i32
      %add3A_225 = arith.constant 1 : i32
      %add3A_226 = arith.addi %mul3A_224, %add3A_225 : i32
      %dma_wait3A_227 = arith.constant 1 : i32
      %dma_wait3A_228 = arith.constant 0 : i32
      %dma_wait3A_229 = arith.constant 1 : i32
      %dma_wait3A_230 = arith.constant 1 : i32
      %dma_wait3A_231 = arith.constant 0 : i32
      %dma_wait3A_232 = arith.constant 0 : i32
      %dma_wait3A_233 = tpu.memref_slice %arg6[%dma_wait3A_229, %dma_wait3A_231, %dma_wait3A_232] : memref<2x128x128xf32, #tpu.memory_space<vmem>> -> memref<1x128x128xf32, #tpu.memory_space<vmem>>
      %dma_wait3A_234 = tpu.memref_squeeze %dma_wait3A_233 : memref<1x128x128xf32, #tpu.memory_space<vmem>> -> memref<128x128xf32, #tpu.memory_space<vmem>>
      %dma_wait3A_235 = arith.constant 0 : i32
      %dma_wait3A_236 = tpu.memref_slice %arg5[%dma_wait3A_227, %dma_wait3A_228, %dma_wait3A_235] : memref<4x2x128xi32, #tpu.memory_space<vmem>> -> memref<1x1x128xi32, #tpu.memory_space<vmem>>
      %dma_wait3A_237 = tpu.memref_squeeze %dma_wait3A_236 : memref<1x1x128xi32, #tpu.memory_space<vmem>> -> memref<128xi32, #tpu.memory_space<vmem>>
      %dma_wait3A_238 = arith.constant 0 : i32
      %dma_wait3A_239 = arith.constant 0 : i32
      %dma_wait3A_240 = tpu.memref_slice %arg3[%dma_wait3A_238, %dma_wait3A_239] : memref<10240x128xf32, #tpu.memory_space<hbm>> -> memref<10240x128xf32, #tpu.memory_space<hbm>>
      %dma_wait3A_241 = tpu.memref_slice %arg9[%dma_wait3A_230] : memref<2x!tpu.dma_semaphore, #tpu.memory_space<semaphore_mem>> -> memref<1x!tpu.dma_semaphore, #tpu.memory_space<semaphore_mem>>
      %dma_wait3A_242 = tpu.memref_squeeze %dma_wait3A_241 : memref<1x!tpu.dma_semaphore, #tpu.memory_space<semaphore_mem>> -> memref<!tpu.dma_semaphore, #tpu.memory_space<semaphore_mem>>
      tpu.wait_indirect_dma semaphore(%dma_wait3A_242 : memref<!tpu.dma_semaphore, #tpu.memory_space<semaphore_mem>>) src(%dma_wait3A_240 : memref<10240x128xf32, #tpu.memory_space<hbm>>) dst(%dma_wait3A_234 : memref<128x128xf32, #tpu.memory_space<vmem>>)
      %dma_start3A_243 = arith.constant 1 : i32
      %dma_start3A_244 = arith.constant 1 : i32
      %dma_start3A_245 = arith.constant 1 : i32
      %dma_start3A_246 = arith.constant 1 : i32
      %dma_start3A_247 = arith.constant 0 : i32
      %dma_start3A_248 = arith.constant 0 : i32
      %dma_start3A_249 = tpu.memref_slice %arg6[%dma_start3A_243, %dma_start3A_247, %dma_start3A_248] : memref<2x128x128xf32, #tpu.memory_space<vmem>> -> memref<1x128x128xf32, #tpu.memory_space<vmem>>
      %dma_start3A_250 = tpu.memref_squeeze %dma_start3A_249 : memref<1x128x128xf32, #tpu.memory_space<vmem>> -> memref<128x128xf32, #tpu.memory_space<vmem>>
      %dma_start3A_251 = arith.constant 0 : i32
      %dma_start3A_252 = tpu.memref_slice %arg5[%dma_start3A_244, %dma_start3A_245, %dma_start3A_251] : memref<4x2x128xi32, #tpu.memory_space<vmem>> -> memref<1x1x128xi32, #tpu.memory_space<vmem>>
      %dma_start3A_253 = tpu.memref_squeeze %dma_start3A_252 : memref<1x1x128xi32, #tpu.memory_space<vmem>> -> memref<128xi32, #tpu.memory_space<vmem>>
      %dma_start3A_254 = arith.constant 0 : i32
      %dma_start3A_255 = arith.constant 0 : i32
      %dma_start3A_256 = tpu.memref_slice %arg7[%dma_start3A_254, %dma_start3A_255] : memref<10240x128xf32, #tpu.memory_space<vmem_shared>> -> memref<10240x128xf32, #tpu.memory_space<vmem_shared>>
      %dma_start3A_257 = tpu.memref_slice %arg10[%dma_start3A_246] : memref<2x!tpu.dma_semaphore, #tpu.memory_space<semaphore_mem>> -> memref<1x!tpu.dma_semaphore, #tpu.memory_space<semaphore_mem>>
      %dma_start3A_258 = tpu.memref_squeeze %dma_start3A_257 : memref<1x!tpu.dma_semaphore, #tpu.memory_space<semaphore_mem>> -> memref<!tpu.dma_semaphore, #tpu.memory_space<semaphore_mem>>
      tpu.enqueue_indirect_dma source(%dma_start3A_250 : memref<128x128xf32, #tpu.memory_space<vmem>>) target(%dma_start3A_256 : memref<10240x128xf32, #tpu.memory_space<vmem_shared>>) offsets(%dma_start3A_253 : memref<128xi32, #tpu.memory_space<vmem>>) semaphore(%dma_start3A_258 : memref<!tpu.dma_semaphore, #tpu.memory_space<semaphore_mem>>) {add = true}
      %sub3A_259 = arith.constant 1 : i32
      %sub3A_260 = arith.subi %add3A_226, %sub3A_259 : i32
      %ge3A_261 = arith.constant 0 : i32
      %ge3A_262 = arith.cmpi sge, %sub3A_260, %ge3A_261 : i32
      %convert_element_type3A_263 = arith.extui %ge3A_262 : i1 to i32
      %cond3A_264 = arith.constant 0 : i32
      %cond3A_265 = arith.cmpi ne, %convert_element_type3A_263, %cond3A_264 : i32
      scf.if %cond3A_265 {
        %dma_wait3A_388 = arith.constant 0 : i32
        %dma_wait3A_389 = arith.constant 2 : i32
        %dma_wait3A_390 = arith.constant 1 : i32
        %dma_wait3A_391 = arith.constant 0 : i32
        %dma_wait3A_392 = arith.constant 0 : i32
        %dma_wait3A_393 = arith.constant 0 : i32
        %dma_wait3A_394 = tpu.memref_slice %arg6[%dma_wait3A_388, %dma_wait3A_392, %dma_wait3A_393] : memref<2x128x128xf32, #tpu.memory_space<vmem>> -> memref<1x128x128xf32, #tpu.memory_space<vmem>>
        %dma_wait3A_395 = tpu.memref_squeeze %dma_wait3A_394 : memref<1x128x128xf32, #tpu.memory_space<vmem>> -> memref<128x128xf32, #tpu.memory_space<vmem>>
        %dma_wait3A_396 = arith.constant 0 : i32
        %dma_wait3A_397 = tpu.memref_slice %arg5[%dma_wait3A_389, %dma_wait3A_390, %dma_wait3A_396] : memref<4x2x128xi32, #tpu.memory_space<vmem>> -> memref<1x1x128xi32, #tpu.memory_space<vmem>>
        %dma_wait3A_398 = tpu.memref_squeeze %dma_wait3A_397 : memref<1x1x128xi32, #tpu.memory_space<vmem>> -> memref<128xi32, #tpu.memory_space<vmem>>
        %dma_wait3A_399 = arith.constant 0 : i32
        %dma_wait3A_400 = arith.constant 0 : i32
        %dma_wait3A_401 = tpu.memref_slice %arg7[%dma_wait3A_399, %dma_wait3A_400] : memref<10240x128xf32, #tpu.memory_space<vmem_shared>> -> memref<10240x128xf32, #tpu.memory_space<vmem_shared>>
        %dma_wait3A_402 = tpu.memref_slice %arg10[%dma_wait3A_391] : memref<2x!tpu.dma_semaphore, #tpu.memory_space<semaphore_mem>> -> memref<1x!tpu.dma_semaphore, #tpu.memory_space<semaphore_mem>>
        %dma_wait3A_403 = tpu.memref_squeeze %dma_wait3A_402 : memref<1x!tpu.dma_semaphore, #tpu.memory_space<semaphore_mem>> -> memref<!tpu.dma_semaphore, #tpu.memory_space<semaphore_mem>>
        tpu.wait_indirect_dma semaphore(%dma_wait3A_403 : memref<!tpu.dma_semaphore, #tpu.memory_space<semaphore_mem>>) src(%dma_wait3A_395 : memref<128x128xf32, #tpu.memory_space<vmem>>) dst(%dma_wait3A_401 : memref<10240x128xf32, #tpu.memory_space<vmem_shared>>)
      } else {
      }
      %add3A_266 = arith.constant 1 : i32
      %add3A_267 = arith.addi %add3A_226, %add3A_266 : i32
      %lt3A_268 = arith.cmpi slt, %add3A_267, %select_n3A_8 : i32
      %convert_element_type3A_269 = arith.extui %lt3A_268 : i1 to i32
      %cond3A_270 = arith.constant 0 : i32
      %cond3A_271 = arith.cmpi ne, %convert_element_type3A_269, %cond3A_270 : i32
      scf.if %cond3A_271 {
        %add3A_388 = arith.constant 1 : i32
        %add3A_389 = arith.addi %add3A_226, %add3A_388 : i32
        %add3A_390 = arith.addi %select_n3A, %add3A_389 : i32
        %dma_wait3A_391 = arith.constant 2 : i32
        %dma_wait3A_392 = arith.constant 2 : i32
        %dma_wait3A_393 = arith.constant 0 : i32
        %dma_wait3A_394 = arith.constant 0 : i32
        %dma_wait3A_395 = tpu.memref_slice %arg5[%dma_wait3A_391, %dma_wait3A_393, %dma_wait3A_394] : memref<4x2x128xi32, #tpu.memory_space<vmem>> -> memref<1x2x128xi32, #tpu.memory_space<vmem>>
        %dma_wait3A_396 = tpu.memref_squeeze %dma_wait3A_395 : memref<1x2x128xi32, #tpu.memory_space<vmem>> -> memref<2x128xi32, #tpu.memory_space<vmem>>
        %dma_wait3A_397 = arith.constant 0 : i32
        %dma_wait3A_398 = arith.constant 0 : i32
        %dma_wait3A_399 = tpu.memref_slice %arg2[%add3A_390, %dma_wait3A_397, %dma_wait3A_398] : memref<2560x2x128xi32, #tpu.memory_space<hbm>> -> memref<1x2x128xi32, #tpu.memory_space<hbm>>
        %dma_wait3A_400 = tpu.memref_squeeze %dma_wait3A_399 : memref<1x2x128xi32, #tpu.memory_space<hbm>> -> memref<2x128xi32, #tpu.memory_space<hbm>>
        %dma_wait3A_401 = tpu.memref_slice %arg8[%dma_wait3A_392] : memref<4x!tpu.dma_semaphore, #tpu.memory_space<semaphore_mem>> -> memref<1x!tpu.dma_semaphore, #tpu.memory_space<semaphore_mem>>
        %dma_wait3A_402 = tpu.memref_squeeze %dma_wait3A_401 : memref<1x!tpu.dma_semaphore, #tpu.memory_space<semaphore_mem>> -> memref<!tpu.dma_semaphore, #tpu.memory_space<semaphore_mem>>
        %dma_wait3A_403 = arith.constant 0 : i32
        %dma_wait3A_404 = arith.constant 0 : i32
        %dma_wait3A_405 = tpu.memref_slice %arg5[%dma_wait3A_391, %dma_wait3A_403, %dma_wait3A_404] : memref<4x2x128xi32, #tpu.memory_space<vmem>> -> memref<1x2x128xi32, #tpu.memory_space<vmem>>
        %dma_wait3A_406 = tpu.memref_squeeze %dma_wait3A_405 : memref<1x2x128xi32, #tpu.memory_space<vmem>> -> memref<2x128xi32, #tpu.memory_space<vmem>>
        %dma_wait3A_407 = arith.constant 0 : i32
        %dma_wait3A_408 = arith.constant 0 : i32
        %dma_wait3A_409 = tpu.memref_slice %arg2[%add3A_390, %dma_wait3A_407, %dma_wait3A_408] : memref<2560x2x128xi32, #tpu.memory_space<hbm>> -> memref<1x2x128xi32, #tpu.memory_space<hbm>>
        %dma_wait3A_410 = tpu.memref_squeeze %dma_wait3A_409 : memref<1x2x128xi32, #tpu.memory_space<hbm>> -> memref<2x128xi32, #tpu.memory_space<hbm>>
        tpu.wait_dma2 semaphore(%dma_wait3A_402 : memref<!tpu.dma_semaphore, #tpu.memory_space<semaphore_mem>>) src(%dma_wait3A_410 : memref<2x128xi32, #tpu.memory_space<hbm>>) dst(%dma_wait3A_406 : memref<2x128xi32, #tpu.memory_space<vmem>>)
        %dma_start3A_411 = arith.constant 2 : i32
        %dma_start3A_412 = arith.constant 0 : i32
        %dma_start3A_413 = arith.constant 0 : i32
        %dma_start3A_414 = arith.constant 0 : i32
        %dma_start3A_415 = arith.constant 0 : i32
        %dma_start3A_416 = arith.constant 0 : i32
        %dma_start3A_417 = tpu.memref_slice %arg6[%dma_start3A_413, %dma_start3A_415, %dma_start3A_416] : memref<2x128x128xf32, #tpu.memory_space<vmem>> -> memref<1x128x128xf32, #tpu.memory_space<vmem>>
        %dma_start3A_418 = tpu.memref_squeeze %dma_start3A_417 : memref<1x128x128xf32, #tpu.memory_space<vmem>> -> memref<128x128xf32, #tpu.memory_space<vmem>>
        %dma_start3A_419 = arith.constant 0 : i32
        %dma_start3A_420 = tpu.memref_slice %arg5[%dma_start3A_411, %dma_start3A_412, %dma_start3A_419] : memref<4x2x128xi32, #tpu.memory_space<vmem>> -> memref<1x1x128xi32, #tpu.memory_space<vmem>>
        %dma_start3A_421 = tpu.memref_squeeze %dma_start3A_420 : memref<1x1x128xi32, #tpu.memory_space<vmem>> -> memref<128xi32, #tpu.memory_space<vmem>>
        %dma_start3A_422 = arith.constant 0 : i32
        %dma_start3A_423 = arith.constant 0 : i32
        %dma_start3A_424 = tpu.memref_slice %arg3[%dma_start3A_422, %dma_start3A_423] : memref<10240x128xf32, #tpu.memory_space<hbm>> -> memref<10240x128xf32, #tpu.memory_space<hbm>>
        %dma_start3A_425 = tpu.memref_slice %arg9[%dma_start3A_414] : memref<2x!tpu.dma_semaphore, #tpu.memory_space<semaphore_mem>> -> memref<1x!tpu.dma_semaphore, #tpu.memory_space<semaphore_mem>>
        %dma_start3A_426 = tpu.memref_squeeze %dma_start3A_425 : memref<1x!tpu.dma_semaphore, #tpu.memory_space<semaphore_mem>> -> memref<!tpu.dma_semaphore, #tpu.memory_space<semaphore_mem>>
        tpu.enqueue_indirect_dma source(%dma_start3A_424 : memref<10240x128xf32, #tpu.memory_space<hbm>>) target(%dma_start3A_418 : memref<128x128xf32, #tpu.memory_space<vmem>>) offsets(%dma_start3A_421 : memref<128xi32, #tpu.memory_space<vmem>>) semaphore(%dma_start3A_426 : memref<!tpu.dma_semaphore, #tpu.memory_space<semaphore_mem>>)
      } else {
      }
      %add3A_272 = arith.constant 3 : i32
      %add3A_273 = arith.addi %add3A_226, %add3A_272 : i32
      %lt3A_274 = arith.cmpi slt, %add3A_273, %select_n3A_8 : i32
      %convert_element_type3A_275 = arith.extui %lt3A_274 : i1 to i32
      %cond3A_276 = arith.constant 0 : i32
      %cond3A_277 = arith.cmpi ne, %convert_element_type3A_275, %cond3A_276 : i32
      scf.if %cond3A_277 {
        %add3A_388 = arith.constant 3 : i32
        %add3A_389 = arith.addi %add3A_226, %add3A_388 : i32
        %add3A_390 = arith.addi %select_n3A, %add3A_389 : i32
        %dma_start3A_391 = arith.constant 0 : i32
        %dma_start3A_392 = arith.constant 0 : i32
        %dma_start3A_393 = arith.constant 0 : i32
        %dma_start3A_394 = arith.constant 0 : i32
        %dma_start3A_395 = tpu.memref_slice %arg5[%dma_start3A_391, %dma_start3A_393, %dma_start3A_394] : memref<4x2x128xi32, #tpu.memory_space<vmem>> -> memref<1x2x128xi32, #tpu.memory_space<vmem>>
        %dma_start3A_396 = tpu.memref_squeeze %dma_start3A_395 : memref<1x2x128xi32, #tpu.memory_space<vmem>> -> memref<2x128xi32, #tpu.memory_space<vmem>>
        %dma_start3A_397 = arith.constant 0 : i32
        %dma_start3A_398 = arith.constant 0 : i32
        %dma_start3A_399 = tpu.memref_slice %arg2[%add3A_390, %dma_start3A_397, %dma_start3A_398] : memref<2560x2x128xi32, #tpu.memory_space<hbm>> -> memref<1x2x128xi32, #tpu.memory_space<hbm>>
        %dma_start3A_400 = tpu.memref_squeeze %dma_start3A_399 : memref<1x2x128xi32, #tpu.memory_space<hbm>> -> memref<2x128xi32, #tpu.memory_space<hbm>>
        %dma_start3A_401 = tpu.memref_slice %arg8[%dma_start3A_392] : memref<4x!tpu.dma_semaphore, #tpu.memory_space<semaphore_mem>> -> memref<1x!tpu.dma_semaphore, #tpu.memory_space<semaphore_mem>>
        %dma_start3A_402 = tpu.memref_squeeze %dma_start3A_401 : memref<1x!tpu.dma_semaphore, #tpu.memory_space<semaphore_mem>> -> memref<!tpu.dma_semaphore, #tpu.memory_space<semaphore_mem>>
        %dma_start3A_403 = arith.constant 0 : i32
        %dma_start3A_404 = arith.constant 0 : i32
        %dma_start3A_405 = tpu.memref_slice %arg5[%dma_start3A_391, %dma_start3A_403, %dma_start3A_404] : memref<4x2x128xi32, #tpu.memory_space<vmem>> -> memref<1x2x128xi32, #tpu.memory_space<vmem>>
        %dma_start3A_406 = tpu.memref_squeeze %dma_start3A_405 : memref<1x2x128xi32, #tpu.memory_space<vmem>> -> memref<2x128xi32, #tpu.memory_space<vmem>>
        %dma_start3A_407 = arith.constant 0 : i32
        %dma_start3A_408 = arith.constant 0 : i32
        %dma_start3A_409 = tpu.memref_slice %arg2[%add3A_390, %dma_start3A_407, %dma_start3A_408] : memref<2560x2x128xi32, #tpu.memory_space<hbm>> -> memref<1x2x128xi32, #tpu.memory_space<hbm>>
        %dma_start3A_410 = tpu.memref_squeeze %dma_start3A_409 : memref<1x2x128xi32, #tpu.memory_space<hbm>> -> memref<2x128xi32, #tpu.memory_space<hbm>>
        tpu.enqueue_dma source(%dma_start3A_410 : memref<2x128xi32, #tpu.memory_space<hbm>>) target(%dma_start3A_406 : memref<2x128xi32, #tpu.memory_space<vmem>>) target_semaphore(%dma_start3A_402 : memref<!tpu.dma_semaphore, #tpu.memory_space<semaphore_mem>>)
      } else {
      }
      %mul3A_278 = arith.constant 4 : i32
      %mul3A_279 = arith.muli %while3A_171, %mul3A_278 : i32
      %add3A_280 = arith.constant 2 : i32
      %add3A_281 = arith.addi %mul3A_279, %add3A_280 : i32
      %dma_wait3A_282 = arith.constant 2 : i32
      %dma_wait3A_283 = arith.constant 0 : i32
      %dma_wait3A_284 = arith.constant 0 : i32
      %dma_wait3A_285 = arith.constant 0 : i32
      %dma_wait3A_286 = arith.constant 0 : i32
      %dma_wait3A_287 = arith.constant 0 : i32
      %dma_wait3A_288 = tpu.memref_slice %arg6[%dma_wait3A_284, %dma_wait3A_286, %dma_wait3A_287] : memref<2x128x128xf32, #tpu.memory_space<vmem>> -> memref<1x128x128xf32, #tpu.memory_space<vmem>>
      %dma_wait3A_289 = tpu.memref_squeeze %dma_wait3A_288 : memref<1x128x128xf32, #tpu.memory_space<vmem>> -> memref<128x128xf32, #tpu.memory_space<vmem>>
      %dma_wait3A_290 = arith.constant 0 : i32
      %dma_wait3A_291 = tpu.memref_slice %arg5[%dma_wait3A_282, %dma_wait3A_283, %dma_wait3A_290] : memref<4x2x128xi32, #tpu.memory_space<vmem>> -> memref<1x1x128xi32, #tpu.memory_space<vmem>>
      %dma_wait3A_292 = tpu.memref_squeeze %dma_wait3A_291 : memref<1x1x128xi32, #tpu.memory_space<vmem>> -> memref<128xi32, #tpu.memory_space<vmem>>
      %dma_wait3A_293 = arith.constant 0 : i32
      %dma_wait3A_294 = arith.constant 0 : i32
      %dma_wait3A_295 = tpu.memref_slice %arg3[%dma_wait3A_293, %dma_wait3A_294] : memref<10240x128xf32, #tpu.memory_space<hbm>> -> memref<10240x128xf32, #tpu.memory_space<hbm>>
      %dma_wait3A_296 = tpu.memref_slice %arg9[%dma_wait3A_285] : memref<2x!tpu.dma_semaphore, #tpu.memory_space<semaphore_mem>> -> memref<1x!tpu.dma_semaphore, #tpu.memory_space<semaphore_mem>>
      %dma_wait3A_297 = tpu.memref_squeeze %dma_wait3A_296 : memref<1x!tpu.dma_semaphore, #tpu.memory_space<semaphore_mem>> -> memref<!tpu.dma_semaphore, #tpu.memory_space<semaphore_mem>>
      tpu.wait_indirect_dma semaphore(%dma_wait3A_297 : memref<!tpu.dma_semaphore, #tpu.memory_space<semaphore_mem>>) src(%dma_wait3A_295 : memref<10240x128xf32, #tpu.memory_space<hbm>>) dst(%dma_wait3A_289 : memref<128x128xf32, #tpu.memory_space<vmem>>)
      %dma_start3A_298 = arith.constant 0 : i32
      %dma_start3A_299 = arith.constant 2 : i32
      %dma_start3A_300 = arith.constant 1 : i32
      %dma_start3A_301 = arith.constant 0 : i32
      %dma_start3A_302 = arith.constant 0 : i32
      %dma_start3A_303 = arith.constant 0 : i32
      %dma_start3A_304 = tpu.memref_slice %arg6[%dma_start3A_298, %dma_start3A_302, %dma_start3A_303] : memref<2x128x128xf32, #tpu.memory_space<vmem>> -> memref<1x128x128xf32, #tpu.memory_space<vmem>>
      %dma_start3A_305 = tpu.memref_squeeze %dma_start3A_304 : memref<1x128x128xf32, #tpu.memory_space<vmem>> -> memref<128x128xf32, #tpu.memory_space<vmem>>
      %dma_start3A_306 = arith.constant 0 : i32
      %dma_start3A_307 = tpu.memref_slice %arg5[%dma_start3A_299, %dma_start3A_300, %dma_start3A_306] : memref<4x2x128xi32, #tpu.memory_space<vmem>> -> memref<1x1x128xi32, #tpu.memory_space<vmem>>
      %dma_start3A_308 = tpu.memref_squeeze %dma_start3A_307 : memref<1x1x128xi32, #tpu.memory_space<vmem>> -> memref<128xi32, #tpu.memory_space<vmem>>
      %dma_start3A_309 = arith.constant 0 : i32
      %dma_start3A_310 = arith.constant 0 : i32
      %dma_start3A_311 = tpu.memref_slice %arg7[%dma_start3A_309, %dma_start3A_310] : memref<10240x128xf32, #tpu.memory_space<vmem_shared>> -> memref<10240x128xf32, #tpu.memory_space<vmem_shared>>
      %dma_start3A_312 = tpu.memref_slice %arg10[%dma_start3A_301] : memref<2x!tpu.dma_semaphore, #tpu.memory_space<semaphore_mem>> -> memref<1x!tpu.dma_semaphore, #tpu.memory_space<semaphore_mem>>
      %dma_start3A_313 = tpu.memref_squeeze %dma_start3A_312 : memref<1x!tpu.dma_semaphore, #tpu.memory_space<semaphore_mem>> -> memref<!tpu.dma_semaphore, #tpu.memory_space<semaphore_mem>>
      tpu.enqueue_indirect_dma source(%dma_start3A_305 : memref<128x128xf32, #tpu.memory_space<vmem>>) target(%dma_start3A_311 : memref<10240x128xf32, #tpu.memory_space<vmem_shared>>) offsets(%dma_start3A_308 : memref<128xi32, #tpu.memory_space<vmem>>) semaphore(%dma_start3A_313 : memref<!tpu.dma_semaphore, #tpu.memory_space<semaphore_mem>>) {add = true}
      %sub3A_314 = arith.constant 1 : i32
      %sub3A_315 = arith.subi %add3A_281, %sub3A_314 : i32
      %ge3A_316 = arith.constant 0 : i32
      %ge3A_317 = arith.cmpi sge, %sub3A_315, %ge3A_316 : i32
      %convert_element_type3A_318 = arith.extui %ge3A_317 : i1 to i32
      %cond3A_319 = arith.constant 0 : i32
      %cond3A_320 = arith.cmpi ne, %convert_element_type3A_318, %cond3A_319 : i32
      scf.if %cond3A_320 {
        %dma_wait3A_388 = arith.constant 1 : i32
        %dma_wait3A_389 = arith.constant 3 : i32
        %dma_wait3A_390 = arith.constant 1 : i32
        %dma_wait3A_391 = arith.constant 1 : i32
        %dma_wait3A_392 = arith.constant 0 : i32
        %dma_wait3A_393 = arith.constant 0 : i32
        %dma_wait3A_394 = tpu.memref_slice %arg6[%dma_wait3A_388, %dma_wait3A_392, %dma_wait3A_393] : memref<2x128x128xf32, #tpu.memory_space<vmem>> -> memref<1x128x128xf32, #tpu.memory_space<vmem>>
        %dma_wait3A_395 = tpu.memref_squeeze %dma_wait3A_394 : memref<1x128x128xf32, #tpu.memory_space<vmem>> -> memref<128x128xf32, #tpu.memory_space<vmem>>
        %dma_wait3A_396 = arith.constant 0 : i32
        %dma_wait3A_397 = tpu.memref_slice %arg5[%dma_wait3A_389, %dma_wait3A_390, %dma_wait3A_396] : memref<4x2x128xi32, #tpu.memory_space<vmem>> -> memref<1x1x128xi32, #tpu.memory_space<vmem>>
        %dma_wait3A_398 = tpu.memref_squeeze %dma_wait3A_397 : memref<1x1x128xi32, #tpu.memory_space<vmem>> -> memref<128xi32, #tpu.memory_space<vmem>>
        %dma_wait3A_399 = arith.constant 0 : i32
        %dma_wait3A_400 = arith.constant 0 : i32
        %dma_wait3A_401 = tpu.memref_slice %arg7[%dma_wait3A_399, %dma_wait3A_400] : memref<10240x128xf32, #tpu.memory_space<vmem_shared>> -> memref<10240x128xf32, #tpu.memory_space<vmem_shared>>
        %dma_wait3A_402 = tpu.memref_slice %arg10[%dma_wait3A_391] : memref<2x!tpu.dma_semaphore, #tpu.memory_space<semaphore_mem>> -> memref<1x!tpu.dma_semaphore, #tpu.memory_space<semaphore_mem>>
        %dma_wait3A_403 = tpu.memref_squeeze %dma_wait3A_402 : memref<1x!tpu.dma_semaphore, #tpu.memory_space<semaphore_mem>> -> memref<!tpu.dma_semaphore, #tpu.memory_space<semaphore_mem>>
        tpu.wait_indirect_dma semaphore(%dma_wait3A_403 : memref<!tpu.dma_semaphore, #tpu.memory_space<semaphore_mem>>) src(%dma_wait3A_395 : memref<128x128xf32, #tpu.memory_space<vmem>>) dst(%dma_wait3A_401 : memref<10240x128xf32, #tpu.memory_space<vmem_shared>>)
      } else {
      }
      %add3A_321 = arith.constant 1 : i32
      %add3A_322 = arith.addi %add3A_281, %add3A_321 : i32
      %lt3A_323 = arith.cmpi slt, %add3A_322, %select_n3A_8 : i32
      %convert_element_type3A_324 = arith.extui %lt3A_323 : i1 to i32
      %cond3A_325 = arith.constant 0 : i32
      %cond3A_326 = arith.cmpi ne, %convert_element_type3A_324, %cond3A_325 : i32
      scf.if %cond3A_326 {
        %add3A_388 = arith.constant 1 : i32
        %add3A_389 = arith.addi %add3A_281, %add3A_388 : i32
        %add3A_390 = arith.addi %select_n3A, %add3A_389 : i32
        %dma_wait3A_391 = arith.constant 3 : i32
        %dma_wait3A_392 = arith.constant 3 : i32
        %dma_wait3A_393 = arith.constant 0 : i32
        %dma_wait3A_394 = arith.constant 0 : i32
        %dma_wait3A_395 = tpu.memref_slice %arg5[%dma_wait3A_391, %dma_wait3A_393, %dma_wait3A_394] : memref<4x2x128xi32, #tpu.memory_space<vmem>> -> memref<1x2x128xi32, #tpu.memory_space<vmem>>
        %dma_wait3A_396 = tpu.memref_squeeze %dma_wait3A_395 : memref<1x2x128xi32, #tpu.memory_space<vmem>> -> memref<2x128xi32, #tpu.memory_space<vmem>>
        %dma_wait3A_397 = arith.constant 0 : i32
        %dma_wait3A_398 = arith.constant 0 : i32
        %dma_wait3A_399 = tpu.memref_slice %arg2[%add3A_390, %dma_wait3A_397, %dma_wait3A_398] : memref<2560x2x128xi32, #tpu.memory_space<hbm>> -> memref<1x2x128xi32, #tpu.memory_space<hbm>>
        %dma_wait3A_400 = tpu.memref_squeeze %dma_wait3A_399 : memref<1x2x128xi32, #tpu.memory_space<hbm>> -> memref<2x128xi32, #tpu.memory_space<hbm>>
        %dma_wait3A_401 = tpu.memref_slice %arg8[%dma_wait3A_392] : memref<4x!tpu.dma_semaphore, #tpu.memory_space<semaphore_mem>> -> memref<1x!tpu.dma_semaphore, #tpu.memory_space<semaphore_mem>>
        %dma_wait3A_402 = tpu.memref_squeeze %dma_wait3A_401 : memref<1x!tpu.dma_semaphore, #tpu.memory_space<semaphore_mem>> -> memref<!tpu.dma_semaphore, #tpu.memory_space<semaphore_mem>>
        %dma_wait3A_403 = arith.constant 0 : i32
        %dma_wait3A_404 = arith.constant 0 : i32
        %dma_wait3A_405 = tpu.memref_slice %arg5[%dma_wait3A_391, %dma_wait3A_403, %dma_wait3A_404] : memref<4x2x128xi32, #tpu.memory_space<vmem>> -> memref<1x2x128xi32, #tpu.memory_space<vmem>>
        %dma_wait3A_406 = tpu.memref_squeeze %dma_wait3A_405 : memref<1x2x128xi32, #tpu.memory_space<vmem>> -> memref<2x128xi32, #tpu.memory_space<vmem>>
        %dma_wait3A_407 = arith.constant 0 : i32
        %dma_wait3A_408 = arith.constant 0 : i32
        %dma_wait3A_409 = tpu.memref_slice %arg2[%add3A_390, %dma_wait3A_407, %dma_wait3A_408] : memref<2560x2x128xi32, #tpu.memory_space<hbm>> -> memref<1x2x128xi32, #tpu.memory_space<hbm>>
        %dma_wait3A_410 = tpu.memref_squeeze %dma_wait3A_409 : memref<1x2x128xi32, #tpu.memory_space<hbm>> -> memref<2x128xi32, #tpu.memory_space<hbm>>
        tpu.wait_dma2 semaphore(%dma_wait3A_402 : memref<!tpu.dma_semaphore, #tpu.memory_space<semaphore_mem>>) src(%dma_wait3A_410 : memref<2x128xi32, #tpu.memory_space<hbm>>) dst(%dma_wait3A_406 : memref<2x128xi32, #tpu.memory_space<vmem>>)
        %dma_start3A_411 = arith.constant 3 : i32
        %dma_start3A_412 = arith.constant 0 : i32
        %dma_start3A_413 = arith.constant 1 : i32
        %dma_start3A_414 = arith.constant 1 : i32
        %dma_start3A_415 = arith.constant 0 : i32
        %dma_start3A_416 = arith.constant 0 : i32
        %dma_start3A_417 = tpu.memref_slice %arg6[%dma_start3A_413, %dma_start3A_415, %dma_start3A_416] : memref<2x128x128xf32, #tpu.memory_space<vmem>> -> memref<1x128x128xf32, #tpu.memory_space<vmem>>
        %dma_start3A_418 = tpu.memref_squeeze %dma_start3A_417 : memref<1x128x128xf32, #tpu.memory_space<vmem>> -> memref<128x128xf32, #tpu.memory_space<vmem>>
        %dma_start3A_419 = arith.constant 0 : i32
        %dma_start3A_420 = tpu.memref_slice %arg5[%dma_start3A_411, %dma_start3A_412, %dma_start3A_419] : memref<4x2x128xi32, #tpu.memory_space<vmem>> -> memref<1x1x128xi32, #tpu.memory_space<vmem>>
        %dma_start3A_421 = tpu.memref_squeeze %dma_start3A_420 : memref<1x1x128xi32, #tpu.memory_space<vmem>> -> memref<128xi32, #tpu.memory_space<vmem>>
        %dma_start3A_422 = arith.constant 0 : i32
        %dma_start3A_423 = arith.constant 0 : i32
        %dma_start3A_424 = tpu.memref_slice %arg3[%dma_start3A_422, %dma_start3A_423] : memref<10240x128xf32, #tpu.memory_space<hbm>> -> memref<10240x128xf32, #tpu.memory_space<hbm>>
        %dma_start3A_425 = tpu.memref_slice %arg9[%dma_start3A_414] : memref<2x!tpu.dma_semaphore, #tpu.memory_space<semaphore_mem>> -> memref<1x!tpu.dma_semaphore, #tpu.memory_space<semaphore_mem>>
        %dma_start3A_426 = tpu.memref_squeeze %dma_start3A_425 : memref<1x!tpu.dma_semaphore, #tpu.memory_space<semaphore_mem>> -> memref<!tpu.dma_semaphore, #tpu.memory_space<semaphore_mem>>
        tpu.enqueue_indirect_dma source(%dma_start3A_424 : memref<10240x128xf32, #tpu.memory_space<hbm>>) target(%dma_start3A_418 : memref<128x128xf32, #tpu.memory_space<vmem>>) offsets(%dma_start3A_421 : memref<128xi32, #tpu.memory_space<vmem>>) semaphore(%dma_start3A_426 : memref<!tpu.dma_semaphore, #tpu.memory_space<semaphore_mem>>)
      } else {
      }
      %add3A_327 = arith.constant 3 : i32
      %add3A_328 = arith.addi %add3A_281, %add3A_327 : i32
      %lt3A_329 = arith.cmpi slt, %add3A_328, %select_n3A_8 : i32
      %convert_element_type3A_330 = arith.extui %lt3A_329 : i1 to i32
      %cond3A_331 = arith.constant 0 : i32
      %cond3A_332 = arith.cmpi ne, %convert_element_type3A_330, %cond3A_331 : i32
      scf.if %cond3A_332 {
        %add3A_388 = arith.constant 3 : i32
        %add3A_389 = arith.addi %add3A_281, %add3A_388 : i32
        %add3A_390 = arith.addi %select_n3A, %add3A_389 : i32
        %dma_start3A_391 = arith.constant 1 : i32
        %dma_start3A_392 = arith.constant 1 : i32
        %dma_start3A_393 = arith.constant 0 : i32
        %dma_start3A_394 = arith.constant 0 : i32
        %dma_start3A_395 = tpu.memref_slice %arg5[%dma_start3A_391, %dma_start3A_393, %dma_start3A_394] : memref<4x2x128xi32, #tpu.memory_space<vmem>> -> memref<1x2x128xi32, #tpu.memory_space<vmem>>
        %dma_start3A_396 = tpu.memref_squeeze %dma_start3A_395 : memref<1x2x128xi32, #tpu.memory_space<vmem>> -> memref<2x128xi32, #tpu.memory_space<vmem>>
        %dma_start3A_397 = arith.constant 0 : i32
        %dma_start3A_398 = arith.constant 0 : i32
        %dma_start3A_399 = tpu.memref_slice %arg2[%add3A_390, %dma_start3A_397, %dma_start3A_398] : memref<2560x2x128xi32, #tpu.memory_space<hbm>> -> memref<1x2x128xi32, #tpu.memory_space<hbm>>
        %dma_start3A_400 = tpu.memref_squeeze %dma_start3A_399 : memref<1x2x128xi32, #tpu.memory_space<hbm>> -> memref<2x128xi32, #tpu.memory_space<hbm>>
        %dma_start3A_401 = tpu.memref_slice %arg8[%dma_start3A_392] : memref<4x!tpu.dma_semaphore, #tpu.memory_space<semaphore_mem>> -> memref<1x!tpu.dma_semaphore, #tpu.memory_space<semaphore_mem>>
        %dma_start3A_402 = tpu.memref_squeeze %dma_start3A_401 : memref<1x!tpu.dma_semaphore, #tpu.memory_space<semaphore_mem>> -> memref<!tpu.dma_semaphore, #tpu.memory_space<semaphore_mem>>
        %dma_start3A_403 = arith.constant 0 : i32
        %dma_start3A_404 = arith.constant 0 : i32
        %dma_start3A_405 = tpu.memref_slice %arg5[%dma_start3A_391, %dma_start3A_403, %dma_start3A_404] : memref<4x2x128xi32, #tpu.memory_space<vmem>> -> memref<1x2x128xi32, #tpu.memory_space<vmem>>
        %dma_start3A_406 = tpu.memref_squeeze %dma_start3A_405 : memref<1x2x128xi32, #tpu.memory_space<vmem>> -> memref<2x128xi32, #tpu.memory_space<vmem>>
        %dma_start3A_407 = arith.constant 0 : i32
        %dma_start3A_408 = arith.constant 0 : i32
        %dma_start3A_409 = tpu.memref_slice %arg2[%add3A_390, %dma_start3A_407, %dma_start3A_408] : memref<2560x2x128xi32, #tpu.memory_space<hbm>> -> memref<1x2x128xi32, #tpu.memory_space<hbm>>
        %dma_start3A_410 = tpu.memref_squeeze %dma_start3A_409 : memref<1x2x128xi32, #tpu.memory_space<hbm>> -> memref<2x128xi32, #tpu.memory_space<hbm>>
        tpu.enqueue_dma source(%dma_start3A_410 : memref<2x128xi32, #tpu.memory_space<hbm>>) target(%dma_start3A_406 : memref<2x128xi32, #tpu.memory_space<vmem>>) target_semaphore(%dma_start3A_402 : memref<!tpu.dma_semaphore, #tpu.memory_space<semaphore_mem>>)
      } else {
      }
      %mul3A_333 = arith.constant 4 : i32
      %mul3A_334 = arith.muli %while3A_171, %mul3A_333 : i32
      %add3A_335 = arith.constant 3 : i32
      %add3A_336 = arith.addi %mul3A_334, %add3A_335 : i32
      %dma_wait3A_337 = arith.constant 3 : i32
      %dma_wait3A_338 = arith.constant 0 : i32
      %dma_wait3A_339 = arith.constant 1 : i32
      %dma_wait3A_340 = arith.constant 1 : i32
      %dma_wait3A_341 = arith.constant 0 : i32
      %dma_wait3A_342 = arith.constant 0 : i32
      %dma_wait3A_343 = tpu.memref_slice %arg6[%dma_wait3A_339, %dma_wait3A_341, %dma_wait3A_342] : memref<2x128x128xf32, #tpu.memory_space<vmem>> -> memref<1x128x128xf32, #tpu.memory_space<vmem>>
      %dma_wait3A_344 = tpu.memref_squeeze %dma_wait3A_343 : memref<1x128x128xf32, #tpu.memory_space<vmem>> -> memref<128x128xf32, #tpu.memory_space<vmem>>
      %dma_wait3A_345 = arith.constant 0 : i32
      %dma_wait3A_346 = tpu.memref_slice %arg5[%dma_wait3A_337, %dma_wait3A_338, %dma_wait3A_345] : memref<4x2x128xi32, #tpu.memory_space<vmem>> -> memref<1x1x128xi32, #tpu.memory_space<vmem>>
      %dma_wait3A_347 = tpu.memref_squeeze %dma_wait3A_346 : memref<1x1x128xi32, #tpu.memory_space<vmem>> -> memref<128xi32, #tpu.memory_space<vmem>>
      %dma_wait3A_348 = arith.constant 0 : i32
      %dma_wait3A_349 = arith.constant 0 : i32
      %dma_wait3A_350 = tpu.memref_slice %arg3[%dma_wait3A_348, %dma_wait3A_349] : memref<10240x128xf32, #tpu.memory_space<hbm>> -> memref<10240x128xf32, #tpu.memory_space<hbm>>
      %dma_wait3A_351 = tpu.memref_slice %arg9[%dma_wait3A_340] : memref<2x!tpu.dma_semaphore, #tpu.memory_space<semaphore_mem>> -> memref<1x!tpu.dma_semaphore, #tpu.memory_space<semaphore_mem>>
      %dma_wait3A_352 = tpu.memref_squeeze %dma_wait3A_351 : memref<1x!tpu.dma_semaphore, #tpu.memory_space<semaphore_mem>> -> memref<!tpu.dma_semaphore, #tpu.memory_space<semaphore_mem>>
      tpu.wait_indirect_dma semaphore(%dma_wait3A_352 : memref<!tpu.dma_semaphore, #tpu.memory_space<semaphore_mem>>) src(%dma_wait3A_350 : memref<10240x128xf32, #tpu.memory_space<hbm>>) dst(%dma_wait3A_344 : memref<128x128xf32, #tpu.memory_space<vmem>>)
      %dma_start3A_353 = arith.constant 1 : i32
      %dma_start3A_354 = arith.constant 3 : i32
      %dma_start3A_355 = arith.constant 1 : i32
      %dma_start3A_356 = arith.constant 1 : i32
      %dma_start3A_357 = arith.constant 0 : i32
      %dma_start3A_358 = arith.constant 0 : i32
      %dma_start3A_359 = tpu.memref_slice %arg6[%dma_start3A_353, %dma_start3A_357, %dma_start3A_358] : memref<2x128x128xf32, #tpu.memory_space<vmem>> -> memref<1x128x128xf32, #tpu.memory_space<vmem>>
      %dma_start3A_360 = tpu.memref_squeeze %dma_start3A_359 : memref<1x128x128xf32, #tpu.memory_space<vmem>> -> memref<128x128xf32, #tpu.memory_space<vmem>>
      %dma_start3A_361 = arith.constant 0 : i32
      %dma_start3A_362 = tpu.memref_slice %arg5[%dma_start3A_354, %dma_start3A_355, %dma_start3A_361] : memref<4x2x128xi32, #tpu.memory_space<vmem>> -> memref<1x1x128xi32, #tpu.memory_space<vmem>>
      %dma_start3A_363 = tpu.memref_squeeze %dma_start3A_362 : memref<1x1x128xi32, #tpu.memory_space<vmem>> -> memref<128xi32, #tpu.memory_space<vmem>>
      %dma_start3A_364 = arith.constant 0 : i32
      %dma_start3A_365 = arith.constant 0 : i32
      %dma_start3A_366 = tpu.memref_slice %arg7[%dma_start3A_364, %dma_start3A_365] : memref<10240x128xf32, #tpu.memory_space<vmem_shared>> -> memref<10240x128xf32, #tpu.memory_space<vmem_shared>>
      %dma_start3A_367 = tpu.memref_slice %arg10[%dma_start3A_356] : memref<2x!tpu.dma_semaphore, #tpu.memory_space<semaphore_mem>> -> memref<1x!tpu.dma_semaphore, #tpu.memory_space<semaphore_mem>>
      %dma_start3A_368 = tpu.memref_squeeze %dma_start3A_367 : memref<1x!tpu.dma_semaphore, #tpu.memory_space<semaphore_mem>> -> memref<!tpu.dma_semaphore, #tpu.memory_space<semaphore_mem>>
      tpu.enqueue_indirect_dma source(%dma_start3A_360 : memref<128x128xf32, #tpu.memory_space<vmem>>) target(%dma_start3A_366 : memref<10240x128xf32, #tpu.memory_space<vmem_shared>>) offsets(%dma_start3A_363 : memref<128xi32, #tpu.memory_space<vmem>>) semaphore(%dma_start3A_368 : memref<!tpu.dma_semaphore, #tpu.memory_space<semaphore_mem>>) {add = true}
      %sub3A_369 = arith.constant 1 : i32
      %sub3A_370 = arith.subi %add3A_336, %sub3A_369 : i32
      %ge3A_371 = arith.constant 0 : i32
      %ge3A_372 = arith.cmpi sge, %sub3A_370, %ge3A_371 : i32
      %convert_element_type3A_373 = arith.extui %ge3A_372 : i1 to i32
      %cond3A_374 = arith.constant 0 : i32
      %cond3A_375 = arith.cmpi ne, %convert_element_type3A_373, %cond3A_374 : i32
      scf.if %cond3A_375 {
        %dma_wait3A_388 = arith.constant 0 : i32
        %dma_wait3A_389 = arith.constant 0 : i32
        %dma_wait3A_390 = arith.constant 1 : i32
        %dma_wait3A_391 = arith.constant 0 : i32
        %dma_wait3A_392 = arith.constant 0 : i32
        %dma_wait3A_393 = arith.constant 0 : i32
        %dma_wait3A_394 = tpu.memref_slice %arg6[%dma_wait3A_388, %dma_wait3A_392, %dma_wait3A_393] : memref<2x128x128xf32, #tpu.memory_space<vmem>> -> memref<1x128x128xf32, #tpu.memory_space<vmem>>
        %dma_wait3A_395 = tpu.memref_squeeze %dma_wait3A_394 : memref<1x128x128xf32, #tpu.memory_space<vmem>> -> memref<128x128xf32, #tpu.memory_space<vmem>>
        %dma_wait3A_396 = arith.constant 0 : i32
        %dma_wait3A_397 = tpu.memref_slice %arg5[%dma_wait3A_389, %dma_wait3A_390, %dma_wait3A_396] : memref<4x2x128xi32, #tpu.memory_space<vmem>> -> memref<1x1x128xi32, #tpu.memory_space<vmem>>
        %dma_wait3A_398 = tpu.memref_squeeze %dma_wait3A_397 : memref<1x1x128xi32, #tpu.memory_space<vmem>> -> memref<128xi32, #tpu.memory_space<vmem>>
        %dma_wait3A_399 = arith.constant 0 : i32
        %dma_wait3A_400 = arith.constant 0 : i32
        %dma_wait3A_401 = tpu.memref_slice %arg7[%dma_wait3A_399, %dma_wait3A_400] : memref<10240x128xf32, #tpu.memory_space<vmem_shared>> -> memref<10240x128xf32, #tpu.memory_space<vmem_shared>>
        %dma_wait3A_402 = tpu.memref_slice %arg10[%dma_wait3A_391] : memref<2x!tpu.dma_semaphore, #tpu.memory_space<semaphore_mem>> -> memref<1x!tpu.dma_semaphore, #tpu.memory_space<semaphore_mem>>
        %dma_wait3A_403 = tpu.memref_squeeze %dma_wait3A_402 : memref<1x!tpu.dma_semaphore, #tpu.memory_space<semaphore_mem>> -> memref<!tpu.dma_semaphore, #tpu.memory_space<semaphore_mem>>
        tpu.wait_indirect_dma semaphore(%dma_wait3A_403 : memref<!tpu.dma_semaphore, #tpu.memory_space<semaphore_mem>>) src(%dma_wait3A_395 : memref<128x128xf32, #tpu.memory_space<vmem>>) dst(%dma_wait3A_401 : memref<10240x128xf32, #tpu.memory_space<vmem_shared>>)
      } else {
      }
      %add3A_376 = arith.constant 1 : i32
      %add3A_377 = arith.addi %add3A_336, %add3A_376 : i32
      %lt3A_378 = arith.cmpi slt, %add3A_377, %select_n3A_8 : i32
      %convert_element_type3A_379 = arith.extui %lt3A_378 : i1 to i32
      %cond3A_380 = arith.constant 0 : i32
      %cond3A_381 = arith.cmpi ne, %convert_element_type3A_379, %cond3A_380 : i32
      scf.if %cond3A_381 {
        %add3A_388 = arith.constant 1 : i32
        %add3A_389 = arith.addi %add3A_336, %add3A_388 : i32
        %add3A_390 = arith.addi %select_n3A, %add3A_389 : i32
        %dma_wait3A_391 = arith.constant 0 : i32
        %dma_wait3A_392 = arith.constant 0 : i32
        %dma_wait3A_393 = arith.constant 0 : i32
        %dma_wait3A_394 = arith.constant 0 : i32
        %dma_wait3A_395 = tpu.memref_slice %arg5[%dma_wait3A_391, %dma_wait3A_393, %dma_wait3A_394] : memref<4x2x128xi32, #tpu.memory_space<vmem>> -> memref<1x2x128xi32, #tpu.memory_space<vmem>>
        %dma_wait3A_396 = tpu.memref_squeeze %dma_wait3A_395 : memref<1x2x128xi32, #tpu.memory_space<vmem>> -> memref<2x128xi32, #tpu.memory_space<vmem>>
        %dma_wait3A_397 = arith.constant 0 : i32
        %dma_wait3A_398 = arith.constant 0 : i32
        %dma_wait3A_399 = tpu.memref_slice %arg2[%add3A_390, %dma_wait3A_397, %dma_wait3A_398] : memref<2560x2x128xi32, #tpu.memory_space<hbm>> -> memref<1x2x128xi32, #tpu.memory_space<hbm>>
        %dma_wait3A_400 = tpu.memref_squeeze %dma_wait3A_399 : memref<1x2x128xi32, #tpu.memory_space<hbm>> -> memref<2x128xi32, #tpu.memory_space<hbm>>
        %dma_wait3A_401 = tpu.memref_slice %arg8[%dma_wait3A_392] : memref<4x!tpu.dma_semaphore, #tpu.memory_space<semaphore_mem>> -> memref<1x!tpu.dma_semaphore, #tpu.memory_space<semaphore_mem>>
        %dma_wait3A_402 = tpu.memref_squeeze %dma_wait3A_401 : memref<1x!tpu.dma_semaphore, #tpu.memory_space<semaphore_mem>> -> memref<!tpu.dma_semaphore, #tpu.memory_space<semaphore_mem>>
        %dma_wait3A_403 = arith.constant 0 : i32
        %dma_wait3A_404 = arith.constant 0 : i32
        %dma_wait3A_405 = tpu.memref_slice %arg5[%dma_wait3A_391, %dma_wait3A_403, %dma_wait3A_404] : memref<4x2x128xi32, #tpu.memory_space<vmem>> -> memref<1x2x128xi32, #tpu.memory_space<vmem>>
        %dma_wait3A_406 = tpu.memref_squeeze %dma_wait3A_405 : memref<1x2x128xi32, #tpu.memory_space<vmem>> -> memref<2x128xi32, #tpu.memory_space<vmem>>
        %dma_wait3A_407 = arith.constant 0 : i32
        %dma_wait3A_408 = arith.constant 0 : i32
        %dma_wait3A_409 = tpu.memref_slice %arg2[%add3A_390, %dma_wait3A_407, %dma_wait3A_408] : memref<2560x2x128xi32, #tpu.memory_space<hbm>> -> memref<1x2x128xi32, #tpu.memory_space<hbm>>
        %dma_wait3A_410 = tpu.memref_squeeze %dma_wait3A_409 : memref<1x2x128xi32, #tpu.memory_space<hbm>> -> memref<2x128xi32, #tpu.memory_space<hbm>>
        tpu.wait_dma2 semaphore(%dma_wait3A_402 : memref<!tpu.dma_semaphore, #tpu.memory_space<semaphore_mem>>) src(%dma_wait3A_410 : memref<2x128xi32, #tpu.memory_space<hbm>>) dst(%dma_wait3A_406 : memref<2x128xi32, #tpu.memory_space<vmem>>)
        %dma_start3A_411 = arith.constant 0 : i32
        %dma_start3A_412 = arith.constant 0 : i32
        %dma_start3A_413 = arith.constant 0 : i32
        %dma_start3A_414 = arith.constant 0 : i32
        %dma_start3A_415 = arith.constant 0 : i32
        %dma_start3A_416 = arith.constant 0 : i32
        %dma_start3A_417 = tpu.memref_slice %arg6[%dma_start3A_413, %dma_start3A_415, %dma_start3A_416] : memref<2x128x128xf32, #tpu.memory_space<vmem>> -> memref<1x128x128xf32, #tpu.memory_space<vmem>>
        %dma_start3A_418 = tpu.memref_squeeze %dma_start3A_417 : memref<1x128x128xf32, #tpu.memory_space<vmem>> -> memref<128x128xf32, #tpu.memory_space<vmem>>
        %dma_start3A_419 = arith.constant 0 : i32
        %dma_start3A_420 = tpu.memref_slice %arg5[%dma_start3A_411, %dma_start3A_412, %dma_start3A_419] : memref<4x2x128xi32, #tpu.memory_space<vmem>> -> memref<1x1x128xi32, #tpu.memory_space<vmem>>
        %dma_start3A_421 = tpu.memref_squeeze %dma_start3A_420 : memref<1x1x128xi32, #tpu.memory_space<vmem>> -> memref<128xi32, #tpu.memory_space<vmem>>
        %dma_start3A_422 = arith.constant 0 : i32
        %dma_start3A_423 = arith.constant 0 : i32
        %dma_start3A_424 = tpu.memref_slice %arg3[%dma_start3A_422, %dma_start3A_423] : memref<10240x128xf32, #tpu.memory_space<hbm>> -> memref<10240x128xf32, #tpu.memory_space<hbm>>
        %dma_start3A_425 = tpu.memref_slice %arg9[%dma_start3A_414] : memref<2x!tpu.dma_semaphore, #tpu.memory_space<semaphore_mem>> -> memref<1x!tpu.dma_semaphore, #tpu.memory_space<semaphore_mem>>
        %dma_start3A_426 = tpu.memref_squeeze %dma_start3A_425 : memref<1x!tpu.dma_semaphore, #tpu.memory_space<semaphore_mem>> -> memref<!tpu.dma_semaphore, #tpu.memory_space<semaphore_mem>>
        tpu.enqueue_indirect_dma source(%dma_start3A_424 : memref<10240x128xf32, #tpu.memory_space<hbm>>) target(%dma_start3A_418 : memref<128x128xf32, #tpu.memory_space<vmem>>) offsets(%dma_start3A_421 : memref<128xi32, #tpu.memory_space<vmem>>) semaphore(%dma_start3A_426 : memref<!tpu.dma_semaphore, #tpu.memory_space<semaphore_mem>>)
      } else {
      }
      %add3A_382 = arith.constant 3 : i32
      %add3A_383 = arith.addi %add3A_336, %add3A_382 : i32
      %lt3A_384 = arith.cmpi slt, %add3A_383, %select_n3A_8 : i32
      %convert_element_type3A_385 = arith.extui %lt3A_384 : i1 to i32
      %cond3A_386 = arith.constant 0 : i32
      %cond3A_387 = arith.cmpi ne, %convert_element_type3A_385, %cond3A_386 : i32
      scf.if %cond3A_387 {
        %add3A_388 = arith.constant 3 : i32
        %add3A_389 = arith.addi %add3A_336, %add3A_388 : i32
        %add3A_390 = arith.addi %select_n3A, %add3A_389 : i32
        %dma_start3A_391 = arith.constant 2 : i32
        %dma_start3A_392 = arith.constant 2 : i32
        %dma_start3A_393 = arith.constant 0 : i32
        %dma_start3A_394 = arith.constant 0 : i32
        %dma_start3A_395 = tpu.memref_slice %arg5[%dma_start3A_391, %dma_start3A_393, %dma_start3A_394] : memref<4x2x128xi32, #tpu.memory_space<vmem>> -> memref<1x2x128xi32, #tpu.memory_space<vmem>>
        %dma_start3A_396 = tpu.memref_squeeze %dma_start3A_395 : memref<1x2x128xi32, #tpu.memory_space<vmem>> -> memref<2x128xi32, #tpu.memory_space<vmem>>
        %dma_start3A_397 = arith.constant 0 : i32
        %dma_start3A_398 = arith.constant 0 : i32
        %dma_start3A_399 = tpu.memref_slice %arg2[%add3A_390, %dma_start3A_397, %dma_start3A_398] : memref<2560x2x128xi32, #tpu.memory_space<hbm>> -> memref<1x2x128xi32, #tpu.memory_space<hbm>>
        %dma_start3A_400 = tpu.memref_squeeze %dma_start3A_399 : memref<1x2x128xi32, #tpu.memory_space<hbm>> -> memref<2x128xi32, #tpu.memory_space<hbm>>
        %dma_start3A_401 = tpu.memref_slice %arg8[%dma_start3A_392] : memref<4x!tpu.dma_semaphore, #tpu.memory_space<semaphore_mem>> -> memref<1x!tpu.dma_semaphore, #tpu.memory_space<semaphore_mem>>
        %dma_start3A_402 = tpu.memref_squeeze %dma_start3A_401 : memref<1x!tpu.dma_semaphore, #tpu.memory_space<semaphore_mem>> -> memref<!tpu.dma_semaphore, #tpu.memory_space<semaphore_mem>>
        %dma_start3A_403 = arith.constant 0 : i32
        %dma_start3A_404 = arith.constant 0 : i32
        %dma_start3A_405 = tpu.memref_slice %arg5[%dma_start3A_391, %dma_start3A_403, %dma_start3A_404] : memref<4x2x128xi32, #tpu.memory_space<vmem>> -> memref<1x2x128xi32, #tpu.memory_space<vmem>>
        %dma_start3A_406 = tpu.memref_squeeze %dma_start3A_405 : memref<1x2x128xi32, #tpu.memory_space<vmem>> -> memref<2x128xi32, #tpu.memory_space<vmem>>
        %dma_start3A_407 = arith.constant 0 : i32
        %dma_start3A_408 = arith.constant 0 : i32
        %dma_start3A_409 = tpu.memref_slice %arg2[%add3A_390, %dma_start3A_407, %dma_start3A_408] : memref<2560x2x128xi32, #tpu.memory_space<hbm>> -> memref<1x2x128xi32, #tpu.memory_space<hbm>>
        %dma_start3A_410 = tpu.memref_squeeze %dma_start3A_409 : memref<1x2x128xi32, #tpu.memory_space<hbm>> -> memref<2x128xi32, #tpu.memory_space<hbm>>
        tpu.enqueue_dma source(%dma_start3A_410 : memref<2x128xi32, #tpu.memory_space<hbm>>) target(%dma_start3A_406 : memref<2x128xi32, #tpu.memory_space<vmem>>) target_semaphore(%dma_start3A_402 : memref<!tpu.dma_semaphore, #tpu.memory_space<semaphore_mem>>)
      } else {
      }
    }
    %dma_wait3A_150 = arith.constant 1 : i32
    %dma_wait3A_151 = arith.constant 3 : i32
    %dma_wait3A_152 = arith.constant 1 : i32
    %dma_wait3A_153 = arith.constant 1 : i32
    %dma_wait3A_154 = arith.constant 0 : i32
    %dma_wait3A_155 = arith.constant 0 : i32
    %dma_wait3A_156 = tpu.memref_slice %arg6[%dma_wait3A_150, %dma_wait3A_154, %dma_wait3A_155] : memref<2x128x128xf32, #tpu.memory_space<vmem>> -> memref<1x128x128xf32, #tpu.memory_space<vmem>>
    %dma_wait3A_157 = tpu.memref_squeeze %dma_wait3A_156 : memref<1x128x128xf32, #tpu.memory_space<vmem>> -> memref<128x128xf32, #tpu.memory_space<vmem>>
    %dma_wait3A_158 = arith.constant 0 : i32
    %dma_wait3A_159 = tpu.memref_slice %arg5[%dma_wait3A_151, %dma_wait3A_152, %dma_wait3A_158] : memref<4x2x128xi32, #tpu.memory_space<vmem>> -> memref<1x1x128xi32, #tpu.memory_space<vmem>>
    %dma_wait3A_160 = tpu.memref_squeeze %dma_wait3A_159 : memref<1x1x128xi32, #tpu.memory_space<vmem>> -> memref<128xi32, #tpu.memory_space<vmem>>
    %dma_wait3A_161 = arith.constant 0 : i32
    %dma_wait3A_162 = arith.constant 0 : i32
    %dma_wait3A_163 = tpu.memref_slice %arg7[%dma_wait3A_161, %dma_wait3A_162] : memref<10240x128xf32, #tpu.memory_space<vmem_shared>> -> memref<10240x128xf32, #tpu.memory_space<vmem_shared>>
    %dma_wait3A_164 = tpu.memref_slice %arg10[%dma_wait3A_153] : memref<2x!tpu.dma_semaphore, #tpu.memory_space<semaphore_mem>> -> memref<1x!tpu.dma_semaphore, #tpu.memory_space<semaphore_mem>>
    %dma_wait3A_165 = tpu.memref_squeeze %dma_wait3A_164 : memref<1x!tpu.dma_semaphore, #tpu.memory_space<semaphore_mem>> -> memref<!tpu.dma_semaphore, #tpu.memory_space<semaphore_mem>>
    tpu.wait_indirect_dma semaphore(%dma_wait3A_165 : memref<!tpu.dma_semaphore, #tpu.memory_space<semaphore_mem>>) src(%dma_wait3A_157 : memref<128x128xf32, #tpu.memory_space<vmem>>) dst(%dma_wait3A_163 : memref<10240x128xf32, #tpu.memory_space<vmem_shared>>)
    %barrier3A_166 = arith.constant 0 : index
    tpu.barrier barrier_id(%barrier3A_166)
    %mul3A_167 = arith.constant 640 : i32
    %mul3A_168 = arith.muli %arg1, %mul3A_167 : i32
    %mul3A_169 = arith.constant 640 : i32
    %mul3A_170 = arith.muli %arg1, %mul3A_169 : i32
    "tpu.region"() ({
      %run_scoped3A = tpu.sem_alloc : memref<!tpu.dma_semaphore, #tpu.memory_space<semaphore_mem>>
      %dma_start3A_171 = arith.constant 0 : i32
      %dma_start3A_172 = arith.constant 0 : i32
      %dma_start3A_173 = tpu.memref_slice %arg4[%arg0, %dma_start3A_171, %dma_start3A_172] : memref<2x10240x128xf32, #tpu.memory_space<hbm>> -> memref<1x10240x128xf32, #tpu.memory_space<hbm>>
      %dma_start3A_174 = tpu.memref_squeeze %dma_start3A_173 : memref<1x10240x128xf32, #tpu.memory_space<hbm>> -> memref<10240x128xf32, #tpu.memory_space<hbm>>
      %dma_start3A_175 = arith.constant 0 : i32
      %dma_start3A_176 = tpu.memref_slice %dma_start3A_174[%mul3A_170, %dma_start3A_175] : memref<10240x128xf32, #tpu.memory_space<hbm>> -> memref<640x128xf32, #tpu.memory_space<hbm>>
      %dma_start3A_177 = arith.constant 0 : i32
      %dma_start3A_178 = tpu.memref_slice %arg7[%mul3A_168, %dma_start3A_177] : memref<10240x128xf32, #tpu.memory_space<vmem_shared>> -> memref<640x128xf32, #tpu.memory_space<vmem_shared>>
      tpu.enqueue_dma source(%dma_start3A_178 : memref<640x128xf32, #tpu.memory_space<vmem_shared>>) target(%dma_start3A_176 : memref<640x128xf32, #tpu.memory_space<hbm>>) target_semaphore(%run_scoped3A : memref<!tpu.dma_semaphore, #tpu.memory_space<semaphore_mem>>)
      %dma_wait3A_179 = arith.constant 0 : i32
      %dma_wait3A_180 = arith.constant 0 : i32
      %dma_wait3A_181 = tpu.memref_slice %arg4[%arg0, %dma_wait3A_179, %dma_wait3A_180] : memref<2x10240x128xf32, #tpu.memory_space<hbm>> -> memref<1x10240x128xf32, #tpu.memory_space<hbm>>
      %dma_wait3A_182 = tpu.memref_squeeze %dma_wait3A_181 : memref<1x10240x128xf32, #tpu.memory_space<hbm>> -> memref<10240x128xf32, #tpu.memory_space<hbm>>
      %dma_wait3A_183 = arith.constant 0 : i32
      %dma_wait3A_184 = tpu.memref_slice %dma_wait3A_182[%mul3A_170, %dma_wait3A_183] : memref<10240x128xf32, #tpu.memory_space<hbm>> -> memref<640x128xf32, #tpu.memory_space<hbm>>
      %dma_wait3A_185 = arith.constant 0 : i32
      %dma_wait3A_186 = tpu.memref_slice %arg7[%mul3A_168, %dma_wait3A_185] : memref<10240x128xf32, #tpu.memory_space<vmem_shared>> -> memref<640x128xf32, #tpu.memory_space<vmem_shared>>
      tpu.wait_dma2 semaphore(%run_scoped3A : memref<!tpu.dma_semaphore, #tpu.memory_space<semaphore_mem>>) src(%dma_wait3A_186 : memref<640x128xf32, #tpu.memory_space<vmem_shared>>) dst(%dma_wait3A_184 : memref<640x128xf32, #tpu.memory_space<hbm>>)
      tpu.yield
    }) : () -> ()
    return
  }
}

module attributes {stable_mosaic.version = 14 : i64} {
  func.func @_y_body(%arg0: i32, %arg1: memref<1024x128xf32, #tpu.memory_space<vmem>>, %arg2: memref<128x128xf32, #tpu.memory_space<vmem>>, %arg3: memref<32x1024xf32, #tpu.memory_space<vmem>>, %arg4: memref<1024x128xf32, #tpu.memory_space<vmem>>) attributes {dimension_semantics = [#tpu.dimension_semantics<arbitrary>], iteration_bounds = array<i64: 10>, scalar_prefetch = 0 : i64, scratch_operands = 0 : i64, tpu.core_type = #tpu.core_type<tc>, window_params = [{transform_indices = @transform_0, window_bounds = array<i64: 1024, 128>}, {pipeline_mode = #tpu.pipeline_mode<synchronous>, transform_indices = @transform_1, window_bounds = array<i64: 128, 128>}, {transform_indices = @transform_2, window_bounds = array<i64: 32, 1024>}, {transform_indices = @transform_3, window_bounds = array<i64: 1024, 128>}]} {
    %get3A = arith.constant 0 : index
    %get3A_0 = arith.constant 0 : index
    %get3A_1 = vector.load %arg3[%get3A, %get3A_0] : memref<32x1024xf32, #tpu.memory_space<vmem>>, vector<32x1024xf32>
    %reduce_sum3A = arith.constant dense<0.000000e+00> : vector<1024xf32>
    %reduce_sum3A_2 = vector.multi_reduction <add>, %get3A_1, %reduce_sum3A [0] : vector<32x1024xf32> to vector<1024xf32>
    %add3A = arith.constant 1.000000e+00 : f32
    %add3A_3 = vector.broadcast %add3A : f32 to vector<1024xf32>
    %add3A_4 = arith.addf %add3A_3, %reduce_sum3A_2 : vector<1024xf32>
    %rsqrt3A = math.rsqrt %add3A_4 : vector<1024xf32>
    %get3A_5 = arith.constant 0 : index
    %get3A_6 = arith.constant 0 : index
    %get3A_7 = vector.load %arg1[%get3A_5, %get3A_6] : memref<1024x128xf32, #tpu.memory_space<vmem>>, vector<1024x128xf32>
    %get3A_8 = arith.constant 0 : index
    %get3A_9 = arith.constant 0 : index
    %get3A_10 = vector.load %arg2[%get3A_8, %get3A_9] : memref<128x128xf32, #tpu.memory_space<vmem>>, vector<128x128xf32>
    %dot_general3A = arith.constant dense<0.000000e+00> : vector<1024x128xf32>
    %dot_general3A_11 = tpu.matmul %get3A_7, %get3A_10, %dot_general3A {dimension_numbers = #tpu.dot_dimension_numbers<[1], [0], [0], [1], [0, 0, 1, 1], [], []>, transpose_lhs_hint = false} : vector<1024x128xf32>, vector<128x128xf32>, vector<1024x128xf32> -> vector<1024x128xf32>
    %broadcast_in_dim3A = vector.shape_cast %rsqrt3A : vector<1024xf32> to vector<1024x1xf32>
    %mul3A = vector.broadcast %broadcast_in_dim3A : vector<1024x1xf32> to vector<1024x128xf32>
    %mul3A_12 = arith.mulf %dot_general3A_11, %mul3A : vector<1024x128xf32>
    %swap3A = arith.constant 0 : index
    %swap3A_13 = arith.constant 0 : index
    %swap3A_14 = vector.load %arg4[%swap3A, %swap3A_13] : memref<1024x128xf32, #tpu.memory_space<vmem>>, vector<1024x128xf32>
    tpu.vector_store %arg4[%swap3A, %swap3A_13], %mul3A_12 {strides = array<i32>} : memref<1024x128xf32, #tpu.memory_space<vmem>>, vector<1024x128xf32>,
    return
  }
  func.func @transform_0(%arg0: i32) -> (i32, i32) {
    %c0_i32 = arith.constant 0 : i32
    %c0_i32_0 = arith.constant 0 : i32
    return %arg0, %c0_i32 : i32, i32
  }
  func.func @transform_1(%arg0: i32) -> (i32, i32) {
    %c0_i32 = arith.constant 0 : i32
    %c0_i32_0 = arith.constant 0 : i32
    %c0_i32_1 = arith.constant 0 : i32
    return %c0_i32, %c0_i32_0 : i32, i32
  }
  func.func @transform_2(%arg0: i32) -> (i32, i32) {
    %c0_i32 = arith.constant 0 : i32
    %c0_i32_0 = arith.constant 0 : i32
    return %c0_i32, %arg0 : i32, i32
  }
  func.func @transform_3(%arg0: i32) -> (i32, i32) {
    %c0_i32 = arith.constant 0 : i32
    %c0_i32_0 = arith.constant 0 : i32
    return %arg0, %c0_i32 : i32, i32
  }
}

module attributes {stable_mosaic.version = 14 : i64} {
  func.func @_out_body(%arg0: i32, %arg1: memref<2x1024x128xf32, #tpu.memory_space<vmem>>, %arg2: memref<1024x128xf32, #tpu.memory_space<vmem>>, %arg3: memref<32x1024xf32, #tpu.memory_space<vmem>>, %arg4: memref<1x128xf32, #tpu.memory_space<vmem>>, %arg5: memref<1024x128xf32, #tpu.memory_space<vmem>>) attributes {dimension_semantics = [#tpu.dimension_semantics<arbitrary>], iteration_bounds = array<i64: 10>, scalar_prefetch = 0 : i64, scratch_operands = 0 : i64, tpu.core_type = #tpu.core_type<tc>, window_params = [{transform_indices = @transform_0, window_bounds = array<i64: 2, 1024, 128>}, {transform_indices = @transform_1, window_bounds = array<i64: 1024, 128>}, {transform_indices = @transform_2, window_bounds = array<i64: 32, 1024>}, {pipeline_mode = #tpu.pipeline_mode<synchronous>, transform_indices = @transform_3, window_bounds = array<i64: 1, 128>}, {transform_indices = @transform_4, window_bounds = array<i64: 1024, 128>}]} {
    %get3A = arith.constant 0 : index
    %get3A_0 = arith.constant 0 : index
    %get3A_1 = vector.load %arg3[%get3A, %get3A_0] : memref<32x1024xf32, #tpu.memory_space<vmem>>, vector<32x1024xf32>
    %reduce_sum3A = arith.constant dense<0.000000e+00> : vector<1024xf32>
    %reduce_sum3A_2 = vector.multi_reduction <add>, %get3A_1, %reduce_sum3A [0] : vector<32x1024xf32> to vector<1024xf32>
    %add3A = arith.constant 1.000000e+00 : f32
    %add3A_3 = vector.broadcast %add3A : f32 to vector<1024xf32>
    %add3A_4 = arith.addf %add3A_3, %reduce_sum3A_2 : vector<1024xf32>
    %rsqrt3A = math.rsqrt %add3A_4 : vector<1024xf32>
    %get3A_5 = arith.constant 0 : index
    %get3A_6 = arith.constant 0 : index
    %get3A_7 = arith.constant 0 : index
    %get3A_8 = vector.load %arg1[%get3A_5, %get3A_6, %get3A_7] : memref<2x1024x128xf32, #tpu.memory_space<vmem>>, vector<1x1024x128xf32>
    %get3A_9 = vector.shape_cast %get3A_8 : vector<1x1024x128xf32> to vector<1024x128xf32>
    %get3A_10 = arith.constant 1 : index
    %get3A_11 = arith.constant 0 : index
    %get3A_12 = arith.constant 0 : index
    %get3A_13 = vector.load %arg1[%get3A_10, %get3A_11, %get3A_12] : memref<2x1024x128xf32, #tpu.memory_space<vmem>>, vector<1x1024x128xf32>
    %get3A_14 = vector.shape_cast %get3A_13 : vector<1x1024x128xf32> to vector<1024x128xf32>
    %add3A_15 = arith.addf %get3A_9, %get3A_14 : vector<1024x128xf32>
    %get3A_16 = arith.constant 0 : index
    %get3A_17 = arith.constant 0 : index
    %get3A_18 = vector.load %arg2[%get3A_16, %get3A_17] : memref<1024x128xf32, #tpu.memory_space<vmem>>, vector<1024x128xf32>
    %add3A_19 = arith.addf %add3A_15, %get3A_18 : vector<1024x128xf32>
    %broadcast_in_dim3A = vector.shape_cast %rsqrt3A : vector<1024xf32> to vector<1024x1xf32>
    %mul3A = vector.broadcast %broadcast_in_dim3A : vector<1024x1xf32> to vector<1024x128xf32>
    %mul3A_20 = arith.mulf %add3A_19, %mul3A : vector<1024x128xf32>
    %get3A_21 = arith.constant 0 : index
    %get3A_22 = arith.constant 0 : index
    %get3A_23 = vector.load %arg4[%get3A_21, %get3A_22] : memref<1x128xf32, #tpu.memory_space<vmem>>, vector<1x128xf32>
    %add3A_24 = vector.broadcast %get3A_23 : vector<1x128xf32> to vector<1024x128xf32>
    %add3A_25 = arith.addf %mul3A_20, %add3A_24 : vector<1024x128xf32>
    %max3A = arith.constant 0.000000e+00 : f32
    %max3A_26 = vector.broadcast %max3A : f32 to vector<1024x128xf32>
    %max3A_27 = arith.maximumf %add3A_25, %max3A_26 : vector<1024x128xf32>
    %swap3A = arith.constant 0 : index
    %swap3A_28 = arith.constant 0 : index
    %swap3A_29 = vector.load %arg5[%swap3A, %swap3A_28] : memref<1024x128xf32, #tpu.memory_space<vmem>>, vector<1024x128xf32>
    tpu.vector_store %arg5[%swap3A, %swap3A_28], %max3A_27 {strides = array<i32>} : memref<1024x128xf32, #tpu.memory_space<vmem>>, vector<1024x128xf32>,
    return
  }
  func.func @transform_0(%arg0: i32) -> (i32, i32, i32) {
    %c0_i32 = arith.constant 0 : i32
    %c0_i32_0 = arith.constant 0 : i32
    %c0_i32_1 = arith.constant 0 : i32
    return %c0_i32, %arg0, %c0_i32_0 : i32, i32, i32
  }
  func.func @transform_1(%arg0: i32) -> (i32, i32) {
    %c0_i32 = arith.constant 0 : i32
    %c0_i32_0 = arith.constant 0 : i32
    return %arg0, %c0_i32 : i32, i32
  }
  func.func @transform_2(%arg0: i32) -> (i32, i32) {
    %c0_i32 = arith.constant 0 : i32
    %c0_i32_0 = arith.constant 0 : i32
    return %c0_i32, %arg0 : i32, i32
  }
  func.func @transform_3(%arg0: i32) -> (i32, i32) {
    %c0_i32 = arith.constant 0 : i32
    %c0_i32_0 = arith.constant 0 : i32
    %c0_i32_1 = arith.constant 0 : i32
    return %c0_i32, %c0_i32_0 : i32, i32
  }
  func.func @transform_4(%arg0: i32) -> (i32, i32) {
    %c0_i32 = arith.constant 0 : i32
    %c0_i32_0 = arith.constant 0 : i32
    return %arg0, %c0_i32 : i32, i32
  }
}

</mosaic_0001>

<sc_bundles>
// kernel: kernel.6.cloned.1.call-start
scs
__scs_entry_jumppad:
0x0: {  	(pc) =	sbr.rel $0x88, $3  }
0x1: {  	(tag) =	ssettag $0x0;
	lr =	simm.s32 $0x1  }
0x2: {  	[smem:$0x3F9D] =	sst lr;
	_ =	strace $0xD0000000  }
0x3: {  	_ = 	snop  }
0x4: {  	_ = 	snop  }
0x5: {  	_ = 	snop  }
0x6: {  	_ = 	snop  }
0x7: {  	_ = 	snop  }
__scs_overlays_trampoline_lowered:
0x8: {  	[smem:$0x3FAC] =	sst s0  }
0x9: {  	[smem:$0x3FAD] =	sst s1  }
0xa: {  	[smem:$0x3FAE] =	sst s2  }
0xb: {  	[smem:$0x3FAF] =	sst s3  }
0xc: {  	[smem:$0x3FB0] =	sst s4  }
0xd: {  	[smem:$0x3FB1] =	sst s5  }
0xe: {  	[smem:$0x3FB2] =	sst s6  }
0xf: {  	[smem:$0x3FB3] =	sst s7  }
0x10: {  	[smem:$0x3FB4] =	sst s8  }
0x11: {  	[smem:$0x3FB5] =	sst s9;
	s0 =	simm.s32 @!p0 $0x0  }
0x12: {  	s1 =	sld [smem:$0x3F9B];
	s0 =	simm.s32 @p0 $0x1  }
0x13: {  	[smem:$0x3FB6] =	sst s0;
	s0 =	simm.s32 @!p1 $0x0  }
0x14: {  	s2 =	sld [smem:$0x3F9A];
	s0 =	simm.s32 @p1 $0x1  }
0x15: {  	[smem:$0x3FB7] =	sst s0;
	s0 =	simm.s32 @!p2 $0x0  }
0x16: {  	s3 =	sld [smem:$0x3FDB];
	s0 =	simm.s32 @p2 $0x1  }
0x17: {  	s4 =	simm.s32 $0x1BF5;
	[smem:$0x3FB9] =	sst s0  }
0x18: {  	s0 =	sld [smem:$0x3F9C];
	_ =	swait.ge [sflag:s4], $0x0  }
0x19: {  	s7 =	sld [smem:$0x3F9D]  }
0x1a: {  	s8 =	sadd.s32 $0xFFFFE003, lr  }
0x1b: {  	s9 =	sadd.s32 $0xFFFFFEF7, lr;
	s5 =	simm.s32 $0xFFFFFFFF;
	p2 =	slt.u32 s8, $0xFFFFF086  }
0x1c: {  	p1 =	slt.u32 s9, $0xF7A;
	s5 =	simm.s32 @!p2 $0x0  }
0x1d: {  	s5 =	simm.s32 @p1 $0x1;
	p0 =	seq.s32 s7, s2  }
0x1e: {  	s7 =	smul.u32 @!p0 $0xF7A, s2;
	p2 =	seq.s32 @!p0 s5, $0x0  }
0x1f: {  	s9 =	smul.u32 $0xF7A, s1;
	s8 =	simm.s32 @!p0 $0x1BF5;
	p2 =	por !p2, p0  }
0x20: {  	[sflag:s8] =	ssyncset.s32 @!p0 $0xFFFFF086;
	s6 =	sadd.s32 @!p0 s3, s7;
	s7 =	simm.s32 @!p0 $0x108  }
0x21: {  	s3 =	sadd.s32 s3, s9;
	s6 =	sadd.s32 @!p0 $0x88, s6;
	s7 =	simm.s32 @p2 $0x1082  }
0x22: {  	[simem:s7], [sflag:s8] =	dma.local @!p0 [hbm:s6], $0xF7A  }
0x23: {  	s9 =	sor.u32 $0xD0000000, s2;
	s6 =	simm.s32 $0x108;
	_ =	swait.ge @!p0 [sflag:s8], $0x0  }
0x24: {  	s3 =	sadd.s32 $0x88, s3;
	s6 =	simm.s32 @!p1 $0x1082;
	[sflag:s4] =	ssyncset.s32 $0xFFFFF086  }
0x25: {  	[simem:s6], [sflag:s4] =	dma.local [hbm:s3], $0xF7A  }
0x26: {  	[smem:$0x3F9D] =	sst s1;
	(tag) =	ssettag s2;
	_ =	strace s9  }
0x27: {  	s1 =	sld [smem:$0x3FAD]  }
0x28: {  	s2 =	sld [smem:$0x3FAE]  }
0x29: {  	s4 =	sld [smem:$0x3FB0]  }
0x2a: {  	p0 =	seq.s32 s5, $0x0;
	s5 =	sld [smem:$0x3FB1]  }
0x2b: {  	s6 =	sld [smem:$0x3FB2]  }
0x2c: {  	s7 =	sld [smem:$0x3FB3]  }
0x2d: {  	s3 =	simm.s32 $0x108;
	s8 =	sld [smem:$0x3FB4]  }
0x2e: {  	s3 =	simm.s32 @!p0 $0x1082;
	s9 =	sld [smem:$0x3FB5]  }
0x2f: {  	lr =	sadd.s32 s0, s3;
	s0 =	sld [smem:$0x3FAC]  }
0x30: {  	s3 =	sld [smem:$0x3FAF]  }
0x31: {  	[smem:$0x3FB8] =	sst s10  }
0x32: {  	s10 =	sld [smem:$0x3FB6];
	_ =	sdelay $0x3  }
0x33: {  	p0 =	seq.s32 s10, $0x1;
	s10 =	sld [smem:$0x3FB8];
	_ =	sdelay $0x3  }
0x34: {  	[smem:$0x3FB8] =	sst s10  }
0x35: {  	s10 =	sld [smem:$0x3FB7];
	_ =	sdelay $0x3  }
0x36: {  	p1 =	seq.s32 s10, $0x1;
	s10 =	sld [smem:$0x3FB8];
	_ =	sdelay $0x3  }
0x37: {  	[smem:$0x3FB8] =	sst s10  }
0x38: {  	s10 =	sld [smem:$0x3FB9]  }
0x39: {  	_ = 	snop;
	(pc) =	sbr.ind lr, $3  }
0x3a: {  	_ = 	snop  }
0x3b: {  	_ = 	snop  }
0x3c: {  	p2 =	seq.s32 s10, $0x1;
	s10 =	sld [smem:$0x3FB8]  }
0x3d: {  	_ =	shalt  }
0x3e: {  	_ =	shalt  }
0x3f: {  	_ =	shalt  }
0x40: {  	_ =	shalt  }
0x41: {  	_ =	shalt  }
0x42: {  	_ =	shalt  }
0x43: {  	_ =	shalt  }
0x44: {  	_ =	shalt  }
0x45: {  	_ =	shalt  }
0x46: {  	_ =	shalt  }
0x47: {  	_ =	shalt  }
0x48: {  	_ =	shalt  }
0x49: {  	_ =	shalt  }
0x4a: {  	_ =	shalt  }
0x4b: {  	_ =	shalt  }
0x4c: {  	_ =	shalt  }
0x4d: {  	_ =	shalt  }
0x4e: {  	_ =	shalt  }
0x4f: {  	_ =	shalt  }
0x50: {  	_ =	shalt  }
0x51: {  	_ =	shalt  }
0x52: {  	_ =	shalt  }
0x53: {  	_ =	shalt  }
0x54: {  	_ =	shalt  }
0x55: {  	_ =	shalt  }
0x56: {  	_ =	shalt  }
0x57: {  	_ =	shalt  }
0x58: {  	_ =	shalt  }
0x59: {  	_ =	shalt  }
0x5a: {  	_ =	shalt  }
0x5b: {  	_ =	shalt  }
0x5c: {  	_ =	shalt  }
0x5d: {  	_ =	shalt  }
0x5e: {  	_ =	shalt  }
0x5f: {  	_ =	shalt  }
0x60: {  	_ =	shalt  }
0x61: {  	_ =	shalt  }
0x62: {  	_ =	shalt  }
0x63: {  	_ =	shalt  }
0x64: {  	_ =	shalt  }
0x65: {  	_ =	shalt  }
0x66: {  	_ =	shalt  }
0x67: {  	_ =	shalt  }
0x68: {  	_ =	shalt  }
0x69: {  	_ =	shalt  }
0x6a: {  	_ =	shalt  }
0x6b: {  	_ =	shalt  }
0x6c: {  	_ =	shalt  }
0x6d: {  	_ =	shalt  }
0x6e: {  	_ =	shalt  }
0x6f: {  	_ =	shalt  }
0x70: {  	_ =	shalt  }
0x71: {  	_ =	shalt  }
0x72: {  	_ =	shalt  }
0x73: {  	_ =	shalt  }
0x74: {  	_ =	shalt  }
0x75: {  	_ =	shalt  }
0x76: {  	_ =	shalt  }
0x77: {  	_ =	shalt  }
0x78: {  	_ =	shalt  }
0x79: {  	_ =	shalt  }
0x7a: {  	_ =	shalt  }
0x7b: {  	_ =	shalt  }
0x7c: {  	_ =	shalt  }
0x7d: {  	_ =	shalt  }
0x7e: {  	_ =	shalt  }
0x7f: {  	_ =	shalt  }
0x80: {  	_ =	shalt  }
0x81: {  	_ =	shalt  }
0x82: {  	_ =	shalt  }
0x83: {  	_ =	shalt  }
0x84: {  	_ =	shalt  }
0x85: {  	_ =	shalt  }
0x86: {  	_ =	shalt  }
0x87: {  	_ =	shalt  }
.Lfunc_end0:
.L_simem_size_0:
called_computation_lowered:
.L_overlay_start_0:
0x88: {  	s2 =	sld [smem:$0x3FD9]  }
0x89: {  	s3 =	sld [smem:$0x3FFE];
	_ =	sdelay $0x1  }
0x8a: {  	s1 =	srdreg.scid  }
0x8b: {  	s0 =	sand.u32 $0x1, s1  }
0x8c: {  	s16 =	sshll.u32 s0, $0xA;
	s2 =	sadd.s32 s3, s2  }
0x8d: {  	s2 =	sadd.s32 s2, s16  }
0x8e: {  	[smem:$0x3FC4] =	sst s2  }
0x8f: {  	_ = 	snop  }
0x90: {  	(tm) =	ssettm $0x1  }
0x91: {  	s17 =	sld [smem:$0x3FFB];
	_ =	sdelay $0x3  }
0x92: {  	_ =	strace s17  }
0x93: {  	s2 =	sld [smem:$0x3FFC];
	_ =	sdelay $0x3  }
0x94: {  	_ =	strace s2  }
0x95: {  	s2 =	sld [smem:$0x3FFD];
	_ =	sdelay $0x3  }
0x96: {  	_ =	strace s2  }
0x97: {  	_ =	strace $0x8FFFFFFF  }
0x98: {  	s18 =	sld [smem:$0x3FDB];
	_ =	sdelay $0x1  }
0x99: {  	s19 =	simm.s32 $_scs_section_size  }
0x9a: {  	s4 =	simm.s32 $_size__tile_overlayer_lowered;
	s5 =	simm.s32 $_tile_overlayer_lowered  }
0x9b: {  	s22 =	simm.s32 $0x1BFF;
	s21 =	sshll.u32 s5, $0x1;
	s2 =	sadd.s32 s19, s18  }
0x9c: {  	s6 =	simm.s32 $0x0;
	s20 =	sshll.u32 s4, $0x1;
	s4 =	sadd.s32 s21, s2  }
0x9d: {  	[timem:s6], [sflag:s22] =	dma.local [hbm:s4], s20  }
0x9e: {  	_ =	swait.ge [sflag:s22], s20  }
0x9f: {  	s3 =	ssub.s32 $0x0, s20;
	[sflag:s22] =	ssyncset.done $0x0  }
0xa0: {  	[sflag:s22] =	ssyncadd.s32 s3;
	_ =	sdelay $0x1  }
0xa1: {  	s23 =	simm.s32 $0x1B8B  }
0xa2: {  	_ =	swait.ge [sflag:s23], $0x1  }
0xa3: {  	[sflag:s23] =	ssyncset.done $0x0  }
0xa4: {  	s25 =	simm.s32 $0x1B8E;
	s24 =	sld [smem:$0x3FFE];
	[sflag:s23] =	ssyncadd.s32 $0xFFFFFFFF  }
0xa5: {  	s26 =	simm.s32 $execute0_lowered;
	[smem:$0x3FD2] =	sst s25  }
0xa6: {  	s4 =	sshll.u32 s26, $0x1;
	_ =	strace $0x80000046;
	[dreg:$0x1] =	wrdreg $0xFFFFFFFF  }
0xa7: {  	s28 =	simm.s32 $_size_execute0_lowered;
	s2 =	sadd.s32 s2, s4;
	[dreg:$0x0] =	wrdreg $0x0  }
0xa8: {  	s4 =	sshll.u32 s28, $0x1;
	[dreg:$0x2] =	wrdreg s2  }
0xa9: {  	[dreg:$0x3] =	wrdreg s4  }
0xaa: {  	[dreg:$0x4] =	wrdreg $0xC0  }
0xab: {  	_ =	task [dreg:s6], $0x5FFFF  }
0xac: {  	[dreg:$0x1] =	wrdreg $0xFFFFFFFF  }
0xad: {  	[dreg:$0x0] =	wrdreg $0x60  }
0xae: {  	[dreg:$0x2] =	wrdreg s24  }
0xaf: {  	[dreg:$0x3] =	wrdreg $0x9  }
0xb0: {  	_ =	task.clear_ibuf [dreg:s6], $0x4FFFF;
	_ =	strace $0x90000046  }
0xb1: {  	s29 =	simm.s32 $0x9;
	_ =	strace $0x80000048  }
0xb2: {  	_ =	swait.ge [sflag:s29], $0x1  }
0xb3: {  	[sflag:s29] =	ssyncadd.s32 $0xFFFFFFFF  }
0xb4: {  	_ =	strace $0x90000048  }
0xb5: {  	_ =	sfence  }
0xb6: {  	s30 =	sld [smem:$0x0];
	_ =	sdelay $0x2  }
0xb7: {  	s31 =	sshll.u32 s1, $0xD;
	s1 =	sshrl.u32 s1, $0x2  }
0xb8: {  	s3 =	sand.u32 $0x4000, s31;
	s1 =	sadd.s32 s1, s30  }
0xb9: {  	s0 =	sor.u32 s3, s0;
	s1 =	sshll.u32 s1, $0x11  }
0xba: {  	s0 =	sor.u32 s1, s0  }
0xbb: {  	s0 =	sadd.s32 $0x8F2B, s0  }
0xbc: {  	[sflag:s0] =	ssyncadd.remote.s32 $0x1  }
0xbd: {  	_ =	sfence.sel $0xFFFF  }
0xbe: {  	[dreg:$0x0] =	wrdreg $0xFFFFFFFF;
	(pc) =	sbr.abs _section_cstart, $3  }
0xbf: {  	[dreg:$0x1] =	wrdreg $0xFFFFFFFF  }
0xc0: {  	_ =	task.clear_ibuf [dreg:s6], $0x2FFFF;
	_ =	strace $0x9FFFFFFF  }
0xc1: {  	(tm) =	ssettm $0x7FFFFFFF  }
tec
execute0_lowered:
.L_overlay_start_1:
0x0: {  	(tag) =	ssettag $0x1  }
0x1: {  	s1 =	srdreg.scid  }
0x2: {  	s0 =	stileid.u32;
	s5 =	rddreg [dreg:$0x0]  }
0x3: {  	s2 =	simm.s32 $0x0;
	s8 =	simm.s32 $0x80;
	s9 =	simm.s32 $0x400  }
0x4: {  	s10 =	simm.s32 $0x0;
	s3 =	sand.u32 $0x1, s1;
	s29 =	sshll.u32 s0, $0x1  }
0x5: {  	s30 =	sshrl.u32 s0, $0x2;
	s1 =	rddreg [dreg:$0x1];
	s4 =	sor.u32 s3, s29  }
0x6: {  	[smem:$0x7FF] =	sst s2;
	s6 =	smul.u32 $0x14000, s30;
	s7 =	sshll.u32 s4, $0x7  }
0x7: {  	s3 =	ssub.s32 $0x2, s3;
	s4 =	smul.u32 $0x500, s4;
	s7 =	sand.u32 $0x380, s7  }
0x8: {  	_ =	strace $0x80000047;
	s31 =	sshrl.u32 s3, $0x1;
	s6 =	sor.u32 s6, s7  }
0x9: {  	s4 =	sadd.s32 s4, s5;
	s7 =	simm.s32 $0x1;
	s6 =	sshrl.u32 s6, $0x3  }
0xa: {  	s5 =	sadd.s32 s6, s5;
	s6 =	ssub.s32 s3, s31;
	s3 =	sadd.s32 $0x1600, s4  }
0xb: {  	v0 =	vimm.f32 $0.0e+00;
	v1 =	vimm.f32 $1.000000000e+00;
	s4 =	sadd.s32 $0xB600, s5;
	s5 =	smax.u32 s6, $0x1;
	s6 =	simm.s32 $0x2800  }
.LBB2_1:
0xc: {  	s11 =	simm.s32 $0x40  }
0xd: {  	[tilespmem:s11+$0xFFFFFFC0] =	vst v0  }
0xe: {  	[tilespmem:s11+$0x30] =	vst v0  }
0xf: {  	[tilespmem:s11+$0x20] =	vst v0  }
0x10: {  	[tilespmem:s11+$0x10] =	vst v0  }
0x11: {  	[tilespmem:s11+$0x0] =	vst v0  }
0x12: {  	[tilespmem:s11+$0xFFFFFFF0] =	vst v0  }
0x13: {  	s12 =	simm.s32 $0x0;
	[tilespmem:s11+$0xFFFFFFE0] =	vst v0  }
.LBB2_2:
0x14: {  	s12 =	sadd.s32 $0x8, s12;
	[tilespmem:s11+$0xFFFFFFD0] =	vst v0;
	s11 =	sadd.s32 $0x80, s11  }
0x15: {  	[tilespmem:s11+$0xFFFFFFC0] =	vst v0;
	p0 =	slt.u32 s12, $0x278  }
0x16: {  	[tilespmem:s11+$0x30] =	vst v0  }
.Ltmp0:
0x17: {  	[tilespmem:s11+$0x20] =	vst v0;
	(pc) =	sbr.rel @p0 .LBB2_2-.Ltmp0, $4  }
0x18: {  	[tilespmem:s11+$0x10] =	vst v0  }
0x19: {  	[tilespmem:s11+$0x0] =	vst v0  }
0x1a: {  	[tilespmem:s11+$0xFFFFFFF0] =	vst v0  }
0x1b: {  	[tilespmem:s11+$0xFFFFFFE0] =	vst v0  }
0x1c: {  	[tilespmem:s11+$0xFFFFFFD0] =	vst v0  }
0x1d: {  	[tilespmem:s6], [sflag:$0x1] =	stream.linear.gather [hbm4b:s3+s2], $0x2800, $0x38;
	[tilespmem:$0x5000] =	vst v63  }
0x1e: {  	_ =	swait.ge [sflag:s7], $0x2800  }
0x1f: {  	[sflag:s7] =	ssyncset.done $0x0  }
0x20: {  	s11 =	simm.s32 $0xFFFFFFF8;
	s12 =	simm.s32 $0x2840;
	[sflag:s7] =	ssyncadd.s32 $0xFFFFD800  }
.LBB2_4:
0x21: {  	v2 =	vld [tilespmem:s12+$0xFFFFFFC0];
	_ =	sdelay $0x7  }
0x22: {  	[tilespmem:v2+s2+$0x0] =	vst.idx.add.f32.msk $0xffff, v1  }
0x23: {  	v2 =	vld [tilespmem:s12+$0xFFFFFFD0];
	_ =	sdelay $0x7  }
0x24: {  	[tilespmem:v2+s2+$0x0] =	vst.idx.add.f32.msk $0xffff, v1  }
0x25: {  	v2 =	vld [tilespmem:s12+$0xFFFFFFE0];
	_ =	sdelay $0x7  }
0x26: {  	[tilespmem:v2+s2+$0x0] =	vst.idx.add.f32.msk $0xffff, v1  }
0x27: {  	v2 =	vld [tilespmem:s12+$0xFFFFFFF0];
	_ =	sdelay $0x7  }
0x28: {  	[tilespmem:v2+s2+$0x0] =	vst.idx.add.f32.msk $0xffff, v1  }
0x29: {  	v2 =	vld [tilespmem:s12+$0x0];
	_ =	sdelay $0x7  }
0x2a: {  	[tilespmem:v2+s2+$0x0] =	vst.idx.add.f32.msk $0xffff, v1  }
0x2b: {  	v2 =	vld [tilespmem:s12+$0x10];
	_ =	sdelay $0x7  }
0x2c: {  	[tilespmem:v2+s2+$0x0] =	vst.idx.add.f32.msk $0xffff, v1  }
0x2d: {  	v2 =	vld [tilespmem:s12+$0x20];
	_ =	sdelay $0x7  }
0x2e: {  	[tilespmem:v2+s2+$0x0] =	vst.idx.add.f32.msk $0xffff, v1  }
0x2f: {  	v2 =	vld [tilespmem:s12+$0x30];
	_ =	sdelay $0x1  }
0x30: {  	s11 =	sadd.s32 $0x8, s11  }
0x31: {  	p0 =	slt.u32 s11, $0x278  }
.Ltmp1:
0x32: {  	_ = 	snop;
	(pc) =	sbr.rel @p0 .LBB2_4-.Ltmp1, $2  }
0x33: {  	_ =	sdelay $0x2  }
0x34: {  	s12 =	sadd.s32 $0x80, s12;
	[tilespmem:v2+s2+$0x0] =	vst.idx.add.f32.msk $0xffff, v1  }
0x35: {  	s10 =	sadd.s32 $0x1, s10  }
0x36: {  	p0 =	sne.s32 s10, s5  }
.Ltmp2:
0x37: {  	_ = 	snop;
	(pc) =	sbr.rel @p0 .LBB2_1-.Ltmp2, $4  }
0x38: {  	[hbm4b:s4+s8] =	stream.strided.scatter [tilespmem:s2], [sflag:$0x1], $0x2800, s9, s8, $0x38;
	[tilespmem:$0x5000] =	vst v63  }
0x39: {  	_ =	swait.ge [sflag:s7], $0x2800  }
0x3a: {  	[sflag:s7] =	ssyncset.done $0x0  }
0x3b: {  	[sflag:s7] =	ssyncadd.s32 $0xFFFFD800  }
0x3c: {  	_ =	sfence.sel $0x180000  }
0x3d: {  	[bflag:$0x0] =	sbarrier.arrive $0xFFFF  }
0x3e: {  	p0 =	sne.s32 s0, $0x0;
	_ =	strace $0x90000047  }
0x3f: {  	s0 =	sadd.s32 @!p0 $0x100000, s1;
	[bflag:$0x2] =	sbarrier.arrive $0xFFFF  }
0x40: {  	[sflag:s0] =	ssyncadd.tile.s32 @!p0 $0x1;
	_ =	shalt  }
.Lfunc_end2:
_tile_overlayer_lowered:
.L_overlay_start_2:
0x41: {  	(tag) =	ssettag $0x2  }
0x42: {  	s0 =	rddreg [dreg:$0x0];
	s2 =	stileid.u32  }
0x43: {  	s1 =	rddreg [dreg:$0x1];
	p0 =	sne.s32 s2, $0x0  }
0x44: {  	s3 =	rddreg [dreg:$0x2];
	[bflag:$0x3] =	sbarrier.arrive $0xFFFF;
	s2 =	simm.s32 @!p0 $0x1C01  }
0x45: {  	[timem:s3], [sflag:s2] =	dma.local @!p0 [hbm:s0], s1  }
0x46: {  	s0 =	simm.s32 @!p0 $0x1  }
0x47: {  	_ =	swait.ge @!p0 [sflag:s0], s1  }
0x48: {  	s1 =	ssub.s32 @!p0 $0x0, s1;
	[sflag:s0] =	ssyncset.done @!p0 $0x0  }
0x49: {  	[sflag:s0] =	ssyncadd.s32 @!p0 s1  }
0x4a: {  	[bflag:$0x3] =	sbarrier.arrive $0xFFFF  }
0x4b: {  	_ =	shalt  }

// kernel: kernel.9.cloned.1.call-start
scs
__scs_entry_jumppad:
0x0: {  	(pc) =	sbr.rel $0x88, $3  }
0x1: {  	(tag) =	ssettag $0x0;
	lr =	simm.s32 $0x1  }
0x2: {  	[smem:$0x3F9D] =	sst lr;
	_ =	strace $0xD0000000  }
0x3: {  	_ = 	snop  }
0x4: {  	_ = 	snop  }
0x5: {  	_ = 	snop  }
0x6: {  	_ = 	snop  }
0x7: {  	_ = 	snop  }
__scs_overlays_trampoline_lowered:
0x8: {  	[smem:$0x3FAC] =	sst s0  }
0x9: {  	[smem:$0x3FAD] =	sst s1  }
0xa: {  	[smem:$0x3FAE] =	sst s2  }
0xb: {  	[smem:$0x3FAF] =	sst s3  }
0xc: {  	[smem:$0x3FB0] =	sst s4  }
0xd: {  	[smem:$0x3FB1] =	sst s5  }
0xe: {  	[smem:$0x3FB2] =	sst s6  }
0xf: {  	[smem:$0x3FB3] =	sst s7  }
0x10: {  	[smem:$0x3FB4] =	sst s8  }
0x11: {  	[smem:$0x3FB5] =	sst s9;
	s0 =	simm.s32 @!p0 $0x0  }
0x12: {  	s1 =	sld [smem:$0x3F9B];
	s0 =	simm.s32 @p0 $0x1  }
0x13: {  	[smem:$0x3FB6] =	sst s0;
	s0 =	simm.s32 @!p1 $0x0  }
0x14: {  	s2 =	sld [smem:$0x3F9A];
	s0 =	simm.s32 @p1 $0x1  }
0x15: {  	[smem:$0x3FB7] =	sst s0;
	s0 =	simm.s32 @!p2 $0x0  }
0x16: {  	s3 =	sld [smem:$0x3FDB];
	s0 =	simm.s32 @p2 $0x1  }
0x17: {  	s4 =	simm.s32 $0x1BF5;
	[smem:$0x3FB9] =	sst s0  }
0x18: {  	s0 =	sld [smem:$0x3F9C];
	_ =	swait.ge [sflag:s4], $0x0  }
0x19: {  	s7 =	sld [smem:$0x3F9D]  }
0x1a: {  	s8 =	sadd.s32 $0xFFFFE003, lr  }
0x1b: {  	s9 =	sadd.s32 $0xFFFFFEF7, lr;
	s5 =	simm.s32 $0xFFFFFFFF;
	p2 =	slt.u32 s8, $0xFFFFF086  }
0x1c: {  	p1 =	slt.u32 s9, $0xF7A;
	s5 =	simm.s32 @!p2 $0x0  }
0x1d: {  	s5 =	simm.s32 @p1 $0x1;
	p0 =	seq.s32 s7, s2  }
0x1e: {  	s7 =	smul.u32 @!p0 $0xF7A, s2;
	p2 =	seq.s32 @!p0 s5, $0x0  }
0x1f: {  	s9 =	smul.u32 $0xF7A, s1;
	s8 =	simm.s32 @!p0 $0x1BF5;
	p2 =	por !p2, p0  }
0x20: {  	[sflag:s8] =	ssyncset.s32 @!p0 $0xFFFFF086;
	s6 =	sadd.s32 @!p0 s3, s7;
	s7 =	simm.s32 @!p0 $0x108  }
0x21: {  	s3 =	sadd.s32 s3, s9;
	s6 =	sadd.s32 @!p0 $0x88, s6;
	s7 =	simm.s32 @p2 $0x1082  }
0x22: {  	[simem:s7], [sflag:s8] =	dma.local @!p0 [hbm:s6], $0xF7A  }
0x23: {  	s9 =	sor.u32 $0xD0000000, s2;
	s6 =	simm.s32 $0x108;
	_ =	swait.ge @!p0 [sflag:s8], $0x0  }
0x24: {  	s3 =	sadd.s32 $0x88, s3;
	s6 =	simm.s32 @!p1 $0x1082;
	[sflag:s4] =	ssyncset.s32 $0xFFFFF086  }
0x25: {  	[simem:s6], [sflag:s4] =	dma.local [hbm:s3], $0xF7A  }
0x26: {  	[smem:$0x3F9D] =	sst s1;
	(tag) =	ssettag s2;
	_ =	strace s9  }
0x27: {  	s1 =	sld [smem:$0x3FAD]  }
0x28: {  	s2 =	sld [smem:$0x3FAE]  }
0x29: {  	s4 =	sld [smem:$0x3FB0]  }
0x2a: {  	p0 =	seq.s32 s5, $0x0;
	s5 =	sld [smem:$0x3FB1]  }
0x2b: {  	s6 =	sld [smem:$0x3FB2]  }
0x2c: {  	s7 =	sld [smem:$0x3FB3]  }
0x2d: {  	s3 =	simm.s32 $0x108;
	s8 =	sld [smem:$0x3FB4]  }
0x2e: {  	s3 =	simm.s32 @!p0 $0x1082;
	s9 =	sld [smem:$0x3FB5]  }
0x2f: {  	lr =	sadd.s32 s0, s3;
	s0 =	sld [smem:$0x3FAC]  }
0x30: {  	s3 =	sld [smem:$0x3FAF]  }
0x31: {  	[smem:$0x3FB8] =	sst s10  }
0x32: {  	s10 =	sld [smem:$0x3FB6];
	_ =	sdelay $0x3  }
0x33: {  	p0 =	seq.s32 s10, $0x1;
	s10 =	sld [smem:$0x3FB8];
	_ =	sdelay $0x3  }
0x34: {  	[smem:$0x3FB8] =	sst s10  }
0x35: {  	s10 =	sld [smem:$0x3FB7];
	_ =	sdelay $0x3  }
0x36: {  	p1 =	seq.s32 s10, $0x1;
	s10 =	sld [smem:$0x3FB8];
	_ =	sdelay $0x3  }
0x37: {  	[smem:$0x3FB8] =	sst s10  }
0x38: {  	s10 =	sld [smem:$0x3FB9]  }
0x39: {  	_ = 	snop;
	(pc) =	sbr.ind lr, $3  }
0x3a: {  	_ = 	snop  }
0x3b: {  	_ = 	snop  }
0x3c: {  	p2 =	seq.s32 s10, $0x1;
	s10 =	sld [smem:$0x3FB8]  }
0x3d: {  	_ =	shalt  }
0x3e: {  	_ =	shalt  }
0x3f: {  	_ =	shalt  }
0x40: {  	_ =	shalt  }
0x41: {  	_ =	shalt  }
0x42: {  	_ =	shalt  }
0x43: {  	_ =	shalt  }
0x44: {  	_ =	shalt  }
0x45: {  	_ =	shalt  }
0x46: {  	_ =	shalt  }
0x47: {  	_ =	shalt  }
0x48: {  	_ =	shalt  }
0x49: {  	_ =	shalt  }
0x4a: {  	_ =	shalt  }
0x4b: {  	_ =	shalt  }
0x4c: {  	_ =	shalt  }
0x4d: {  	_ =	shalt  }
0x4e: {  	_ =	shalt  }
0x4f: {  	_ =	shalt  }
0x50: {  	_ =	shalt  }
0x51: {  	_ =	shalt  }
0x52: {  	_ =	shalt  }
0x53: {  	_ =	shalt  }
0x54: {  	_ =	shalt  }
0x55: {  	_ =	shalt  }
0x56: {  	_ =	shalt  }
0x57: {  	_ =	shalt  }
0x58: {  	_ =	shalt  }
0x59: {  	_ =	shalt  }
0x5a: {  	_ =	shalt  }
0x5b: {  	_ =	shalt  }
0x5c: {  	_ =	shalt  }
0x5d: {  	_ =	shalt  }
0x5e: {  	_ =	shalt  }
0x5f: {  	_ =	shalt  }
0x60: {  	_ =	shalt  }
0x61: {  	_ =	shalt  }
0x62: {  	_ =	shalt  }
0x63: {  	_ =	shalt  }
0x64: {  	_ =	shalt  }
0x65: {  	_ =	shalt  }
0x66: {  	_ =	shalt  }
0x67: {  	_ =	shalt  }
0x68: {  	_ =	shalt  }
0x69: {  	_ =	shalt  }
0x6a: {  	_ =	shalt  }
0x6b: {  	_ =	shalt  }
0x6c: {  	_ =	shalt  }
0x6d: {  	_ =	shalt  }
0x6e: {  	_ =	shalt  }
0x6f: {  	_ =	shalt  }
0x70: {  	_ =	shalt  }
0x71: {  	_ =	shalt  }
0x72: {  	_ =	shalt  }
0x73: {  	_ =	shalt  }
0x74: {  	_ =	shalt  }
0x75: {  	_ =	shalt  }
0x76: {  	_ =	shalt  }
0x77: {  	_ =	shalt  }
0x78: {  	_ =	shalt  }
0x79: {  	_ =	shalt  }
0x7a: {  	_ =	shalt  }
0x7b: {  	_ =	shalt  }
0x7c: {  	_ =	shalt  }
0x7d: {  	_ =	shalt  }
0x7e: {  	_ =	shalt  }
0x7f: {  	_ =	shalt  }
0x80: {  	_ =	shalt  }
0x81: {  	_ =	shalt  }
0x82: {  	_ =	shalt  }
0x83: {  	_ =	shalt  }
0x84: {  	_ =	shalt  }
0x85: {  	_ =	shalt  }
0x86: {  	_ =	shalt  }
0x87: {  	_ =	shalt  }
.Lfunc_end0:
.L_simem_size_0:
called_computation.1_lowered:
.L_overlay_start_0:
0x88: {  	s2 =	sld [smem:$0x3FD9]  }
0x89: {  	s3 =	sld [smem:$0x3FFE];
	_ =	sdelay $0x1  }
0x8a: {  	s1 =	srdreg.scid  }
0x8b: {  	s0 =	sand.u32 $0x1, s1  }
0x8c: {  	s17 =	sshll.u32 s0, $0xA;
	s2 =	sadd.s32 s3, s2  }
0x8d: {  	s2 =	sadd.s32 s2, s17  }
0x8e: {  	[smem:$0x3FC4] =	sst s2  }
0x8f: {  	_ = 	snop  }
0x90: {  	s2 =	sld [smem:$0x3FD0];
	(tm) =	ssettm $0x1  }
0x91: {  	s18 =	sld [smem:$0x3FFB];
	_ =	sdelay $0x3  }
0x92: {  	_ =	strace s18  }
0x93: {  	s3 =	sld [smem:$0x3FFC];
	_ =	sdelay $0x3  }
0x94: {  	_ =	strace s3  }
0x95: {  	s3 =	sld [smem:$0x3FFD];
	_ =	sdelay $0x3  }
0x96: {  	_ =	strace s3  }
0x97: {  	_ =	strace $0x8FFFFFFF  }
0x98: {  	s19 =	sld [smem:$0x3FDB];
	_ =	sdelay $0x1  }
0x99: {  	s4 =	simm.s32 $_scs_section_size  }
0x9a: {  	s5 =	simm.s32 $_size__tile_overlayer_lowered;
	s6 =	simm.s32 $_tile_overlayer_lowered  }
0x9b: {  	s22 =	simm.s32 $0x1BFF;
	s21 =	sshll.u32 s6, $0x1;
	s3 =	sadd.s32 s4, s19  }
0x9c: {  	s7 =	simm.s32 $0x0;
	s20 =	sshll.u32 s5, $0x1;
	s5 =	sadd.s32 s21, s3  }
0x9d: {  	[timem:s7], [sflag:s22] =	dma.local [hbm:s5], s20  }
0x9e: {  	_ =	swait.ge [sflag:s22], s20  }
0x9f: {  	s4 =	ssub.s32 $0x0, s20;
	[sflag:s22] =	ssyncset.done $0x0  }
0xa0: {  	[sflag:s22] =	ssyncadd.s32 s4;
	_ =	sdelay $0x1  }
0xa1: {  	s23 =	simm.s32 $0x1B8B  }
0xa2: {  	_ =	swait.ge [sflag:s23], $0x1  }
0xa3: {  	[sflag:s23] =	ssyncset.done $0x0  }
0xa4: {  	s25 =	simm.s32 $0x1B8E;
	s24 =	sld [smem:$0x3FFE];
	[sflag:s23] =	ssyncadd.s32 $0xFFFFFFFF  }
0xa5: {  	s26 =	simm.s32 $execute0_lowered;
	[smem:$0x3FD2] =	sst s25  }
0xa6: {  	s5 =	sshll.u32 s26, $0x1;
	_ =	strace $0x80000049;
	[dreg:$0x1] =	wrdreg $0xFFFFFFFF  }
0xa7: {  	s28 =	simm.s32 $_size_execute0_lowered;
	s3 =	sadd.s32 s3, s5;
	[dreg:$0x0] =	wrdreg $0x0  }
0xa8: {  	s5 =	sshll.u32 s28, $0x1;
	[dreg:$0x2] =	wrdreg s3  }
0xa9: {  	[dreg:$0x3] =	wrdreg s5  }
0xaa: {  	[dreg:$0x4] =	wrdreg $0xC0  }
0xab: {  	_ =	task [dreg:s7], $0x5FFFF  }
0xac: {  	[dreg:$0x1] =	wrdreg $0xFFFFFFFF  }
0xad: {  	[dreg:$0x0] =	wrdreg $0x60  }
0xae: {  	[dreg:$0x2] =	wrdreg s2  }
0xaf: {  	[dreg:$0x3] =	wrdreg s24  }
0xb0: {  	[dreg:$0x4] =	wrdreg $0x84000  }
0xb1: {  	[dreg:$0x5] =	wrdreg $0x9  }
0xb2: {  	_ =	task.clear_ibuf [dreg:s7], $0x6FFFF;
	_ =	strace $0x90000049  }
0xb3: {  	s29 =	simm.s32 $0x9;
	_ =	strace $0x8000004B  }
0xb4: {  	_ =	swait.ge [sflag:s29], $0x1  }
0xb5: {  	[sflag:s29] =	ssyncadd.s32 $0xFFFFFFFF  }
0xb6: {  	_ =	strace $0x9000004B  }
0xb7: {  	_ =	sfence  }
0xb8: {  	s30 =	sld [smem:$0x0];
	_ =	sdelay $0x2  }
0xb9: {  	s31 =	sshll.u32 s1, $0xD;
	s1 =	sshrl.u32 s1, $0x2  }
0xba: {  	s3 =	sand.u32 $0x4000, s31;
	s1 =	sadd.s32 s1, s30  }
0xbb: {  	s0 =	sor.u32 s3, s0;
	s1 =	sshll.u32 s1, $0x11  }
0xbc: {  	s0 =	sor.u32 s1, s0  }
0xbd: {  	s0 =	sadd.s32 $0x8F2B, s0  }
0xbe: {  	[sflag:s0] =	ssyncadd.remote.s32 $0x1  }
0xbf: {  	_ =	sfence.sel $0xFFFF  }
0xc0: {  	[dreg:$0x0] =	wrdreg $0xFFFFFFFF;
	(pc) =	sbr.abs _section_cstart, $3  }
0xc1: {  	[dreg:$0x1] =	wrdreg $0xFFFFFFFF  }
0xc2: {  	_ =	task.clear_ibuf [dreg:s7], $0x2FFFF;
	_ =	strace $0x9FFFFFFF  }
0xc3: {  	(tm) =	ssettm $0x7FFFFFFF  }
tec
execute0_lowered:
.L_overlay_start_1:
0x0: {  	(tag) =	ssettag $0x1  }
0x1: {  	s0 =	rddreg [dreg:$0x0]  }
0x2: {  	s2 =	rddreg [dreg:$0x1]  }
0x3: {  	s1 =	rddreg [dreg:$0x2]  }
0x4: {  	s3 =	srdreg.scid;
	s10 =	stileid.u32;
	s19 =	simm.s32 $0x400  }
0x5: {  	s25 =	simm.s32 $0x180;
	s20 =	simm.s32 $0x9;
	s7 =	smul.u32 $0x1C, s10  }
0x6: {  	s28 =	simm.s32 $0x7;
	s29 =	simm.s32 $0x8;
	s8 =	smul.u32 $0x84, s10  }
0x7: {  	s30 =	simm.s32 $0x0;
	s5 =	sand.u32 $0x1, s3;
	s11 =	smul.u32 $0x50000, s10  }
0x8: {  	s3 =	simm.s32 $0x0;
	s4 =	sadd.s32 $0x1600, s2;
	s18 =	smul.u32 $0x2800, s10  }
0x9: {  	s6 =	smul.u32 $0x28000, s5;
	[smem:$0x7FF] =	sst s3;
	s9 =	ssub.s32 $0x2, s5  }
0xa: {  	p0 =	seq.s32 s5, $0x0;
	s5 =	simm.s32 $0x84;
	_ =	strace $0x8000004A  }
0xb: {  	s7 =	sadd.s32 $0x840, s7;
	s26 =	sshrl.u32 s9, $0x1;
	s5 =	simm.s32 @!p0 $0x1C  }
0xc: {  	[dreg:$0x5] =	wrdreg s25;
	s25 =	simm.s32 $0x6;
	s14 =	sadd.s32 $0xFFFFFFFF, s5  }
0xd: {  	s2 =	sadd.s32 s6, s2;
	s16 =	sshrl.u32 s5, $0x2;
	[dreg:$0x4] =	wrdreg s14  }
0xe: {  	s7 =	smov.u32 @p0 s8;
	s15 =	sadd.s32 $0xFFFFFFFE, s5;
	[dreg:$0xb] =	wrdreg s16  }
0xf: {  	s31 =	ssub.s32 s9, s26;
	s26 =	simm.s32 $0x280;
	[dreg:$0x6] =	wrdreg s15  }
0x10: {  	s9 =	sshll.u32 s7, $0x5;
	s21 =	smax.u32 s31, $0x1;
	[dreg:$0x7] =	wrdreg s26  }
0x11: {  	s31 =	simm.s32 $0x380;
	s6 =	sadd.s32 s0, s9;
	[dreg:$0xc] =	wrdreg s21  }
0x12: {  	s0 =	sshrl.u32 s11, $0x2;
	[dreg:$0x8] =	wrdreg s31;
	s12 =	sadd.s32 $0x20, s6  }
0x13: {  	s13 =	sadd.s32 $0x40, s6;
	s9 =	sadd.s32 s0, s1;
	[dreg:$0x9] =	wrdreg s12  }
0x14: {  	s17 =	sadd.s32 $0x29600, s2;
	[dreg:$0xa] =	wrdreg s13;
	s22 =	sadd.s32 $0x4000, s9  }
0x15: {  	s26 =	simm.s32 $0x4400;
	s23 =	sadd.s32 $0x8000, s9;
	[dreg:$0xd] =	wrdreg s22  }
0x16: {  	s21 =	simm.s32 $0x1;
	s24 =	sadd.s32 $0xC000, s9;
	[dreg:$0xe] =	wrdreg s23  }
0x17: {  	s2 =	sadd.s32 $0x60, s6;
	s15 =	sadd.s32 $0x10000, s9;
	[dreg:$0xf] =	wrdreg s24  }
0x18: {  	v0 =	vimm.f32 $0.0e+00;
	s22 =	simm.s32 $0x80;
	s23 =	simm.s32 $0x5;
	s24 =	sadd.s32 s18, s17  }
.LBB2_1:
0x19: {  	[tilespmem:s3], [sflag:$0x1] =	stream.linear.gather [hbm4b:s6+s3], $0x100, $0x38;
	[tilespmem:$0x1C400] =	vst v63  }
0x1a: {  	s0 =	rddreg [dreg:$0x9];
	s7 =	simm.s32 $0x100  }
0x1b: {  	[tilespmem:s7], [sflag:$0x2] =	stream.linear.gather [hbm4b:s0+s3], $0x100, $0x38;
	[tilespmem:$0x1C400] =	vst v63  }
0x1c: {  	s18 =	rddreg [dreg:$0xa];
	s31 =	simm.s32 $0x200;
	s0 =	simm.s32 $0x440  }
0x1d: {  	[tilespmem:s31], [sflag:$0x3] =	stream.linear.gather [hbm4b:s18+s3], $0x100, $0x38;
	[tilespmem:$0x1C400] =	vst v63  }
0x1e: {  	[tilespmem:s0+$0xFFFFFFC0] =	vst v0  }
0x1f: {  	[tilespmem:s0+$0x30] =	vst v0  }
0x20: {  	[tilespmem:s0+$0x20] =	vst v0  }
0x21: {  	[tilespmem:s0+$0x10] =	vst v0  }
0x22: {  	[tilespmem:s0+$0x0] =	vst v0  }
0x23: {  	[tilespmem:s0+$0xFFFFFFF0] =	vst v0  }
0x24: {  	s7 =	simm.s32 $0x0;
	[tilespmem:s0+$0xFFFFFFE0] =	vst v0  }
.LBB2_2:
0x25: {  	s7 =	sadd.s32 $0x8, s7;
	[tilespmem:s0+$0xFFFFFFD0] =	vst v0;
	s0 =	sadd.s32 $0x80, s0  }
0x26: {  	[tilespmem:s0+$0xFFFFFFC0] =	vst v0;
	p0 =	slt.u32 s7, $0x3F8  }
0x27: {  	[tilespmem:s0+$0x30] =	vst v0  }
.Ltmp0:
0x28: {  	[tilespmem:s0+$0x20] =	vst v0;
	(pc) =	sbr.rel @p0 .LBB2_2-.Ltmp0, $4  }
0x29: {  	[tilespmem:s0+$0x10] =	vst v0  }
0x2a: {  	[tilespmem:s0+$0x0] =	vst v0  }
0x2b: {  	[tilespmem:s0+$0xFFFFFFF0] =	vst v0  }
0x2c: {  	[tilespmem:s0+$0xFFFFFFE0] =	vst v0  }
0x2d: {  	[tilespmem:s0+$0xFFFFFFD0] =	vst v0  }
0x2e: {  	[spmem:s9] =	stream.linear.scatter [tilespmem:s19], [sflag:$0x9], $0x4000, $0x38;
	[tilespmem:$0x1C400] =	vst v63  }
0x2f: {  	_ =	swait.ge [sflag:s20], $0x4000  }
0x30: {  	[sflag:s20] =	ssyncset.done $0x0  }
0x31: {  	s10 =	rddreg [dreg:$0xd];
	[sflag:s20] =	ssyncadd.s32 $0xFFFFC000  }
0x32: {  	[spmem:s10] =	stream.linear.scatter [tilespmem:s19], [sflag:$0x9], $0x4000, $0x38;
	[tilespmem:$0x1C400] =	vst v63  }
0x33: {  	_ =	swait.ge [sflag:s20], $0x4000  }
0x34: {  	[sflag:s20] =	ssyncset.done $0x0  }
0x35: {  	s11 =	rddreg [dreg:$0xe];
	[sflag:s20] =	ssyncadd.s32 $0xFFFFC000  }
0x36: {  	[spmem:s11] =	stream.linear.scatter [tilespmem:s19], [sflag:$0x9], $0x4000, $0x38;
	[tilespmem:$0x1C400] =	vst v63  }
0x37: {  	_ =	swait.ge [sflag:s20], $0x4000  }
0x38: {  	[sflag:s20] =	ssyncset.done $0x0  }
0x39: {  	s12 =	rddreg [dreg:$0xf];
	[sflag:s20] =	ssyncadd.s32 $0xFFFFC000  }
0x3a: {  	[spmem:s12] =	stream.linear.scatter [tilespmem:s19], [sflag:$0x9], $0x4000, $0x38;
	[tilespmem:$0x1C400] =	vst v63  }
0x3b: {  	_ =	swait.ge [sflag:s20], $0x4000  }
0x3c: {  	[sflag:s20] =	ssyncset.done $0x0  }
0x3d: {  	[sflag:s20] =	ssyncadd.s32 $0xFFFFC000  }
0x3e: {  	[spmem:s15] =	stream.linear.scatter [tilespmem:s19], [sflag:$0x9], $0x4000, $0x38;
	[tilespmem:$0x1C400] =	vst v63  }
0x3f: {  	_ =	swait.ge [sflag:s20], $0x4000  }
0x40: {  	[sflag:s20] =	ssyncset.done $0x0  }
0x41: {  	[sflag:s20] =	ssyncadd.s32 $0xFFFFC000  }
0x42: {  	[bflag:$0x0] =	sbarrier.arrive $0xFFFF  }
0x43: {  	_ =	swait.ge [sflag:s21], $0x100  }
0x44: {  	[sflag:s21] =	ssyncset.done $0x0  }
0x45: {  	s31 =	simm.s32 $0x0;
	[sflag:s21] =	ssyncadd.s32 $0xFFFFFF00  }
0x46: {  	[tilespmem:s19], [sflag:$0x5] =	stream.indirect.gather [hbm4b:s4+s22], $0x80, s31, s22, $0xb8;
	[tilespmem:$0x1C400] =	vst v63  }
0x47: {  	_ =	swait.ge [sflag:s23], $0x4000  }
0x48: {  	p0 =	por $0x1, $0x1;
	[sflag:s23] =	ssyncset.done $0x0  }
0x49: {  	s0 =	simm.s32 @!p0 $0x8;
	[sflag:s23] =	ssyncadd.s32 $0xFFFFC000  }
0x4a: {  	[spmem:s1] =	stream.indirect.scatter.add.f32 [tilespmem:s19], [sflag:$0x7], $0x80, s22, s22, $0xb8;
	[tilespmem:$0x1C400] =	vst v63  }
0x4b: {  	_ =	swait.ge @!p0 [sflag:s0], $0x4000  }
0x4c: {  	s7 =	rddreg [dreg:$0x4]  }
0x4d: {  	[sflag:s0] =	ssyncset.done @!p0 $0x0;
	p1 =	sle.u32 s7, $0x0  }
0x4e: {  	[sflag:s0] =	ssyncadd.s32 @!p0 $0xFFFFC000;
	s0 =	simm.s32 @!p1 $0x2  }
0x4f: {  	_ =	swait.ge @!p1 [sflag:s0], $0x100  }
0x50: {  	p0 =	sle.u32 s5, $0x3;
	s7 =	simm.s32 @!p1 $0x4400;
	[sflag:s0] =	ssyncset.done @!p1 $0x0  }
0x51: {  	s8 =	simm.s32 @!p1 $0x100;
	[sflag:s0] =	ssyncadd.s32 @!p1 $0xFFFFFF00;
	s0 =	simm.s32 @!p1 $0x80  }
0x52: {  	[tilespmem:s7], [sflag:$0x6] =	stream.indirect.gather @!p1 [hbm4b:s4+s0], $0x80, s8, s0, $0xb8;
	[tilespmem:$0x1C400] =	vst v63  }
0x53: {  	s0 =	simm.s32 @!p0 $0x0;
	s8 =	simm.s32 @!p0 $0x300  }
0x54: {  	[tilespmem:s8], [sflag:$0x4] =	stream.linear.gather @!p0 [hbm4b:s2+s0], $0x100, $0x38;
	[tilespmem:$0x1C400] =	vst v63  }
0x55: {  	_ =	swait.ge [sflag:s25], $0x4000  }
0x56: {  	[sflag:s25] =	ssyncset.done $0x0  }
0x57: {  	s13 =	rddreg [dreg:$0x5];
	[sflag:s25] =	ssyncadd.s32 $0xFFFFC000  }
0x58: {  	[spmem:s1] =	stream.indirect.scatter.add.f32 [tilespmem:s26], [sflag:$0x8], $0x80, s13, s22, $0xb8;
	[tilespmem:$0x1C400] =	vst v63  }
0x59: {  	_ =	swait.ge [sflag:s28], $0x4000  }
0x5a: {  	s14 =	rddreg [dreg:$0x6]  }
0x5b: {  	[sflag:s28] =	ssyncset.done $0x0;
	p2 =	sle.u32 s14, $0x0  }
0x5c: {  	[sflag:s28] =	ssyncadd.s32 $0xFFFFC000;
	s0 =	simm.s32 @!p2 $0x3  }
0x5d: {  	_ =	swait.ge @!p2 [sflag:s0], $0x100  }
0x5e: {  	p1 =	sle.u32 s5, $0x4;
	s7 =	simm.s32 @!p2 $0x400;
	[sflag:s0] =	ssyncset.done @!p2 $0x0  }
0x5f: {  	s10 =	simm.s32 @!p2 $0x200;
	[sflag:s0] =	ssyncadd.s32 @!p2 $0xFFFFFF00;
	s0 =	simm.s32 @!p2 $0x80  }
0x60: {  	[tilespmem:s7], [sflag:$0x5] =	stream.indirect.gather @!p2 [hbm4b:s4+s0], $0x80, s10, s0, $0xb8;
	[tilespmem:$0x1C400] =	vst v63  }
0x61: {  	s0 =	sadd.s32 @!p1 $0x20, s2;
	s7 =	simm.s32 @!p1 $0x0  }
0x62: {  	[tilespmem:s7], [sflag:$0x1] =	stream.linear.gather @!p1 [hbm4b:s0+s7], $0x100, $0x38;
	[tilespmem:$0x1C400] =	vst v63  }
0x63: {  	_ =	swait.ge [sflag:s23], $0x4000  }
0x64: {  	[sflag:s23] =	ssyncset.done $0x0  }
0x65: {  	s16 =	rddreg [dreg:$0x7];
	[sflag:s23] =	ssyncadd.s32 $0xFFFFC000  }
0x66: {  	[spmem:s1] =	stream.indirect.scatter.add.f32 [tilespmem:s19], [sflag:$0x7], $0x80, s16, s22, $0xb8;
	[tilespmem:$0x1C400] =	vst v63  }
0x67: {  	_ =	swait.ge [sflag:s29], $0x4000  }
0x68: {  	[sflag:s29] =	ssyncset.done $0x0  }
0x69: {  	s0 =	simm.s32 @!p0 $0x4;
	[sflag:s29] =	ssyncadd.s32 $0xFFFFC000  }
0x6a: {  	_ =	swait.ge @!p0 [sflag:s0], $0x100  }
0x6b: {  	s11 =	simm.s32 @!p0 $0x4400;
	[sflag:s0] =	ssyncset.done @!p0 $0x0  }
0x6c: {  	s10 =	simm.s32 @!p0 $0x80;
	p2 =	sle.u32 s5, $0x5;
	[sflag:s0] =	ssyncadd.s32 @!p0 $0xFFFFFF00  }
0x6d: {  	[tilespmem:s11], [sflag:$0x6] =	stream.indirect.gather @!p0 [hbm4b:s4+s10], $0x80, s8, s10, $0xb8;
	[tilespmem:$0x1C400] =	vst v63  }
0x6e: {  	s0 =	sadd.s32 @!p2 $0x40, s2;
	s8 =	simm.s32 @!p2 $0x0;
	s10 =	simm.s32 @!p2 $0x100  }
0x6f: {  	[tilespmem:s10], [sflag:$0x2] =	stream.linear.gather @!p2 [hbm4b:s0+s8], $0x100, $0x38;
	[tilespmem:$0x1C400] =	vst v63  }
0x70: {  	_ =	swait.ge [sflag:s25], $0x4000  }
0x71: {  	s18 =	rddreg [dreg:$0xb]  }
0x72: {  	s0 =	sadd.s32 $0xFFFFFFFF, s18  }
0x73: {  	[sflag:s25] =	ssyncset.done $0x0;
	p0 =	sne.s32 s0, $0x0  }
.Ltmp1:
0x74: {  	s17 =	rddreg [dreg:$0x8];
	[sflag:s25] =	ssyncadd.s32 $0xFFFFC000;
	(pc) =	sbr.rel @!p0 .LBB2_5-.Ltmp1, $4  }
0x75: {  	[spmem:s1] =	stream.indirect.scatter.add.f32 [tilespmem:s26], [sflag:$0x8], $0x80, s17, s22, $0xb8;
	[tilespmem:$0x1C400] =	vst v63  }
0x76: {  	s16 =	smov.u32 s2;
	s11 =	simm.s32 @!p1 $0x400;
	_ =	swait.ge [sflag:s28], $0x4000  }
0x77: {  	s8 =	simm.s32 @!p1 $0x1;
	s10 =	simm.s32 @!p1 $0x80;
	[sflag:s28] =	ssyncset.done $0x0  }
0x78: {  	s18 =	sadd.s32 $0x80, s2;
	s17 =	simm.s32 $0x4;
	[sflag:s28] =	ssyncadd.s32 $0xFFFFC000  }
.LBB2_4:
0x79: {  	_ =	swait.ge @!p1 [sflag:s8], $0x100  }
0x7a: {  	s31 =	sadd.s32 $0x6, s31;
	[sflag:s8] =	ssyncset.done @!p1 $0x0  }
0x7b: {  	p2 =	sge.u32 s31, s5;
	[sflag:s8] =	ssyncadd.s32 @!p1 $0xFFFFFF00  }
0x7c: {  	[tilespmem:s11], [sflag:$0x5] =	stream.indirect.gather @!p1 [hbm4b:s4+s10], $0x80, s7, s10, $0xb8;
	[tilespmem:$0x1C400] =	vst v63  }
0x7d: {  	s8 =	sadd.s32 @!p2 $0x60, s16;
	s12 =	simm.s32 @!p2 $0x0;
	s7 =	simm.s32 @!p2 $0x200  }
0x7e: {  	[tilespmem:s7], [sflag:$0x3] =	stream.linear.gather @!p2 [hbm4b:s8+s12], $0x100, $0x38;
	[tilespmem:$0x1C400] =	vst v63  }
0x7f: {  	_ =	swait.ge [sflag:s23], $0x4000  }
0x80: {  	p1 =	slt.s32 s17, $0x4;
	[sflag:s23] =	ssyncset.done $0x0  }
0x81: {  	s7 =	simm.s32 @!p1 $0x8;
	[sflag:s23] =	ssyncadd.s32 $0xFFFFC000  }
0x82: {  	[spmem:s1] =	stream.indirect.scatter.add.f32 [tilespmem:s19], [sflag:$0x7], $0x80, s22, s22, $0xb8;
	[tilespmem:$0x1C400] =	vst v63  }
0x83: {  	_ =	swait.ge @!p1 [sflag:s7], $0x4000  }
0x84: {  	[sflag:s7] =	ssyncset.done @!p1 $0x0;
	s14 =	rddreg [dreg:$0x4]  }
0x85: {  	[sflag:s7] =	ssyncadd.s32 @!p1 $0xFFFFC000;
	p1 =	sge.u32 s17, s14  }
0x86: {  	s7 =	simm.s32 @!p1 $0x2  }
0x87: {  	s10 =	sadd.s32 $0x3, s17;
	_ =	swait.ge @!p1 [sflag:s7], $0x100  }
0x88: {  	p2 =	sge.u32 s10, s5;
	s11 =	simm.s32 @!p1 $0x4400;
	[sflag:s7] =	ssyncset.done @!p1 $0x0  }
0x89: {  	s12 =	simm.s32 @!p1 $0x100;
	[sflag:s7] =	ssyncadd.s32 @!p1 $0xFFFFFF00;
	s7 =	simm.s32 @!p1 $0x80  }
0x8a: {  	[tilespmem:s11], [sflag:$0x6] =	stream.indirect.gather @!p1 [hbm4b:s4+s7], $0x80, s12, s7, $0xb8;
	[tilespmem:$0x1C400] =	vst v63  }
0x8b: {  	s10 =	simm.s32 @!p2 $0x0;
	s8 =	simm.s32 @!p2 $0x300  }
0x8c: {  	[tilespmem:s8], [sflag:$0x4] =	stream.linear.gather @!p2 [hbm4b:s18+s10], $0x100, $0x38;
	[tilespmem:$0x1C400] =	vst v63  }
0x8d: {  	_ =	swait.ge [sflag:s25], $0x4000  }
0x8e: {  	[sflag:s25] =	ssyncset.done $0x0  }
0x8f: {  	s11 =	rddreg [dreg:$0x5];
	[sflag:s25] =	ssyncadd.s32 $0xFFFFC000  }
0x90: {  	[spmem:s1] =	stream.indirect.scatter.add.f32 [tilespmem:s26], [sflag:$0x8], $0x80, s11, s22, $0xb8;
	[tilespmem:$0x1C400] =	vst v63  }
0x91: {  	_ =	swait.ge [sflag:s28], $0x4000  }
0x92: {  	s31 =	smov.u32 s17;
	s12 =	rddreg [dreg:$0x6]  }
0x93: {  	[sflag:s28] =	ssyncset.done $0x0;
	p3 =	sge.u32 s31, s12  }
0x94: {  	[sflag:s28] =	ssyncadd.s32 $0xFFFFC000;
	s10 =	simm.s32 @!p3 $0x3  }
0x95: {  	s17 =	sadd.s32 $0x4, s17;
	_ =	swait.ge @!p3 [sflag:s10], $0x100  }
0x96: {  	p1 =	sge.u32 s17, s5;
	s12 =	simm.s32 @!p3 $0x400;
	[sflag:s10] =	ssyncset.done @!p3 $0x0  }
0x97: {  	s13 =	simm.s32 @!p3 $0x200;
	[sflag:s10] =	ssyncadd.s32 @!p3 $0xFFFFFF00;
	s10 =	simm.s32 @!p3 $0x80  }
0x98: {  	[tilespmem:s12], [sflag:$0x5] =	stream.indirect.gather @!p3 [hbm4b:s4+s10], $0x80, s13, s10, $0xb8;
	[tilespmem:$0x1C400] =	vst v63  }
0x99: {  	s7 =	simm.s32 @!p1 $0x0;
	s11 =	sadd.s32 @!p1 $0x20, s18  }
0x9a: {  	[tilespmem:s7], [sflag:$0x1] =	stream.linear.gather @!p1 [hbm4b:s11+s7], $0x100, $0x38;
	[tilespmem:$0x1C400] =	vst v63  }
0x9b: {  	_ =	swait.ge [sflag:s23], $0x4000  }
0x9c: {  	[sflag:s23] =	ssyncset.done $0x0  }
0x9d: {  	s13 =	rddreg [dreg:$0x7];
	[sflag:s23] =	ssyncadd.s32 $0xFFFFC000  }
0x9e: {  	[spmem:s1] =	stream.indirect.scatter.add.f32 [tilespmem:s19], [sflag:$0x7], $0x80, s13, s22, $0xb8;
	[tilespmem:$0x1C400] =	vst v63  }
0x9f: {  	_ =	swait.ge [sflag:s29], $0x4000  }
0xa0: {  	[sflag:s29] =	ssyncset.done $0x0  }
0xa1: {  	s12 =	simm.s32 @!p2 $0x4;
	[sflag:s29] =	ssyncadd.s32 $0xFFFFC000  }
0xa2: {  	_ =	swait.ge @!p2 [sflag:s12], $0x100  }
0xa3: {  	s14 =	sadd.s32 $0x5, s31;
	s10 =	simm.s32 @!p2 $0x80;
	[sflag:s12] =	ssyncset.done @!p2 $0x0  }
0xa4: {  	p3 =	sge.u32 s14, s5;
	s11 =	simm.s32 @!p2 $0x4400;
	[sflag:s12] =	ssyncadd.s32 @!p2 $0xFFFFFF00  }
0xa5: {  	[tilespmem:s11], [sflag:$0x6] =	stream.indirect.gather @!p2 [hbm4b:s4+s10], $0x80, s8, s10, $0xb8;
	[tilespmem:$0x1C400] =	vst v63  }
0xa6: {  	s14 =	simm.s32 @!p3 $0x0;
	s13 =	sadd.s32 @!p3 $0x40, s18;
	s8 =	simm.s32 @!p3 $0x100  }
0xa7: {  	[tilespmem:s8], [sflag:$0x2] =	stream.linear.gather @!p3 [hbm4b:s13+s14], $0x100, $0x38;
	[tilespmem:$0x1C400] =	vst v63  }
0xa8: {  	s0 =	sadd.s32 $0xFFFFFFFF, s0;
	_ =	swait.ge [sflag:s25], $0x4000  }
0xa9: {  	p0 =	sne.s32 s0, $0x0;
	[sflag:s25] =	ssyncset.done $0x0  }
.Ltmp2:
0xaa: {  	s14 =	rddreg [dreg:$0x8];
	[sflag:s25] =	ssyncadd.s32 $0xFFFFC000;
	(pc) =	sbr.rel @p0 .LBB2_4-.Ltmp2, $4  }
0xab: {  	[spmem:s1] =	stream.indirect.scatter.add.f32 [tilespmem:s26], [sflag:$0x8], $0x80, s14, s22, $0xb8;
	[tilespmem:$0x1C400] =	vst v63  }
0xac: {  	s16 =	smov.u32 s18;
	_ =	swait.ge [sflag:s28], $0x4000  }
0xad: {  	s18 =	sadd.s32 $0x80, s18;
	s10 =	simm.s32 @!p1 $0x80;
	[sflag:s28] =	ssyncset.done $0x0  }
0xae: {  	s11 =	simm.s32 @!p1 $0x400;
	s8 =	simm.s32 @!p1 $0x1;
	[sflag:s28] =	ssyncadd.s32 $0xFFFFC000  }
.LBB2_5:
0xaf: {  	_ =	swait.ge @!p1 [sflag:s8], $0x100  }
0xb0: {  	s0 =	sadd.s32 $0x6, s31;
	[sflag:s8] =	ssyncset.done @!p1 $0x0  }
0xb1: {  	p0 =	sge.u32 s0, s5;
	[sflag:s8] =	ssyncadd.s32 @!p1 $0xFFFFFF00  }
0xb2: {  	[tilespmem:s11], [sflag:$0x5] =	stream.indirect.gather @!p1 [hbm4b:s4+s10], $0x80, s7, s10, $0xb8;
	[tilespmem:$0x1C400] =	vst v63  }
0xb3: {  	s0 =	sadd.s32 @!p0 $0x60, s16;
	s8 =	simm.s32 @!p0 $0x200;
	s7 =	simm.s32 @!p0 $0x0  }
0xb4: {  	[tilespmem:s8], [sflag:$0x3] =	stream.linear.gather @!p0 [hbm4b:s0+s7], $0x100, $0x38;
	[tilespmem:$0x1C400] =	vst v63  }
0xb5: {  	_ =	swait.ge [sflag:s29], $0x4000  }
0xb6: {  	s17 =	stileid.u32;
	[sflag:s29] =	ssyncset.done $0x0  }
0xb7: {  	s0 =	sshll.u32 s17, $0x6;
	[sflag:s29] =	ssyncadd.s32 $0xFFFFC000  }
0xb8: {  	s18 =	sshrl.u32 s9, $0x3;
	s0 =	sor.u32 $0x1C09, s0;
	[bflag:$0x0] =	sbarrier.arrive $0xFFFF  }
0xb9: {  	[hbm:s24], [sflag:s0] =	dma.local [spmem:s18], $0x2800  }
0xba: {  	_ =	swait.ge [sflag:s20], $0x2800  }
0xbb: {  	s30 =	sadd.s32 $0x1, s30;
	s31 =	rddreg [dreg:$0xc]  }
0xbc: {  	p0 =	sne.s32 s30, s31  }
.Ltmp3:
0xbd: {  	_ = 	snop;
	(pc) =	sbr.rel @p0 .LBB2_1-.Ltmp3, $3  }
0xbe: {  	_ =	sdelay $0x1  }
0xbf: {  	[sflag:s20] =	ssyncset.done $0x0  }
0xc0: {  	[sflag:s20] =	ssyncadd.s32 $0xFFFFD800  }
0xc1: {  	_ =	sfence.sel $0x180000  }
0xc2: {  	[bflag:$0x0] =	sbarrier.arrive $0xFFFF  }
0xc3: {  	_ =	strace $0x9000004A  }
0xc4: {  	s0 =	stileid.u32;
	[bflag:$0x2] =	sbarrier.arrive $0xFFFF  }
0xc5: {  	p0 =	sne.s32 s0, $0x0;
	s0 =	rddreg [dreg:$0x3]  }
0xc6: {  	s0 =	sadd.s32 @!p0 $0x100000, s0  }
0xc7: {  	[sflag:s0] =	ssyncadd.tile.s32 @!p0 $0x1;
	_ =	shalt  }
.Lfunc_end2:
_tile_overlayer_lowered:
.L_overlay_start_2:
0xc8: {  	(tag) =	ssettag $0x2  }
0xc9: {  	s0 =	rddreg [dreg:$0x0];
	s2 =	stileid.u32  }
0xca: {  	s1 =	rddreg [dreg:$0x1];
	p0 =	sne.s32 s2, $0x0  }
0xcb: {  	s3 =	rddreg [dreg:$0x2];
	[bflag:$0x3] =	sbarrier.arrive $0xFFFF;
	s2 =	simm.s32 @!p0 $0x1C09  }
0xcc: {  	[timem:s3], [sflag:s2] =	dma.local @!p0 [hbm:s0], s1  }
0xcd: {  	s0 =	simm.s32 @!p0 $0x9  }
0xce: {  	_ =	swait.ge @!p0 [sflag:s0], s1  }
0xcf: {  	s1 =	ssub.s32 @!p0 $0x0, s1;
	[sflag:s0] =	ssyncset.done @!p0 $0x0  }
0xd0: {  	[sflag:s0] =	ssyncadd.s32 @!p0 s1  }
0xd1: {  	[bflag:$0x3] =	sbarrier.arrive $0xFFFF  }
0xd2: {  	_ =	shalt  }

</sc_bundles>
